<compile_context>
chip_gen: v7x
topology: tpu7x:2x2x1
jax: 0.10.2.dev20260603
libtpu: 0.0.44.dev20260713+nightly
codegen_flags: <defaults>
</compile_context>

<pallas_src>
import jax
import jax.numpy as jnp
from jax import lax
from jax.experimental import pallas as pl
from jax.experimental.pallas import tpu as pltpu
from jax.experimental.pallas import tpu_sc as plsc

_D = 64
_V = 49
_VD = _V * _D
_REP = 3137
_BATCH = 16384
_HIST = 200
_NC = 2
_NS = 16
_NW = _NC * _NS
_BB = 128
_TI = 8
_TO = 2
_NBLK = _BATCH // _BB // _NW
_NTC = _HIST // _TI
_NQ = _NBLK * _NTC


def _body(idx_hbm, table_hbm, out_hbm, stage_v, rep_v, idx_v0, idx_v1,
          rows_v0, rows_v1, idx_sem, out_sem):
    idx_bufs = (idx_v0, idx_v1)
    row_bufs = (rows_v0, rows_v1)
    wid = lax.axis_index("s") * _NC + lax.axis_index("c")
    wb0 = wid * (_NBLK * _BB)
    iota = lax.iota(jnp.int32, 16)
    lane_off = iota * _REP

    pltpu.sync_copy(table_hbm, stage_v)

    @plsc.parallel_loop(0, _VD // 16, step=1, unroll=2)
    def _build(m):
        x = stage_v[pl.ds(m * 16, 16)]
        dst = iota + m * 16
        for k in range(16):
            plsc.store_scatter(rep_v, [dst + k * _REP], x)

    def chunk_coords(q):
        blk = q // _NTC
        t0 = (q % _NTC) * _TI
        b0 = wb0 + blk * _BB
        return t0, b0

    def idx_start(q, qb):
        t0, b0 = chunk_coords(q)
        return pltpu.make_async_copy(
            idx_hbm.at[pl.ds(t0, _TI), pl.ds(b0, _BB)], idx_bufs[qb],
            idx_sem.at[qb])

    idx_start(0, 0).start()
    idx_start(1, 1).start()

    def compute(qb, h, rb):
        for tt in range(_TO):
            tl = h * _TO + tt
            pats = [idx_bufs[qb][tl, pl.ds(bg * 16, 16)] * _D + lane_off
                    for bg in range(_BB // 16)]

            @plsc.parallel_loop(0, _D, step=1, unroll=1)
            def j_step(j):
                for bg in range(_BB // 16):
                    x = plsc.load_gather(rep_v, [pats[bg] + j])
                    row_bufs[rb][tt, j, pl.ds(bg * 16, 16)] = x

    def q_step(q2, carry):
        for qb in range(2):
            q = q2 * 2 + qb
            t0, b0 = chunk_coords(q)
            idx_start(q, qb).wait()

            def h_step(h2, c2):
                for hh in range(2):
                    h = h2 * 2 + hh
                    rb = hh
                    dst = out_hbm.at[pl.ds(t0 + h * _TO, _TO), :,
                                     pl.ds(b0, _BB)]

                    def _wait_out():
                        pltpu.make_async_copy(row_bufs[rb], dst,
                                              out_sem.at[rb]).wait()

                    if qb == 0:
                        pl.when(jnp.logical_or(q2 >= 1, h2 >= 1))(_wait_out)
                    else:
                        _wait_out()

                    compute(qb, h, rb)
                    pltpu.async_copy(row_bufs[rb], dst, out_sem.at[rb])
                return c2

            lax.fori_loop(0, _TI // _TO // 2, h_step, 0)

            @pl.when(q2 < _NQ // 2 - 1)
            def _prefetch_idx():
                idx_start(q + 2, qb).start()
        return carry

    lax.fori_loop(0, _NQ // 2, q_step, 0)

    for rb in range(2):
        pltpu.make_async_copy(
            row_bufs[rb],
            out_hbm.at[pl.ds(0, _TO), :, pl.ds(wb0, _BB)],
            out_sem.at[rb]).wait()


_mesh = plsc.VectorSubcoreMesh(core_axis_name="c", subcore_axis_name="s")

_gather = pl.kernel(
    _body,
    out_type=jax.ShapeDtypeStruct((_HIST, _D, _BATCH), jnp.float32),
    mesh=_mesh,
    compiler_params=pltpu.CompilerParams(needs_layout_passes=False),
    scratch_types=[
        pltpu.VMEM((_VD,), jnp.float32),
        pltpu.VMEM((16 * _REP,), jnp.float32),
        pltpu.VMEM((_TI, _BB), jnp.int32),
        pltpu.VMEM((_TI, _BB), jnp.int32),
        pltpu.VMEM((_TO, _D, _BB), jnp.float32),
        pltpu.VMEM((_TO, _D, _BB), jnp.float32),
        pltpu.SemaphoreType.DMA((2,)),
        pltpu.SemaphoreType.DMA((2,)),
    ],
)


def kernel(time, table):
    idx_t = jnp.transpose(time)
    out_phys = _gather(idx_t, table.reshape(_VD))
    return jnp.transpose(out_phys, (2, 0, 1))

# --- scband reference (transcript-rebuilt; emitter-appended) ---
"""Pipeline reference for scband-time-embedding-model-19920058319186 (READ-ONLY COPY).

The authoritative reference and input builder live on the scoring server;
editing this copy changes nothing except your own understanding.
"""

import jax, jax.numpy as jnp
import numpy as np

EMBED_SIZE = 64
NUM_EMBEDDINGS = 49  # 48 + 1 (<PAD> at 0)
BATCH = 16384
HIST_LEN = 200

def setup_inputs(seed: int = 0) -> dict:
    key = jax.random.key(seed)
    k1, k2 = jax.random.split(key)
    time = jax.random.randint(k1, (BATCH, HIST_LEN), 0, NUM_EMBEDDINGS, dtype=jnp.int64 if jax.config.jax_enable_x64 else jnp.int32)
    table = jax.random.normal(k2, (NUM_EMBEDDINGS, EMBED_SIZE), dtype=jnp.float32)
    return {"time": time, "table": table}

def reference(time, table):
    # nn.Embedding lookup: embed = table[time]
    embed = jnp.take(table, time, axis=0)
    return embed

if __name__ == "__main__":
    import jax
    _d = setup_inputs()
    print(jax.jit(kernel)(*tuple(_d.values())))

</pallas_src>

<mosaic_0001>
#map = affine_map<(d0, d1) -> (0, 0)>
#map1 = affine_map<(d0, d1) -> (0)>
#map2 = affine_map<(d0, d1) -> (0, 0, 0)>
module attributes {stable_mosaic.version = 14 : i64} {
  func.func @_body(%arg0: i32, %arg1: i32, %arg2: memref<200x16384xi32, #tpu.memory_space<hbm>>, %arg3: memref<3136xf32, #tpu.memory_space<hbm>>, %arg4: memref<200x64x16384xf32, #tpu.memory_space<hbm>>, %arg5: memref<3136xf32, #tpu.memory_space<vmem>>, %arg6: memref<50192xf32, #tpu.memory_space<vmem>>, %arg7: memref<8x128xi32, #tpu.memory_space<vmem>>, %arg8: memref<8x128xi32, #tpu.memory_space<vmem>>, %arg9: memref<2x64x128xf32, #tpu.memory_space<vmem>>, %arg10: memref<2x64x128xf32, #tpu.memory_space<vmem>>, %arg11: memref<2x!tpu.dma_semaphore, #tpu.memory_space<semaphore_mem>>, %arg12: memref<2x!tpu.dma_semaphore, #tpu.memory_space<semaphore_mem>>) attributes {dimension_semantics = [#tpu.dimension_semantics<core_parallel>, #tpu.dimension_semantics<subcore_parallel>], iteration_bounds = array<i64: 2, 16>, scalar_prefetch = 0 : i64, scratch_operands = 8 : i64, tpu.core_type = #tpu.core_type<sc_vector_subcore>, window_params = [{transform_indices = #map}, {transform_indices = #map1}, {transform_indices = #map2}]} {
    %mul3A = arith.constant 2 : i32
    %mul3A_0 = arith.muli %arg1, %mul3A : i32
    %add3A = arith.addi %mul3A_0, %arg0 : i32
    %mul3A_1 = arith.constant 512 : i32
    %mul3A_2 = arith.muli %add3A, %mul3A_1 : i32
    %iota3A = tpu.iota {dimensions = array<i32: 0>} : vector<16xi32>
    %mul3A_3 = arith.constant 3137 : i32
    %mul3A_4 = vector.broadcast %mul3A_3 : i32 to vector<16xi32>
    %mul3A_5 = arith.muli %iota3A, %mul3A_4 : vector<16xi32>
    "tpu.region"() ({
      %run_scoped3A = tpu.sem_alloc : memref<!tpu.dma_semaphore, #tpu.memory_space<semaphore_mem>>
      tpu.enqueue_dma source(%arg3 : memref<3136xf32, #tpu.memory_space<hbm>>) target(%arg5 : memref<3136xf32, #tpu.memory_space<vmem>>) target_semaphore(%run_scoped3A : memref<!tpu.dma_semaphore, #tpu.memory_space<semaphore_mem>>)
      tpu.wait_dma2 semaphore(%run_scoped3A : memref<!tpu.dma_semaphore, #tpu.memory_space<semaphore_mem>>) src(%arg3 : memref<3136xf32, #tpu.memory_space<hbm>>) dst(%arg5 : memref<3136xf32, #tpu.memory_space<vmem>>)
      tpu.yield
    }) : () -> ()
    %parallel_loop3A = arith.constant 0 : i32
    %parallel_loop3A_6 = arith.constant 196 : i32
    %parallel_loop3A_7 = arith.constant 1 : i32
    scf.for %parallel_loop3A_47 = %parallel_loop3A to %parallel_loop3A_6 step %parallel_loop3A_7  : i32 {
      %parallel_loop3A_48 = arith.constant 16 : i32
      %parallel_loop3A_49 = arith.muli %parallel_loop3A_47, %parallel_loop3A_48 : i32
      %parallel_loop3A_50 = arith.index_cast %parallel_loop3A_49 : i32 to index
      %parallel_loop3A_51 = tpu.vector_load %arg5[%parallel_loop3A_50] {strides = array<i32>} : memref<3136xf32, #tpu.memory_space<vmem>>, vector<16xf32>,
      %parallel_loop3A_52 = arith.constant 16 : i32
      %parallel_loop3A_53 = arith.muli %parallel_loop3A_47, %parallel_loop3A_52 : i32
      %parallel_loop3A_54 = vector.broadcast %parallel_loop3A_53 : i32 to vector<16xi32>
      %parallel_loop3A_55 = arith.addi %iota3A, %parallel_loop3A_54 : vector<16xi32>
      %parallel_loop3A_56 = arith.constant 0 : i32
      %parallel_loop3A_57 = vector.broadcast %parallel_loop3A_56 : i32 to vector<16xi32>
      %parallel_loop3A_58 = arith.addi %parallel_loop3A_55, %parallel_loop3A_57 : vector<16xi32>
      tpu.vector_store_idx %arg6[%parallel_loop3A_58], %parallel_loop3A_51 : memref<50192xf32, #tpu.memory_space<vmem>>[vector<16xi32>], vector<16xf32>,
      %parallel_loop3A_59 = arith.constant 3137 : i32
      %parallel_loop3A_60 = vector.broadcast %parallel_loop3A_59 : i32 to vector<16xi32>
      %parallel_loop3A_61 = arith.addi %parallel_loop3A_55, %parallel_loop3A_60 : vector<16xi32>
      tpu.vector_store_idx %arg6[%parallel_loop3A_61], %parallel_loop3A_51 : memref<50192xf32, #tpu.memory_space<vmem>>[vector<16xi32>], vector<16xf32>,
      %parallel_loop3A_62 = arith.constant 6274 : i32
      %parallel_loop3A_63 = vector.broadcast %parallel_loop3A_62 : i32 to vector<16xi32>
      %parallel_loop3A_64 = arith.addi %parallel_loop3A_55, %parallel_loop3A_63 : vector<16xi32>
      tpu.vector_store_idx %arg6[%parallel_loop3A_64], %parallel_loop3A_51 : memref<50192xf32, #tpu.memory_space<vmem>>[vector<16xi32>], vector<16xf32>,
      %parallel_loop3A_65 = arith.constant 9411 : i32
      %parallel_loop3A_66 = vector.broadcast %parallel_loop3A_65 : i32 to vector<16xi32>
      %parallel_loop3A_67 = arith.addi %parallel_loop3A_55, %parallel_loop3A_66 : vector<16xi32>
      tpu.vector_store_idx %arg6[%parallel_loop3A_67], %parallel_loop3A_51 : memref<50192xf32, #tpu.memory_space<vmem>>[vector<16xi32>], vector<16xf32>,
      %parallel_loop3A_68 = arith.constant 12548 : i32
      %parallel_loop3A_69 = vector.broadcast %parallel_loop3A_68 : i32 to vector<16xi32>
      %parallel_loop3A_70 = arith.addi %parallel_loop3A_55, %parallel_loop3A_69 : vector<16xi32>
      tpu.vector_store_idx %arg6[%parallel_loop3A_70], %parallel_loop3A_51 : memref<50192xf32, #tpu.memory_space<vmem>>[vector<16xi32>], vector<16xf32>,
      %parallel_loop3A_71 = arith.constant 15685 : i32
      %parallel_loop3A_72 = vector.broadcast %parallel_loop3A_71 : i32 to vector<16xi32>
      %parallel_loop3A_73 = arith.addi %parallel_loop3A_55, %parallel_loop3A_72 : vector<16xi32>
      tpu.vector_store_idx %arg6[%parallel_loop3A_73], %parallel_loop3A_51 : memref<50192xf32, #tpu.memory_space<vmem>>[vector<16xi32>], vector<16xf32>,
      %parallel_loop3A_74 = arith.constant 18822 : i32
      %parallel_loop3A_75 = vector.broadcast %parallel_loop3A_74 : i32 to vector<16xi32>
      %parallel_loop3A_76 = arith.addi %parallel_loop3A_55, %parallel_loop3A_75 : vector<16xi32>
      tpu.vector_store_idx %arg6[%parallel_loop3A_76], %parallel_loop3A_51 : memref<50192xf32, #tpu.memory_space<vmem>>[vector<16xi32>], vector<16xf32>,
      %parallel_loop3A_77 = arith.constant 21959 : i32
      %parallel_loop3A_78 = vector.broadcast %parallel_loop3A_77 : i32 to vector<16xi32>
      %parallel_loop3A_79 = arith.addi %parallel_loop3A_55, %parallel_loop3A_78 : vector<16xi32>
      tpu.vector_store_idx %arg6[%parallel_loop3A_79], %parallel_loop3A_51 : memref<50192xf32, #tpu.memory_space<vmem>>[vector<16xi32>], vector<16xf32>,
      %parallel_loop3A_80 = arith.constant 25096 : i32
      %parallel_loop3A_81 = vector.broadcast %parallel_loop3A_80 : i32 to vector<16xi32>
      %parallel_loop3A_82 = arith.addi %parallel_loop3A_55, %parallel_loop3A_81 : vector<16xi32>
      tpu.vector_store_idx %arg6[%parallel_loop3A_82], %parallel_loop3A_51 : memref<50192xf32, #tpu.memory_space<vmem>>[vector<16xi32>], vector<16xf32>,
      %parallel_loop3A_83 = arith.constant 28233 : i32
      %parallel_loop3A_84 = vector.broadcast %parallel_loop3A_83 : i32 to vector<16xi32>
      %parallel_loop3A_85 = arith.addi %parallel_loop3A_55, %parallel_loop3A_84 : vector<16xi32>
      tpu.vector_store_idx %arg6[%parallel_loop3A_85], %parallel_loop3A_51 : memref<50192xf32, #tpu.memory_space<vmem>>[vector<16xi32>], vector<16xf32>,
      %parallel_loop3A_86 = arith.constant 31370 : i32
      %parallel_loop3A_87 = vector.broadcast %parallel_loop3A_86 : i32 to vector<16xi32>
      %parallel_loop3A_88 = arith.addi %parallel_loop3A_55, %parallel_loop3A_87 : vector<16xi32>
      tpu.vector_store_idx %arg6[%parallel_loop3A_88], %parallel_loop3A_51 : memref<50192xf32, #tpu.memory_space<vmem>>[vector<16xi32>], vector<16xf32>,
      %parallel_loop3A_89 = arith.constant 34507 : i32
      %parallel_loop3A_90 = vector.broadcast %parallel_loop3A_89 : i32 to vector<16xi32>
      %parallel_loop3A_91 = arith.addi %parallel_loop3A_55, %parallel_loop3A_90 : vector<16xi32>
      tpu.vector_store_idx %arg6[%parallel_loop3A_91], %parallel_loop3A_51 : memref<50192xf32, #tpu.memory_space<vmem>>[vector<16xi32>], vector<16xf32>,
      %parallel_loop3A_92 = arith.constant 37644 : i32
      %parallel_loop3A_93 = vector.broadcast %parallel_loop3A_92 : i32 to vector<16xi32>
      %parallel_loop3A_94 = arith.addi %parallel_loop3A_55, %parallel_loop3A_93 : vector<16xi32>
      tpu.vector_store_idx %arg6[%parallel_loop3A_94], %parallel_loop3A_51 : memref<50192xf32, #tpu.memory_space<vmem>>[vector<16xi32>], vector<16xf32>,
      %parallel_loop3A_95 = arith.constant 40781 : i32
      %parallel_loop3A_96 = vector.broadcast %parallel_loop3A_95 : i32 to vector<16xi32>
      %parallel_loop3A_97 = arith.addi %parallel_loop3A_55, %parallel_loop3A_96 : vector<16xi32>
      tpu.vector_store_idx %arg6[%parallel_loop3A_97], %parallel_loop3A_51 : memref<50192xf32, #tpu.memory_space<vmem>>[vector<16xi32>], vector<16xf32>,
      %parallel_loop3A_98 = arith.constant 43918 : i32
      %parallel_loop3A_99 = vector.broadcast %parallel_loop3A_98 : i32 to vector<16xi32>
      %parallel_loop3A_100 = arith.addi %parallel_loop3A_55, %parallel_loop3A_99 : vector<16xi32>
      tpu.vector_store_idx %arg6[%parallel_loop3A_100], %parallel_loop3A_51 : memref<50192xf32, #tpu.memory_space<vmem>>[vector<16xi32>], vector<16xf32>,
      %parallel_loop3A_101 = arith.constant 47055 : i32
      %parallel_loop3A_102 = vector.broadcast %parallel_loop3A_101 : i32 to vector<16xi32>
      %parallel_loop3A_103 = arith.addi %parallel_loop3A_55, %parallel_loop3A_102 : vector<16xi32>
      tpu.vector_store_idx %arg6[%parallel_loop3A_103], %parallel_loop3A_51 : memref<50192xf32, #tpu.memory_space<vmem>>[vector<16xi32>], vector<16xf32>,
    } {sc.loop_unroll_factor = 2 : i64, sc.parallel_access}
    %add3A_8 = arith.constant 0 : i32
    %add3A_9 = arith.addi %mul3A_2, %add3A_8 : i32
    %dma_start3A = arith.constant 0 : i32
    %dma_start3A_10 = arith.constant 0 : i32
    %dma_start3A_11 = tpu.memref_slice %arg2[%dma_start3A_10, %add3A_9] : memref<200x16384xi32, #tpu.memory_space<hbm>> -> memref<8x128xi32, #tpu.memory_space<hbm>>
    %dma_start3A_12 = tpu.memref_slice %arg11[%dma_start3A] : memref<2x!tpu.dma_semaphore, #tpu.memory_space<semaphore_mem>> -> memref<1x!tpu.dma_semaphore, #tpu.memory_space<semaphore_mem>>
    %dma_start3A_13 = tpu.memref_squeeze %dma_start3A_12 : memref<1x!tpu.dma_semaphore, #tpu.memory_space<semaphore_mem>> -> memref<!tpu.dma_semaphore, #tpu.memory_space<semaphore_mem>>
    %dma_start3A_14 = arith.constant 0 : i32
    %dma_start3A_15 = tpu.memref_slice %arg2[%dma_start3A_14, %add3A_9] : memref<200x16384xi32, #tpu.memory_space<hbm>> -> memref<8x128xi32, #tpu.memory_space<hbm>>
    tpu.enqueue_dma source(%dma_start3A_15 : memref<8x128xi32, #tpu.memory_space<hbm>>) target(%arg7 : memref<8x128xi32, #tpu.memory_space<vmem>>) target_semaphore(%dma_start3A_13 : memref<!tpu.dma_semaphore, #tpu.memory_space<semaphore_mem>>)
    %add3A_16 = arith.constant 0 : i32
    %add3A_17 = arith.addi %mul3A_2, %add3A_16 : i32
    %dma_start3A_18 = arith.constant 1 : i32
    %dma_start3A_19 = arith.constant 8 : i32
    %dma_start3A_20 = tpu.memref_slice %arg2[%dma_start3A_19, %add3A_17] : memref<200x16384xi32, #tpu.memory_space<hbm>> -> memref<8x128xi32, #tpu.memory_space<hbm>>
    %dma_start3A_21 = tpu.memref_slice %arg11[%dma_start3A_18] : memref<2x!tpu.dma_semaphore, #tpu.memory_space<semaphore_mem>> -> memref<1x!tpu.dma_semaphore, #tpu.memory_space<semaphore_mem>>
    %dma_start3A_22 = tpu.memref_squeeze %dma_start3A_21 : memref<1x!tpu.dma_semaphore, #tpu.memory_space<semaphore_mem>> -> memref<!tpu.dma_semaphore, #tpu.memory_space<semaphore_mem>>
    %dma_start3A_23 = arith.constant 8 : i32
    %dma_start3A_24 = tpu.memref_slice %arg2[%dma_start3A_23, %add3A_17] : memref<200x16384xi32, #tpu.memory_space<hbm>> -> memref<8x128xi32, #tpu.memory_space<hbm>>
    tpu.enqueue_dma source(%dma_start3A_24 : memref<8x128xi32, #tpu.memory_space<hbm>>) target(%arg8 : memref<8x128xi32, #tpu.memory_space<vmem>>) target_semaphore(%dma_start3A_22 : memref<!tpu.dma_semaphore, #tpu.memory_space<semaphore_mem>>)
    %scan3A = arith.constant 0 : i32
    %scan3A_25 = arith.constant 0 : i32
    %scan3A_26 = arith.constant 50 : i32
    %scan3A_27 = arith.addi %scan3A_25, %scan3A_26 : i32
    %scan3A_28 = arith.constant 1 : i32
    scf.for %scan3A_47 = %scan3A_25 to %scan3A_27 step %scan3A_28  : i32 {
      %mul3A_48 = arith.constant 2 : i32
      %mul3A_49 = arith.muli %scan3A_47, %mul3A_48 : i32
      %add3A_50 = arith.constant 0 : i32
      %add3A_51 = arith.addi %mul3A_49, %add3A_50 : i32
      %jit3A = arith.constant 25 : i32
      %div3A = arith.divsi %add3A_51, %jit3A : i32
      %sign3A = arith.constant 0 : i32
      %sign3A_52 = arith.cmpi sgt, %add3A_51, %sign3A : i32
      %sign3A_53 = arith.extui %sign3A_52 : i1 to i32
      %sign3A_54 = arith.constant 0 : i32
      %sign3A_55 = arith.cmpi slt, %add3A_51, %sign3A_54 : i32
      %sign3A_56 = arith.extui %sign3A_55 : i1 to i32
      %sign3A_57 = arith.subi %sign3A_53, %sign3A_56 : i32
      %sign3A_58 = arith.constant 0 : i32
      %sign3A_59 = arith.cmpi sgt, %jit3A, %sign3A_58 : i32
      %sign3A_60 = arith.extui %sign3A_59 : i1 to i32
      %sign3A_61 = arith.constant 0 : i32
      %sign3A_62 = arith.cmpi slt, %jit3A, %sign3A_61 : i32
      %sign3A_63 = arith.extui %sign3A_62 : i1 to i32
      %sign3A_64 = arith.subi %sign3A_60, %sign3A_63 : i32
      %ne3A = arith.cmpi ne, %sign3A_57, %sign3A_64 : i32
      %rem3A = arith.remsi %add3A_51, %jit3A : i32
      %ne3A_65 = arith.constant 0 : i32
      %ne3A_66 = arith.cmpi ne, %rem3A, %ne3A_65 : i32
      %and3A = arith.andi %ne3A, %ne3A_66 : i1
      %sub3A = arith.constant 1 : i32
      %sub3A_67 = arith.subi %div3A, %sub3A : i32
      %select_n3A = arith.select %and3A, %sub3A_67, %div3A : i32
      %jit3A_68 = arith.constant 25 : i32
      %eq3A = arith.constant 0 : i32
      %eq3A_69 = arith.cmpi eq, %jit3A_68, %eq3A : i32
      %jit3A_70 = arith.constant 1 : i32
      %select_n3A_71 = arith.select %eq3A_69, %jit3A_70, %jit3A_68 : i32
      %rem3A_72 = arith.remsi %add3A_51, %select_n3A_71 : i32
      %ne3A_73 = arith.constant 0 : i32
      %ne3A_74 = arith.cmpi ne, %rem3A_72, %ne3A_73 : i32
      %lt3A = arith.constant 0 : i32
      %lt3A_75 = arith.cmpi slt, %rem3A_72, %lt3A : i32
      %lt3A_76 = arith.constant 0 : i32
      %lt3A_77 = arith.cmpi slt, %select_n3A_71, %lt3A_76 : i32
      %ne3A_78 = arith.xori %lt3A_75, %lt3A_77 : i1
      %and3A_79 = arith.andi %ne3A_78, %ne3A_74 : i1
      %add3A_80 = arith.addi %rem3A_72, %select_n3A_71 : i32
      %select_n3A_81 = arith.select %and3A_79, %add3A_80, %rem3A_72 : i32
      %mul3A_82 = arith.constant 8 : i32
      %mul3A_83 = arith.muli %select_n3A_81, %mul3A_82 : i32
      %mul3A_84 = arith.constant 128 : i32
      %mul3A_85 = arith.muli %select_n3A, %mul3A_84 : i32
      %add3A_86 = arith.addi %mul3A_2, %mul3A_85 : i32
      %jit3A_87 = arith.constant 25 : i32
      %div3A_88 = arith.divsi %add3A_51, %jit3A_87 : i32
      %sign3A_89 = arith.constant 0 : i32
      %sign3A_90 = arith.cmpi sgt, %add3A_51, %sign3A_89 : i32
      %sign3A_91 = arith.extui %sign3A_90 : i1 to i32
      %sign3A_92 = arith.constant 0 : i32
      %sign3A_93 = arith.cmpi slt, %add3A_51, %sign3A_92 : i32
      %sign3A_94 = arith.extui %sign3A_93 : i1 to i32
      %sign3A_95 = arith.subi %sign3A_91, %sign3A_94 : i32
      %sign3A_96 = arith.constant 0 : i32
      %sign3A_97 = arith.cmpi sgt, %jit3A_87, %sign3A_96 : i32
      %sign3A_98 = arith.extui %sign3A_97 : i1 to i32
      %sign3A_99 = arith.constant 0 : i32
      %sign3A_100 = arith.cmpi slt, %jit3A_87, %sign3A_99 : i32
      %sign3A_101 = arith.extui %sign3A_100 : i1 to i32
      %sign3A_102 = arith.subi %sign3A_98, %sign3A_101 : i32
      %ne3A_103 = arith.cmpi ne, %sign3A_95, %sign3A_102 : i32
      %rem3A_104 = arith.remsi %add3A_51, %jit3A_87 : i32
      %ne3A_105 = arith.constant 0 : i32
      %ne3A_106 = arith.cmpi ne, %rem3A_104, %ne3A_105 : i32
      %and3A_107 = arith.andi %ne3A_103, %ne3A_106 : i1
      %sub3A_108 = arith.constant 1 : i32
      %sub3A_109 = arith.subi %div3A_88, %sub3A_108 : i32
      %select_n3A_110 = arith.select %and3A_107, %sub3A_109, %div3A_88 : i32
      %jit3A_111 = arith.constant 25 : i32
      %eq3A_112 = arith.constant 0 : i32
      %eq3A_113 = arith.cmpi eq, %jit3A_111, %eq3A_112 : i32
      %jit3A_114 = arith.constant 1 : i32
      %select_n3A_115 = arith.select %eq3A_113, %jit3A_114, %jit3A_111 : i32
      %rem3A_116 = arith.remsi %add3A_51, %select_n3A_115 : i32
      %ne3A_117 = arith.constant 0 : i32
      %ne3A_118 = arith.cmpi ne, %rem3A_116, %ne3A_117 : i32
      %lt3A_119 = arith.constant 0 : i32
      %lt3A_120 = arith.cmpi slt, %rem3A_116, %lt3A_119 : i32
      %lt3A_121 = arith.constant 0 : i32
      %lt3A_122 = arith.cmpi slt, %select_n3A_115, %lt3A_121 : i32
      %ne3A_123 = arith.xori %lt3A_120, %lt3A_122 : i1
      %and3A_124 = arith.andi %ne3A_123, %ne3A_118 : i1
      %add3A_125 = arith.addi %rem3A_116, %select_n3A_115 : i32
      %select_n3A_126 = arith.select %and3A_124, %add3A_125, %rem3A_116 : i32
      %mul3A_127 = arith.constant 8 : i32
      %mul3A_128 = arith.muli %select_n3A_126, %mul3A_127 : i32
      %mul3A_129 = arith.constant 128 : i32
      %mul3A_130 = arith.muli %select_n3A_110, %mul3A_129 : i32
      %add3A_131 = arith.addi %mul3A_2, %mul3A_130 : i32
      %dma_wait3A_132 = arith.constant 0 : i32
      %dma_wait3A_133 = tpu.memref_slice %arg2[%mul3A_128, %add3A_131] : memref<200x16384xi32, #tpu.memory_space<hbm>> -> memref<8x128xi32, #tpu.memory_space<hbm>>
      %dma_wait3A_134 = tpu.memref_slice %arg11[%dma_wait3A_132] : memref<2x!tpu.dma_semaphore, #tpu.memory_space<semaphore_mem>> -> memref<1x!tpu.dma_semaphore, #tpu.memory_space<semaphore_mem>>
      %dma_wait3A_135 = tpu.memref_squeeze %dma_wait3A_134 : memref<1x!tpu.dma_semaphore, #tpu.memory_space<semaphore_mem>> -> memref<!tpu.dma_semaphore, #tpu.memory_space<semaphore_mem>>
      %dma_wait3A_136 = tpu.memref_slice %arg2[%mul3A_128, %add3A_131] : memref<200x16384xi32, #tpu.memory_space<hbm>> -> memref<8x128xi32, #tpu.memory_space<hbm>>
      tpu.wait_dma2 semaphore(%dma_wait3A_135 : memref<!tpu.dma_semaphore, #tpu.memory_space<semaphore_mem>>) src(%dma_wait3A_136 : memref<8x128xi32, #tpu.memory_space<hbm>>) dst(%arg7 : memref<8x128xi32, #tpu.memory_space<vmem>>)
      %scan3A_137 = arith.constant 0 : i32
      %scan3A_138 = arith.constant 0 : i32
      %scan3A_139 = arith.constant 2 : i32
      %scan3A_140 = arith.addi %scan3A_138, %scan3A_139 : i32
      %scan3A_141 = arith.constant 1 : i32
      scf.for %scan3A_256 = %scan3A_138 to %scan3A_140 step %scan3A_141  : i32 {
        %mul3A_257 = arith.constant 2 : i32
        %mul3A_258 = arith.muli %scan3A_256, %mul3A_257 : i32
        %add3A_259 = arith.constant 0 : i32
        %add3A_260 = arith.addi %mul3A_258, %add3A_259 : i32
        %mul3A_261 = arith.constant 2 : i32
        %mul3A_262 = arith.muli %add3A_260, %mul3A_261 : i32
        %add3A_263 = arith.addi %mul3A_83, %mul3A_262 : i32
        %ge3A = arith.constant 1 : i32
        %ge3A_264 = arith.cmpi sge, %scan3A_47, %ge3A : i32
        %ge3A_265 = arith.constant 1 : i32
        %ge3A_266 = arith.cmpi sge, %scan3A_256, %ge3A_265 : i32
        %or3A = arith.ori %ge3A_264, %ge3A_266 : i1
        %convert_element_type3A_267 = arith.extui %or3A : i1 to i32
        %cond3A_268 = arith.constant 0 : i32
        %cond3A_269 = arith.cmpi ne, %convert_element_type3A_267, %cond3A_268 : i32
        scf.if %cond3A_269 {
          %dma_wait3A_550 = arith.constant 0 : i32
          %dma_wait3A_551 = arith.constant 0 : i32
          %dma_wait3A_552 = tpu.memref_slice %arg4[%add3A_263, %dma_wait3A_551, %add3A_86] : memref<200x64x16384xf32, #tpu.memory_space<hbm>> -> memref<2x64x128xf32, #tpu.memory_space<hbm>>
          %dma_wait3A_553 = tpu.memref_slice %arg12[%dma_wait3A_550] : memref<2x!tpu.dma_semaphore, #tpu.memory_space<semaphore_mem>> -> memref<1x!tpu.dma_semaphore, #tpu.memory_space<semaphore_mem>>
          %dma_wait3A_554 = tpu.memref_squeeze %dma_wait3A_553 : memref<1x!tpu.dma_semaphore, #tpu.memory_space<semaphore_mem>> -> memref<!tpu.dma_semaphore, #tpu.memory_space<semaphore_mem>>
          %dma_wait3A_555 = arith.constant 0 : i32
          %dma_wait3A_556 = tpu.memref_slice %arg4[%add3A_263, %dma_wait3A_555, %add3A_86] : memref<200x64x16384xf32, #tpu.memory_space<hbm>> -> memref<2x64x128xf32, #tpu.memory_space<hbm>>
          tpu.wait_dma2 semaphore(%dma_wait3A_554 : memref<!tpu.dma_semaphore, #tpu.memory_space<semaphore_mem>>) src(%arg9 : memref<2x64x128xf32, #tpu.memory_space<vmem>>) dst(%dma_wait3A_556 : memref<2x64x128xf32, #tpu.memory_space<hbm>>)
        } else {
        }
        %mul3A_270 = arith.constant 2 : i32
        %mul3A_271 = arith.muli %add3A_260, %mul3A_270 : i32
        %add3A_272 = arith.constant 0 : i32
        %add3A_273 = arith.addi %mul3A_271, %add3A_272 : i32
        %get3A = arith.index_cast %add3A_273 : i32 to index
        %get3A_274 = arith.constant 0 : index
        %get3A_275 = tpu.vector_load %arg7[%get3A, %get3A_274] {strides = array<i32>} : memref<8x128xi32, #tpu.memory_space<vmem>>, vector<16xi32>,
        %mul3A_276 = arith.constant 64 : i32
        %mul3A_277 = vector.broadcast %mul3A_276 : i32 to vector<16xi32>
        %mul3A_278 = arith.muli %get3A_275, %mul3A_277 : vector<16xi32>
        %add3A_279 = arith.addi %mul3A_278, %mul3A_5 : vector<16xi32>
        %get3A_280 = arith.index_cast %add3A_273 : i32 to index
        %get3A_281 = arith.constant 16 : index
        %get3A_282 = tpu.vector_load %arg7[%get3A_280, %get3A_281] {strides = array<i32>} : memref<8x128xi32, #tpu.memory_space<vmem>>, vector<16xi32>,
        %mul3A_283 = arith.constant 64 : i32
        %mul3A_284 = vector.broadcast %mul3A_283 : i32 to vector<16xi32>
        %mul3A_285 = arith.muli %get3A_282, %mul3A_284 : vector<16xi32>
        %add3A_286 = arith.addi %mul3A_285, %mul3A_5 : vector<16xi32>
        %get3A_287 = arith.index_cast %add3A_273 : i32 to index
        %get3A_288 = arith.constant 32 : index
        %get3A_289 = tpu.vector_load %arg7[%get3A_287, %get3A_288] {strides = array<i32>} : memref<8x128xi32, #tpu.memory_space<vmem>>, vector<16xi32>,
        %mul3A_290 = arith.constant 64 : i32
        %mul3A_291 = vector.broadcast %mul3A_290 : i32 to vector<16xi32>
        %mul3A_292 = arith.muli %get3A_289, %mul3A_291 : vector<16xi32>
        %add3A_293 = arith.addi %mul3A_292, %mul3A_5 : vector<16xi32>
        %get3A_294 = arith.index_cast %add3A_273 : i32 to index
        %get3A_295 = arith.constant 48 : index
        %get3A_296 = tpu.vector_load %arg7[%get3A_294, %get3A_295] {strides = array<i32>} : memref<8x128xi32, #tpu.memory_space<vmem>>, vector<16xi32>,
        %mul3A_297 = arith.constant 64 : i32
        %mul3A_298 = vector.broadcast %mul3A_297 : i32 to vector<16xi32>
        %mul3A_299 = arith.muli %get3A_296, %mul3A_298 : vector<16xi32>
        %add3A_300 = arith.addi %mul3A_299, %mul3A_5 : vector<16xi32>
        %get3A_301 = arith.index_cast %add3A_273 : i32 to index
        %get3A_302 = arith.constant 64 : index
        %get3A_303 = tpu.vector_load %arg7[%get3A_301, %get3A_302] {strides = array<i32>} : memref<8x128xi32, #tpu.memory_space<vmem>>, vector<16xi32>,
        %mul3A_304 = arith.constant 64 : i32
        %mul3A_305 = vector.broadcast %mul3A_304 : i32 to vector<16xi32>
        %mul3A_306 = arith.muli %get3A_303, %mul3A_305 : vector<16xi32>
        %add3A_307 = arith.addi %mul3A_306, %mul3A_5 : vector<16xi32>
        %get3A_308 = arith.index_cast %add3A_273 : i32 to index
        %get3A_309 = arith.constant 80 : index
        %get3A_310 = tpu.vector_load %arg7[%get3A_308, %get3A_309] {strides = array<i32>} : memref<8x128xi32, #tpu.memory_space<vmem>>, vector<16xi32>,
        %mul3A_311 = arith.constant 64 : i32
        %mul3A_312 = vector.broadcast %mul3A_311 : i32 to vector<16xi32>
        %mul3A_313 = arith.muli %get3A_310, %mul3A_312 : vector<16xi32>
        %add3A_314 = arith.addi %mul3A_313, %mul3A_5 : vector<16xi32>
        %get3A_315 = arith.index_cast %add3A_273 : i32 to index
        %get3A_316 = arith.constant 96 : index
        %get3A_317 = tpu.vector_load %arg7[%get3A_315, %get3A_316] {strides = array<i32>} : memref<8x128xi32, #tpu.memory_space<vmem>>, vector<16xi32>,
        %mul3A_318 = arith.constant 64 : i32
        %mul3A_319 = vector.broadcast %mul3A_318 : i32 to vector<16xi32>
        %mul3A_320 = arith.muli %get3A_317, %mul3A_319 : vector<16xi32>
        %add3A_321 = arith.addi %mul3A_320, %mul3A_5 : vector<16xi32>
        %get3A_322 = arith.index_cast %add3A_273 : i32 to index
        %get3A_323 = arith.constant 112 : index
        %get3A_324 = tpu.vector_load %arg7[%get3A_322, %get3A_323] {strides = array<i32>} : memref<8x128xi32, #tpu.memory_space<vmem>>, vector<16xi32>,
        %mul3A_325 = arith.constant 64 : i32
        %mul3A_326 = vector.broadcast %mul3A_325 : i32 to vector<16xi32>
        %mul3A_327 = arith.muli %get3A_324, %mul3A_326 : vector<16xi32>
        %add3A_328 = arith.addi %mul3A_327, %mul3A_5 : vector<16xi32>
        %parallel_loop3A_329 = arith.constant 0 : i32
        %parallel_loop3A_330 = arith.constant 64 : i32
        %parallel_loop3A_331 = arith.constant 1 : i32
        scf.for %parallel_loop3A_550 = %parallel_loop3A_329 to %parallel_loop3A_330 step %parallel_loop3A_331  : i32 {
          %parallel_loop3A_551 = vector.broadcast %parallel_loop3A_550 : i32 to vector<16xi32>
          %parallel_loop3A_552 = arith.addi %add3A_279, %parallel_loop3A_551 : vector<16xi32>
          %parallel_loop3A_553 = tpu.vector_load_idx %arg6[%parallel_loop3A_552] : memref<50192xf32, #tpu.memory_space<vmem>>[vector<16xi32>], vector<16xf32>,
          %parallel_loop3A_554 = arith.constant 0 : i32
          %parallel_loop3A_555 = arith.index_cast %parallel_loop3A_554 : i32 to index
          %parallel_loop3A_556 = arith.index_cast %parallel_loop3A_550 : i32 to index
          %parallel_loop3A_557 = arith.constant 0 : index
          %parallel_loop3A_558 = tpu.vector_load %arg9[%parallel_loop3A_555, %parallel_loop3A_556, %parallel_loop3A_557] {strides = array<i32>} : memref<2x64x128xf32, #tpu.memory_space<vmem>>, vector<16xf32>,
          tpu.vector_store %arg9[%parallel_loop3A_555, %parallel_loop3A_556, %parallel_loop3A_557], %parallel_loop3A_553 {strides = array<i32>} : memref<2x64x128xf32, #tpu.memory_space<vmem>>, vector<16xf32>,
          %parallel_loop3A_559 = vector.broadcast %parallel_loop3A_550 : i32 to vector<16xi32>
          %parallel_loop3A_560 = arith.addi %add3A_286, %parallel_loop3A_559 : vector<16xi32>
          %parallel_loop3A_561 = tpu.vector_load_idx %arg6[%parallel_loop3A_560] : memref<50192xf32, #tpu.memory_space<vmem>>[vector<16xi32>], vector<16xf32>,
          %parallel_loop3A_562 = arith.constant 0 : i32
          %parallel_loop3A_563 = arith.index_cast %parallel_loop3A_562 : i32 to index
          %parallel_loop3A_564 = arith.index_cast %parallel_loop3A_550 : i32 to index
          %parallel_loop3A_565 = arith.constant 16 : index
          %parallel_loop3A_566 = tpu.vector_load %arg9[%parallel_loop3A_563, %parallel_loop3A_564, %parallel_loop3A_565] {strides = array<i32>} : memref<2x64x128xf32, #tpu.memory_space<vmem>>, vector<16xf32>,
          tpu.vector_store %arg9[%parallel_loop3A_563, %parallel_loop3A_564, %parallel_loop3A_565], %parallel_loop3A_561 {strides = array<i32>} : memref<2x64x128xf32, #tpu.memory_space<vmem>>, vector<16xf32>,
          %parallel_loop3A_567 = vector.broadcast %parallel_loop3A_550 : i32 to vector<16xi32>
          %parallel_loop3A_568 = arith.addi %add3A_293, %parallel_loop3A_567 : vector<16xi32>
          %parallel_loop3A_569 = tpu.vector_load_idx %arg6[%parallel_loop3A_568] : memref<50192xf32, #tpu.memory_space<vmem>>[vector<16xi32>], vector<16xf32>,
          %parallel_loop3A_570 = arith.constant 0 : i32
          %parallel_loop3A_571 = arith.index_cast %parallel_loop3A_570 : i32 to index
          %parallel_loop3A_572 = arith.index_cast %parallel_loop3A_550 : i32 to index
          %parallel_loop3A_573 = arith.constant 32 : index
          %parallel_loop3A_574 = tpu.vector_load %arg9[%parallel_loop3A_571, %parallel_loop3A_572, %parallel_loop3A_573] {strides = array<i32>} : memref<2x64x128xf32, #tpu.memory_space<vmem>>, vector<16xf32>,
          tpu.vector_store %arg9[%parallel_loop3A_571, %parallel_loop3A_572, %parallel_loop3A_573], %parallel_loop3A_569 {strides = array<i32>} : memref<2x64x128xf32, #tpu.memory_space<vmem>>, vector<16xf32>,
          %parallel_loop3A_575 = vector.broadcast %parallel_loop3A_550 : i32 to vector<16xi32>
          %parallel_loop3A_576 = arith.addi %add3A_300, %parallel_loop3A_575 : vector<16xi32>
          %parallel_loop3A_577 = tpu.vector_load_idx %arg6[%parallel_loop3A_576] : memref<50192xf32, #tpu.memory_space<vmem>>[vector<16xi32>], vector<16xf32>,
          %parallel_loop3A_578 = arith.constant 0 : i32
          %parallel_loop3A_579 = arith.index_cast %parallel_loop3A_578 : i32 to index
          %parallel_loop3A_580 = arith.index_cast %parallel_loop3A_550 : i32 to index
          %parallel_loop3A_581 = arith.constant 48 : index
          %parallel_loop3A_582 = tpu.vector_load %arg9[%parallel_loop3A_579, %parallel_loop3A_580, %parallel_loop3A_581] {strides = array<i32>} : memref<2x64x128xf32, #tpu.memory_space<vmem>>, vector<16xf32>,
          tpu.vector_store %arg9[%parallel_loop3A_579, %parallel_loop3A_580, %parallel_loop3A_581], %parallel_loop3A_577 {strides = array<i32>} : memref<2x64x128xf32, #tpu.memory_space<vmem>>, vector<16xf32>,
          %parallel_loop3A_583 = vector.broadcast %parallel_loop3A_550 : i32 to vector<16xi32>
          %parallel_loop3A_584 = arith.addi %add3A_307, %parallel_loop3A_583 : vector<16xi32>
          %parallel_loop3A_585 = tpu.vector_load_idx %arg6[%parallel_loop3A_584] : memref<50192xf32, #tpu.memory_space<vmem>>[vector<16xi32>], vector<16xf32>,
          %parallel_loop3A_586 = arith.constant 0 : i32
          %parallel_loop3A_587 = arith.index_cast %parallel_loop3A_586 : i32 to index
          %parallel_loop3A_588 = arith.index_cast %parallel_loop3A_550 : i32 to index
          %parallel_loop3A_589 = arith.constant 64 : index
          %parallel_loop3A_590 = tpu.vector_load %arg9[%parallel_loop3A_587, %parallel_loop3A_588, %parallel_loop3A_589] {strides = array<i32>} : memref<2x64x128xf32, #tpu.memory_space<vmem>>, vector<16xf32>,
          tpu.vector_store %arg9[%parallel_loop3A_587, %parallel_loop3A_588, %parallel_loop3A_589], %parallel_loop3A_585 {strides = array<i32>} : memref<2x64x128xf32, #tpu.memory_space<vmem>>, vector<16xf32>,
          %parallel_loop3A_591 = vector.broadcast %parallel_loop3A_550 : i32 to vector<16xi32>
          %parallel_loop3A_592 = arith.addi %add3A_314, %parallel_loop3A_591 : vector<16xi32>
          %parallel_loop3A_593 = tpu.vector_load_idx %arg6[%parallel_loop3A_592] : memref<50192xf32, #tpu.memory_space<vmem>>[vector<16xi32>], vector<16xf32>,
          %parallel_loop3A_594 = arith.constant 0 : i32
          %parallel_loop3A_595 = arith.index_cast %parallel_loop3A_594 : i32 to index
          %parallel_loop3A_596 = arith.index_cast %parallel_loop3A_550 : i32 to index
          %parallel_loop3A_597 = arith.constant 80 : index
          %parallel_loop3A_598 = tpu.vector_load %arg9[%parallel_loop3A_595, %parallel_loop3A_596, %parallel_loop3A_597] {strides = array<i32>} : memref<2x64x128xf32, #tpu.memory_space<vmem>>, vector<16xf32>,
          tpu.vector_store %arg9[%parallel_loop3A_595, %parallel_loop3A_596, %parallel_loop3A_597], %parallel_loop3A_593 {strides = array<i32>} : memref<2x64x128xf32, #tpu.memory_space<vmem>>, vector<16xf32>,
          %parallel_loop3A_599 = vector.broadcast %parallel_loop3A_550 : i32 to vector<16xi32>
          %parallel_loop3A_600 = arith.addi %add3A_321, %parallel_loop3A_599 : vector<16xi32>
          %parallel_loop3A_601 = tpu.vector_load_idx %arg6[%parallel_loop3A_600] : memref<50192xf32, #tpu.memory_space<vmem>>[vector<16xi32>], vector<16xf32>,
          %parallel_loop3A_602 = arith.constant 0 : i32
          %parallel_loop3A_603 = arith.index_cast %parallel_loop3A_602 : i32 to index
          %parallel_loop3A_604 = arith.index_cast %parallel_loop3A_550 : i32 to index
          %parallel_loop3A_605 = arith.constant 96 : index
          %parallel_loop3A_606 = tpu.vector_load %arg9[%parallel_loop3A_603, %parallel_loop3A_604, %parallel_loop3A_605] {strides = array<i32>} : memref<2x64x128xf32, #tpu.memory_space<vmem>>, vector<16xf32>,
          tpu.vector_store %arg9[%parallel_loop3A_603, %parallel_loop3A_604, %parallel_loop3A_605], %parallel_loop3A_601 {strides = array<i32>} : memref<2x64x128xf32, #tpu.memory_space<vmem>>, vector<16xf32>,
          %parallel_loop3A_607 = vector.broadcast %parallel_loop3A_550 : i32 to vector<16xi32>
          %parallel_loop3A_608 = arith.addi %add3A_328, %parallel_loop3A_607 : vector<16xi32>
          %parallel_loop3A_609 = tpu.vector_load_idx %arg6[%parallel_loop3A_608] : memref<50192xf32, #tpu.memory_space<vmem>>[vector<16xi32>], vector<16xf32>,
          %parallel_loop3A_610 = arith.constant 0 : i32
          %parallel_loop3A_611 = arith.index_cast %parallel_loop3A_610 : i32 to index
          %parallel_loop3A_612 = arith.index_cast %parallel_loop3A_550 : i32 to index
          %parallel_loop3A_613 = arith.constant 112 : index
          %parallel_loop3A_614 = tpu.vector_load %arg9[%parallel_loop3A_611, %parallel_loop3A_612, %parallel_loop3A_613] {strides = array<i32>} : memref<2x64x128xf32, #tpu.memory_space<vmem>>, vector<16xf32>,
          tpu.vector_store %arg9[%parallel_loop3A_611, %parallel_loop3A_612, %parallel_loop3A_613], %parallel_loop3A_609 {strides = array<i32>} : memref<2x64x128xf32, #tpu.memory_space<vmem>>, vector<16xf32>,
        } {sc.loop_unroll_factor = 1 : i64, sc.parallel_access}
        %mul3A_332 = arith.constant 2 : i32
        %mul3A_333 = arith.muli %add3A_260, %mul3A_332 : i32
        %add3A_334 = arith.constant 1 : i32
        %add3A_335 = arith.addi %mul3A_333, %add3A_334 : i32
        %get3A_336 = arith.index_cast %add3A_335 : i32 to index
        %get3A_337 = arith.constant 0 : index
        %get3A_338 = tpu.vector_load %arg7[%get3A_336, %get3A_337] {strides = array<i32>} : memref<8x128xi32, #tpu.memory_space<vmem>>, vector<16xi32>,
        %mul3A_339 = arith.constant 64 : i32
        %mul3A_340 = vector.broadcast %mul3A_339 : i32 to vector<16xi32>
        %mul3A_341 = arith.muli %get3A_338, %mul3A_340 : vector<16xi32>
        %add3A_342 = arith.addi %mul3A_341, %mul3A_5 : vector<16xi32>
        %get3A_343 = arith.index_cast %add3A_335 : i32 to index
        %get3A_344 = arith.constant 16 : index
        %get3A_345 = tpu.vector_load %arg7[%get3A_343, %get3A_344] {strides = array<i32>} : memref<8x128xi32, #tpu.memory_space<vmem>>, vector<16xi32>,
        %mul3A_346 = arith.constant 64 : i32
        %mul3A_347 = vector.broadcast %mul3A_346 : i32 to vector<16xi32>
        %mul3A_348 = arith.muli %get3A_345, %mul3A_347 : vector<16xi32>
        %add3A_349 = arith.addi %mul3A_348, %mul3A_5 : vector<16xi32>
        %get3A_350 = arith.index_cast %add3A_335 : i32 to index
        %get3A_351 = arith.constant 32 : index
        %get3A_352 = tpu.vector_load %arg7[%get3A_350, %get3A_351] {strides = array<i32>} : memref<8x128xi32, #tpu.memory_space<vmem>>, vector<16xi32>,
        %mul3A_353 = arith.constant 64 : i32
        %mul3A_354 = vector.broadcast %mul3A_353 : i32 to vector<16xi32>
        %mul3A_355 = arith.muli %get3A_352, %mul3A_354 : vector<16xi32>
        %add3A_356 = arith.addi %mul3A_355, %mul3A_5 : vector<16xi32>
        %get3A_357 = arith.index_cast %add3A_335 : i32 to index
        %get3A_358 = arith.constant 48 : index
        %get3A_359 = tpu.vector_load %arg7[%get3A_357, %get3A_358] {strides = array<i32>} : memref<8x128xi32, #tpu.memory_space<vmem>>, vector<16xi32>,
        %mul3A_360 = arith.constant 64 : i32
        %mul3A_361 = vector.broadcast %mul3A_360 : i32 to vector<16xi32>
        %mul3A_362 = arith.muli %get3A_359, %mul3A_361 : vector<16xi32>
        %add3A_363 = arith.addi %mul3A_362, %mul3A_5 : vector<16xi32>
        %get3A_364 = arith.index_cast %add3A_335 : i32 to index
        %get3A_365 = arith.constant 64 : index
        %get3A_366 = tpu.vector_load %arg7[%get3A_364, %get3A_365] {strides = array<i32>} : memref<8x128xi32, #tpu.memory_space<vmem>>, vector<16xi32>,
        %mul3A_367 = arith.constant 64 : i32
        %mul3A_368 = vector.broadcast %mul3A_367 : i32 to vector<16xi32>
        %mul3A_369 = arith.muli %get3A_366, %mul3A_368 : vector<16xi32>
        %add3A_370 = arith.addi %mul3A_369, %mul3A_5 : vector<16xi32>
        %get3A_371 = arith.index_cast %add3A_335 : i32 to index
        %get3A_372 = arith.constant 80 : index
        %get3A_373 = tpu.vector_load %arg7[%get3A_371, %get3A_372] {strides = array<i32>} : memref<8x128xi32, #tpu.memory_space<vmem>>, vector<16xi32>,
        %mul3A_374 = arith.constant 64 : i32
        %mul3A_375 = vector.broadcast %mul3A_374 : i32 to vector<16xi32>
        %mul3A_376 = arith.muli %get3A_373, %mul3A_375 : vector<16xi32>
        %add3A_377 = arith.addi %mul3A_376, %mul3A_5 : vector<16xi32>
        %get3A_378 = arith.index_cast %add3A_335 : i32 to index
        %get3A_379 = arith.constant 96 : index
        %get3A_380 = tpu.vector_load %arg7[%get3A_378, %get3A_379] {strides = array<i32>} : memref<8x128xi32, #tpu.memory_space<vmem>>, vector<16xi32>,
        %mul3A_381 = arith.constant 64 : i32
        %mul3A_382 = vector.broadcast %mul3A_381 : i32 to vector<16xi32>
        %mul3A_383 = arith.muli %get3A_380, %mul3A_382 : vector<16xi32>
        %add3A_384 = arith.addi %mul3A_383, %mul3A_5 : vector<16xi32>
        %get3A_385 = arith.index_cast %add3A_335 : i32 to index
        %get3A_386 = arith.constant 112 : index
        %get3A_387 = tpu.vector_load %arg7[%get3A_385, %get3A_386] {strides = array<i32>} : memref<8x128xi32, #tpu.memory_space<vmem>>, vector<16xi32>,
        %mul3A_388 = arith.constant 64 : i32
        %mul3A_389 = vector.broadcast %mul3A_388 : i32 to vector<16xi32>
        %mul3A_390 = arith.muli %get3A_387, %mul3A_389 : vector<16xi32>
        %add3A_391 = arith.addi %mul3A_390, %mul3A_5 : vector<16xi32>
        %parallel_loop3A_392 = arith.constant 0 : i32
        %parallel_loop3A_393 = arith.constant 64 : i32
        %parallel_loop3A_394 = arith.constant 1 : i32
        scf.for %parallel_loop3A_550 = %parallel_loop3A_392 to %parallel_loop3A_393 step %parallel_loop3A_394  : i32 {
          %parallel_loop3A_551 = vector.broadcast %parallel_loop3A_550 : i32 to vector<16xi32>
          %parallel_loop3A_552 = arith.addi %add3A_342, %parallel_loop3A_551 : vector<16xi32>
          %parallel_loop3A_553 = tpu.vector_load_idx %arg6[%parallel_loop3A_552] : memref<50192xf32, #tpu.memory_space<vmem>>[vector<16xi32>], vector<16xf32>,
          %parallel_loop3A_554 = arith.constant 1 : i32
          %parallel_loop3A_555 = arith.index_cast %parallel_loop3A_554 : i32 to index
          %parallel_loop3A_556 = arith.index_cast %parallel_loop3A_550 : i32 to index
          %parallel_loop3A_557 = arith.constant 0 : index
          %parallel_loop3A_558 = tpu.vector_load %arg9[%parallel_loop3A_555, %parallel_loop3A_556, %parallel_loop3A_557] {strides = array<i32>} : memref<2x64x128xf32, #tpu.memory_space<vmem>>, vector<16xf32>,
          tpu.vector_store %arg9[%parallel_loop3A_555, %parallel_loop3A_556, %parallel_loop3A_557], %parallel_loop3A_553 {strides = array<i32>} : memref<2x64x128xf32, #tpu.memory_space<vmem>>, vector<16xf32>,
          %parallel_loop3A_559 = vector.broadcast %parallel_loop3A_550 : i32 to vector<16xi32>
          %parallel_loop3A_560 = arith.addi %add3A_349, %parallel_loop3A_559 : vector<16xi32>
          %parallel_loop3A_561 = tpu.vector_load_idx %arg6[%parallel_loop3A_560] : memref<50192xf32, #tpu.memory_space<vmem>>[vector<16xi32>], vector<16xf32>,
          %parallel_loop3A_562 = arith.constant 1 : i32
          %parallel_loop3A_563 = arith.index_cast %parallel_loop3A_562 : i32 to index
          %parallel_loop3A_564 = arith.index_cast %parallel_loop3A_550 : i32 to index
          %parallel_loop3A_565 = arith.constant 16 : index
          %parallel_loop3A_566 = tpu.vector_load %arg9[%parallel_loop3A_563, %parallel_loop3A_564, %parallel_loop3A_565] {strides = array<i32>} : memref<2x64x128xf32, #tpu.memory_space<vmem>>, vector<16xf32>,
          tpu.vector_store %arg9[%parallel_loop3A_563, %parallel_loop3A_564, %parallel_loop3A_565], %parallel_loop3A_561 {strides = array<i32>} : memref<2x64x128xf32, #tpu.memory_space<vmem>>, vector<16xf32>,
          %parallel_loop3A_567 = vector.broadcast %parallel_loop3A_550 : i32 to vector<16xi32>
          %parallel_loop3A_568 = arith.addi %add3A_356, %parallel_loop3A_567 : vector<16xi32>
          %parallel_loop3A_569 = tpu.vector_load_idx %arg6[%parallel_loop3A_568] : memref<50192xf32, #tpu.memory_space<vmem>>[vector<16xi32>], vector<16xf32>,
          %parallel_loop3A_570 = arith.constant 1 : i32
          %parallel_loop3A_571 = arith.index_cast %parallel_loop3A_570 : i32 to index
          %parallel_loop3A_572 = arith.index_cast %parallel_loop3A_550 : i32 to index
          %parallel_loop3A_573 = arith.constant 32 : index
          %parallel_loop3A_574 = tpu.vector_load %arg9[%parallel_loop3A_571, %parallel_loop3A_572, %parallel_loop3A_573] {strides = array<i32>} : memref<2x64x128xf32, #tpu.memory_space<vmem>>, vector<16xf32>,
          tpu.vector_store %arg9[%parallel_loop3A_571, %parallel_loop3A_572, %parallel_loop3A_573], %parallel_loop3A_569 {strides = array<i32>} : memref<2x64x128xf32, #tpu.memory_space<vmem>>, vector<16xf32>,
          %parallel_loop3A_575 = vector.broadcast %parallel_loop3A_550 : i32 to vector<16xi32>
          %parallel_loop3A_576 = arith.addi %add3A_363, %parallel_loop3A_575 : vector<16xi32>
          %parallel_loop3A_577 = tpu.vector_load_idx %arg6[%parallel_loop3A_576] : memref<50192xf32, #tpu.memory_space<vmem>>[vector<16xi32>], vector<16xf32>,
          %parallel_loop3A_578 = arith.constant 1 : i32
          %parallel_loop3A_579 = arith.index_cast %parallel_loop3A_578 : i32 to index
          %parallel_loop3A_580 = arith.index_cast %parallel_loop3A_550 : i32 to index
          %parallel_loop3A_581 = arith.constant 48 : index
          %parallel_loop3A_582 = tpu.vector_load %arg9[%parallel_loop3A_579, %parallel_loop3A_580, %parallel_loop3A_581] {strides = array<i32>} : memref<2x64x128xf32, #tpu.memory_space<vmem>>, vector<16xf32>,
          tpu.vector_store %arg9[%parallel_loop3A_579, %parallel_loop3A_580, %parallel_loop3A_581], %parallel_loop3A_577 {strides = array<i32>} : memref<2x64x128xf32, #tpu.memory_space<vmem>>, vector<16xf32>,
          %parallel_loop3A_583 = vector.broadcast %parallel_loop3A_550 : i32 to vector<16xi32>
          %parallel_loop3A_584 = arith.addi %add3A_370, %parallel_loop3A_583 : vector<16xi32>
          %parallel_loop3A_585 = tpu.vector_load_idx %arg6[%parallel_loop3A_584] : memref<50192xf32, #tpu.memory_space<vmem>>[vector<16xi32>], vector<16xf32>,
          %parallel_loop3A_586 = arith.constant 1 : i32
          %parallel_loop3A_587 = arith.index_cast %parallel_loop3A_586 : i32 to index
          %parallel_loop3A_588 = arith.index_cast %parallel_loop3A_550 : i32 to index
          %parallel_loop3A_589 = arith.constant 64 : index
          %parallel_loop3A_590 = tpu.vector_load %arg9[%parallel_loop3A_587, %parallel_loop3A_588, %parallel_loop3A_589] {strides = array<i32>} : memref<2x64x128xf32, #tpu.memory_space<vmem>>, vector<16xf32>,
          tpu.vector_store %arg9[%parallel_loop3A_587, %parallel_loop3A_588, %parallel_loop3A_589], %parallel_loop3A_585 {strides = array<i32>} : memref<2x64x128xf32, #tpu.memory_space<vmem>>, vector<16xf32>,
          %parallel_loop3A_591 = vector.broadcast %parallel_loop3A_550 : i32 to vector<16xi32>
          %parallel_loop3A_592 = arith.addi %add3A_377, %parallel_loop3A_591 : vector<16xi32>
          %parallel_loop3A_593 = tpu.vector_load_idx %arg6[%parallel_loop3A_592] : memref<50192xf32, #tpu.memory_space<vmem>>[vector<16xi32>], vector<16xf32>,
          %parallel_loop3A_594 = arith.constant 1 : i32
          %parallel_loop3A_595 = arith.index_cast %parallel_loop3A_594 : i32 to index
          %parallel_loop3A_596 = arith.index_cast %parallel_loop3A_550 : i32 to index
          %parallel_loop3A_597 = arith.constant 80 : index
          %parallel_loop3A_598 = tpu.vector_load %arg9[%parallel_loop3A_595, %parallel_loop3A_596, %parallel_loop3A_597] {strides = array<i32>} : memref<2x64x128xf32, #tpu.memory_space<vmem>>, vector<16xf32>,
          tpu.vector_store %arg9[%parallel_loop3A_595, %parallel_loop3A_596, %parallel_loop3A_597], %parallel_loop3A_593 {strides = array<i32>} : memref<2x64x128xf32, #tpu.memory_space<vmem>>, vector<16xf32>,
          %parallel_loop3A_599 = vector.broadcast %parallel_loop3A_550 : i32 to vector<16xi32>
          %parallel_loop3A_600 = arith.addi %add3A_384, %parallel_loop3A_599 : vector<16xi32>
          %parallel_loop3A_601 = tpu.vector_load_idx %arg6[%parallel_loop3A_600] : memref<50192xf32, #tpu.memory_space<vmem>>[vector<16xi32>], vector<16xf32>,
          %parallel_loop3A_602 = arith.constant 1 : i32
          %parallel_loop3A_603 = arith.index_cast %parallel_loop3A_602 : i32 to index
          %parallel_loop3A_604 = arith.index_cast %parallel_loop3A_550 : i32 to index
          %parallel_loop3A_605 = arith.constant 96 : index
          %parallel_loop3A_606 = tpu.vector_load %arg9[%parallel_loop3A_603, %parallel_loop3A_604, %parallel_loop3A_605] {strides = array<i32>} : memref<2x64x128xf32, #tpu.memory_space<vmem>>, vector<16xf32>,
          tpu.vector_store %arg9[%parallel_loop3A_603, %parallel_loop3A_604, %parallel_loop3A_605], %parallel_loop3A_601 {strides = array<i32>} : memref<2x64x128xf32, #tpu.memory_space<vmem>>, vector<16xf32>,
          %parallel_loop3A_607 = vector.broadcast %parallel_loop3A_550 : i32 to vector<16xi32>
          %parallel_loop3A_608 = arith.addi %add3A_391, %parallel_loop3A_607 : vector<16xi32>
          %parallel_loop3A_609 = tpu.vector_load_idx %arg6[%parallel_loop3A_608] : memref<50192xf32, #tpu.memory_space<vmem>>[vector<16xi32>], vector<16xf32>,
          %parallel_loop3A_610 = arith.constant 1 : i32
          %parallel_loop3A_611 = arith.index_cast %parallel_loop3A_610 : i32 to index
          %parallel_loop3A_612 = arith.index_cast %parallel_loop3A_550 : i32 to index
          %parallel_loop3A_613 = arith.constant 112 : index
          %parallel_loop3A_614 = tpu.vector_load %arg9[%parallel_loop3A_611, %parallel_loop3A_612, %parallel_loop3A_613] {strides = array<i32>} : memref<2x64x128xf32, #tpu.memory_space<vmem>>, vector<16xf32>,
          tpu.vector_store %arg9[%parallel_loop3A_611, %parallel_loop3A_612, %parallel_loop3A_613], %parallel_loop3A_609 {strides = array<i32>} : memref<2x64x128xf32, #tpu.memory_space<vmem>>, vector<16xf32>,
        } {sc.loop_unroll_factor = 1 : i64, sc.parallel_access}
        %dma_start3A_395 = arith.constant 0 : i32
        %dma_start3A_396 = arith.constant 0 : i32
        %dma_start3A_397 = tpu.memref_slice %arg4[%add3A_263, %dma_start3A_396, %add3A_86] : memref<200x64x16384xf32, #tpu.memory_space<hbm>> -> memref<2x64x128xf32, #tpu.memory_space<hbm>>
        %dma_start3A_398 = tpu.memref_slice %arg12[%dma_start3A_395] : memref<2x!tpu.dma_semaphore, #tpu.memory_space<semaphore_mem>> -> memref<1x!tpu.dma_semaphore, #tpu.memory_space<semaphore_mem>>
        %dma_start3A_399 = tpu.memref_squeeze %dma_start3A_398 : memref<1x!tpu.dma_semaphore, #tpu.memory_space<semaphore_mem>> -> memref<!tpu.dma_semaphore, #tpu.memory_space<semaphore_mem>>
        %dma_start3A_400 = arith.constant 0 : i32
        %dma_start3A_401 = tpu.memref_slice %arg4[%add3A_263, %dma_start3A_400, %add3A_86] : memref<200x64x16384xf32, #tpu.memory_space<hbm>> -> memref<2x64x128xf32, #tpu.memory_space<hbm>>
        tpu.enqueue_dma source(%arg9 : memref<2x64x128xf32, #tpu.memory_space<vmem>>) target(%dma_start3A_401 : memref<2x64x128xf32, #tpu.memory_space<hbm>>) target_semaphore(%dma_start3A_399 : memref<!tpu.dma_semaphore, #tpu.memory_space<semaphore_mem>>)
        %mul3A_402 = arith.constant 2 : i32
        %mul3A_403 = arith.muli %scan3A_256, %mul3A_402 : i32
        %add3A_404 = arith.constant 1 : i32
        %add3A_405 = arith.addi %mul3A_403, %add3A_404 : i32
        %mul3A_406 = arith.constant 2 : i32
        %mul3A_407 = arith.muli %add3A_405, %mul3A_406 : i32
        %add3A_408 = arith.addi %mul3A_83, %mul3A_407 : i32
        %ge3A_409 = arith.constant 1 : i32
        %ge3A_410 = arith.cmpi sge, %scan3A_47, %ge3A_409 : i32
        %ge3A_411 = arith.constant 1 : i32
        %ge3A_412 = arith.cmpi sge, %scan3A_256, %ge3A_411 : i32
        %or3A_413 = arith.ori %ge3A_410, %ge3A_412 : i1
        %convert_element_type3A_414 = arith.extui %or3A_413 : i1 to i32
        %cond3A_415 = arith.constant 0 : i32
        %cond3A_416 = arith.cmpi ne, %convert_element_type3A_414, %cond3A_415 : i32
        scf.if %cond3A_416 {
          %dma_wait3A_550 = arith.constant 1 : i32
          %dma_wait3A_551 = arith.constant 0 : i32
          %dma_wait3A_552 = tpu.memref_slice %arg4[%add3A_408, %dma_wait3A_551, %add3A_86] : memref<200x64x16384xf32, #tpu.memory_space<hbm>> -> memref<2x64x128xf32, #tpu.memory_space<hbm>>
          %dma_wait3A_553 = tpu.memref_slice %arg12[%dma_wait3A_550] : memref<2x!tpu.dma_semaphore, #tpu.memory_space<semaphore_mem>> -> memref<1x!tpu.dma_semaphore, #tpu.memory_space<semaphore_mem>>
          %dma_wait3A_554 = tpu.memref_squeeze %dma_wait3A_553 : memref<1x!tpu.dma_semaphore, #tpu.memory_space<semaphore_mem>> -> memref<!tpu.dma_semaphore, #tpu.memory_space<semaphore_mem>>
          %dma_wait3A_555 = arith.constant 0 : i32
          %dma_wait3A_556 = tpu.memref_slice %arg4[%add3A_408, %dma_wait3A_555, %add3A_86] : memref<200x64x16384xf32, #tpu.memory_space<hbm>> -> memref<2x64x128xf32, #tpu.memory_space<hbm>>
          tpu.wait_dma2 semaphore(%dma_wait3A_554 : memref<!tpu.dma_semaphore, #tpu.memory_space<semaphore_mem>>) src(%arg10 : memref<2x64x128xf32, #tpu.memory_space<vmem>>) dst(%dma_wait3A_556 : memref<2x64x128xf32, #tpu.memory_space<hbm>>)
        } else {
        }
        %mul3A_417 = arith.constant 2 : i32
        %mul3A_418 = arith.muli %add3A_405, %mul3A_417 : i32
        %add3A_419 = arith.constant 0 : i32
        %add3A_420 = arith.addi %mul3A_418, %add3A_419 : i32
        %get3A_421 = arith.index_cast %add3A_420 : i32 to index
        %get3A_422 = arith.constant 0 : index
        %get3A_423 = tpu.vector_load %arg7[%get3A_421, %get3A_422] {strides = array<i32>} : memref<8x128xi32, #tpu.memory_space<vmem>>, vector<16xi32>,
        %mul3A_424 = arith.constant 64 : i32
        %mul3A_425 = vector.broadcast %mul3A_424 : i32 to vector<16xi32>
        %mul3A_426 = arith.muli %get3A_423, %mul3A_425 : vector<16xi32>
        %add3A_427 = arith.addi %mul3A_426, %mul3A_5 : vector<16xi32>
        %get3A_428 = arith.index_cast %add3A_420 : i32 to index
        %get3A_429 = arith.constant 16 : index
        %get3A_430 = tpu.vector_load %arg7[%get3A_428, %get3A_429] {strides = array<i32>} : memref<8x128xi32, #tpu.memory_space<vmem>>, vector<16xi32>,
        %mul3A_431 = arith.constant 64 : i32
        %mul3A_432 = vector.broadcast %mul3A_431 : i32 to vector<16xi32>
        %mul3A_433 = arith.muli %get3A_430, %mul3A_432 : vector<16xi32>
        %add3A_434 = arith.addi %mul3A_433, %mul3A_5 : vector<16xi32>
        %get3A_435 = arith.index_cast %add3A_420 : i32 to index
        %get3A_436 = arith.constant 32 : index
        %get3A_437 = tpu.vector_load %arg7[%get3A_435, %get3A_436] {strides = array<i32>} : memref<8x128xi32, #tpu.memory_space<vmem>>, vector<16xi32>,
        %mul3A_438 = arith.constant 64 : i32
        %mul3A_439 = vector.broadcast %mul3A_438 : i32 to vector<16xi32>
        %mul3A_440 = arith.muli %get3A_437, %mul3A_439 : vector<16xi32>
        %add3A_441 = arith.addi %mul3A_440, %mul3A_5 : vector<16xi32>
        %get3A_442 = arith.index_cast %add3A_420 : i32 to index
        %get3A_443 = arith.constant 48 : index
        %get3A_444 = tpu.vector_load %arg7[%get3A_442, %get3A_443] {strides = array<i32>} : memref<8x128xi32, #tpu.memory_space<vmem>>, vector<16xi32>,
        %mul3A_445 = arith.constant 64 : i32
        %mul3A_446 = vector.broadcast %mul3A_445 : i32 to vector<16xi32>
        %mul3A_447 = arith.muli %get3A_444, %mul3A_446 : vector<16xi32>
        %add3A_448 = arith.addi %mul3A_447, %mul3A_5 : vector<16xi32>
        %get3A_449 = arith.index_cast %add3A_420 : i32 to index
        %get3A_450 = arith.constant 64 : index
        %get3A_451 = tpu.vector_load %arg7[%get3A_449, %get3A_450] {strides = array<i32>} : memref<8x128xi32, #tpu.memory_space<vmem>>, vector<16xi32>,
        %mul3A_452 = arith.constant 64 : i32
        %mul3A_453 = vector.broadcast %mul3A_452 : i32 to vector<16xi32>
        %mul3A_454 = arith.muli %get3A_451, %mul3A_453 : vector<16xi32>
        %add3A_455 = arith.addi %mul3A_454, %mul3A_5 : vector<16xi32>
        %get3A_456 = arith.index_cast %add3A_420 : i32 to index
        %get3A_457 = arith.constant 80 : index
        %get3A_458 = tpu.vector_load %arg7[%get3A_456, %get3A_457] {strides = array<i32>} : memref<8x128xi32, #tpu.memory_space<vmem>>, vector<16xi32>,
        %mul3A_459 = arith.constant 64 : i32
        %mul3A_460 = vector.broadcast %mul3A_459 : i32 to vector<16xi32>
        %mul3A_461 = arith.muli %get3A_458, %mul3A_460 : vector<16xi32>
        %add3A_462 = arith.addi %mul3A_461, %mul3A_5 : vector<16xi32>
        %get3A_463 = arith.index_cast %add3A_420 : i32 to index
        %get3A_464 = arith.constant 96 : index
        %get3A_465 = tpu.vector_load %arg7[%get3A_463, %get3A_464] {strides = array<i32>} : memref<8x128xi32, #tpu.memory_space<vmem>>, vector<16xi32>,
        %mul3A_466 = arith.constant 64 : i32
        %mul3A_467 = vector.broadcast %mul3A_466 : i32 to vector<16xi32>
        %mul3A_468 = arith.muli %get3A_465, %mul3A_467 : vector<16xi32>
        %add3A_469 = arith.addi %mul3A_468, %mul3A_5 : vector<16xi32>
        %get3A_470 = arith.index_cast %add3A_420 : i32 to index
        %get3A_471 = arith.constant 112 : index
        %get3A_472 = tpu.vector_load %arg7[%get3A_470, %get3A_471] {strides = array<i32>} : memref<8x128xi32, #tpu.memory_space<vmem>>, vector<16xi32>,
        %mul3A_473 = arith.constant 64 : i32
        %mul3A_474 = vector.broadcast %mul3A_473 : i32 to vector<16xi32>
        %mul3A_475 = arith.muli %get3A_472, %mul3A_474 : vector<16xi32>
        %add3A_476 = arith.addi %mul3A_475, %mul3A_5 : vector<16xi32>
        %parallel_loop3A_477 = arith.constant 0 : i32
        %parallel_loop3A_478 = arith.constant 64 : i32
        %parallel_loop3A_479 = arith.constant 1 : i32
        scf.for %parallel_loop3A_550 = %parallel_loop3A_477 to %parallel_loop3A_478 step %parallel_loop3A_479  : i32 {
          %parallel_loop3A_551 = vector.broadcast %parallel_loop3A_550 : i32 to vector<16xi32>
          %parallel_loop3A_552 = arith.addi %add3A_427, %parallel_loop3A_551 : vector<16xi32>
          %parallel_loop3A_553 = tpu.vector_load_idx %arg6[%parallel_loop3A_552] : memref<50192xf32, #tpu.memory_space<vmem>>[vector<16xi32>], vector<16xf32>,
          %parallel_loop3A_554 = arith.constant 0 : i32
          %parallel_loop3A_555 = arith.index_cast %parallel_loop3A_554 : i32 to index
          %parallel_loop3A_556 = arith.index_cast %parallel_loop3A_550 : i32 to index
          %parallel_loop3A_557 = arith.constant 0 : index
          %parallel_loop3A_558 = tpu.vector_load %arg10[%parallel_loop3A_555, %parallel_loop3A_556, %parallel_loop3A_557] {strides = array<i32>} : memref<2x64x128xf32, #tpu.memory_space<vmem>>, vector<16xf32>,
          tpu.vector_store %arg10[%parallel_loop3A_555, %parallel_loop3A_556, %parallel_loop3A_557], %parallel_loop3A_553 {strides = array<i32>} : memref<2x64x128xf32, #tpu.memory_space<vmem>>, vector<16xf32>,
          %parallel_loop3A_559 = vector.broadcast %parallel_loop3A_550 : i32 to vector<16xi32>
          %parallel_loop3A_560 = arith.addi %add3A_434, %parallel_loop3A_559 : vector<16xi32>
          %parallel_loop3A_561 = tpu.vector_load_idx %arg6[%parallel_loop3A_560] : memref<50192xf32, #tpu.memory_space<vmem>>[vector<16xi32>], vector<16xf32>,
          %parallel_loop3A_562 = arith.constant 0 : i32
          %parallel_loop3A_563 = arith.index_cast %parallel_loop3A_562 : i32 to index
          %parallel_loop3A_564 = arith.index_cast %parallel_loop3A_550 : i32 to index
          %parallel_loop3A_565 = arith.constant 16 : index
          %parallel_loop3A_566 = tpu.vector_load %arg10[%parallel_loop3A_563, %parallel_loop3A_564, %parallel_loop3A_565] {strides = array<i32>} : memref<2x64x128xf32, #tpu.memory_space<vmem>>, vector<16xf32>,
          tpu.vector_store %arg10[%parallel_loop3A_563, %parallel_loop3A_564, %parallel_loop3A_565], %parallel_loop3A_561 {strides = array<i32>} : memref<2x64x128xf32, #tpu.memory_space<vmem>>, vector<16xf32>,
          %parallel_loop3A_567 = vector.broadcast %parallel_loop3A_550 : i32 to vector<16xi32>
          %parallel_loop3A_568 = arith.addi %add3A_441, %parallel_loop3A_567 : vector<16xi32>
          %parallel_loop3A_569 = tpu.vector_load_idx %arg6[%parallel_loop3A_568] : memref<50192xf32, #tpu.memory_space<vmem>>[vector<16xi32>], vector<16xf32>,
          %parallel_loop3A_570 = arith.constant 0 : i32
          %parallel_loop3A_571 = arith.index_cast %parallel_loop3A_570 : i32 to index
          %parallel_loop3A_572 = arith.index_cast %parallel_loop3A_550 : i32 to index
          %parallel_loop3A_573 = arith.constant 32 : index
          %parallel_loop3A_574 = tpu.vector_load %arg10[%parallel_loop3A_571, %parallel_loop3A_572, %parallel_loop3A_573] {strides = array<i32>} : memref<2x64x128xf32, #tpu.memory_space<vmem>>, vector<16xf32>,
          tpu.vector_store %arg10[%parallel_loop3A_571, %parallel_loop3A_572, %parallel_loop3A_573], %parallel_loop3A_569 {strides = array<i32>} : memref<2x64x128xf32, #tpu.memory_space<vmem>>, vector<16xf32>,
          %parallel_loop3A_575 = vector.broadcast %parallel_loop3A_550 : i32 to vector<16xi32>
          %parallel_loop3A_576 = arith.addi %add3A_448, %parallel_loop3A_575 : vector<16xi32>
          %parallel_loop3A_577 = tpu.vector_load_idx %arg6[%parallel_loop3A_576] : memref<50192xf32, #tpu.memory_space<vmem>>[vector<16xi32>], vector<16xf32>,
          %parallel_loop3A_578 = arith.constant 0 : i32
          %parallel_loop3A_579 = arith.index_cast %parallel_loop3A_578 : i32 to index
          %parallel_loop3A_580 = arith.index_cast %parallel_loop3A_550 : i32 to index
          %parallel_loop3A_581 = arith.constant 48 : index
          %parallel_loop3A_582 = tpu.vector_load %arg10[%parallel_loop3A_579, %parallel_loop3A_580, %parallel_loop3A_581] {strides = array<i32>} : memref<2x64x128xf32, #tpu.memory_space<vmem>>, vector<16xf32>,
          tpu.vector_store %arg10[%parallel_loop3A_579, %parallel_loop3A_580, %parallel_loop3A_581], %parallel_loop3A_577 {strides = array<i32>} : memref<2x64x128xf32, #tpu.memory_space<vmem>>, vector<16xf32>,
          %parallel_loop3A_583 = vector.broadcast %parallel_loop3A_550 : i32 to vector<16xi32>
          %parallel_loop3A_584 = arith.addi %add3A_455, %parallel_loop3A_583 : vector<16xi32>
          %parallel_loop3A_585 = tpu.vector_load_idx %arg6[%parallel_loop3A_584] : memref<50192xf32, #tpu.memory_space<vmem>>[vector<16xi32>], vector<16xf32>,
          %parallel_loop3A_586 = arith.constant 0 : i32
          %parallel_loop3A_587 = arith.index_cast %parallel_loop3A_586 : i32 to index
          %parallel_loop3A_588 = arith.index_cast %parallel_loop3A_550 : i32 to index
          %parallel_loop3A_589 = arith.constant 64 : index
          %parallel_loop3A_590 = tpu.vector_load %arg10[%parallel_loop3A_587, %parallel_loop3A_588, %parallel_loop3A_589] {strides = array<i32>} : memref<2x64x128xf32, #tpu.memory_space<vmem>>, vector<16xf32>,
          tpu.vector_store %arg10[%parallel_loop3A_587, %parallel_loop3A_588, %parallel_loop3A_589], %parallel_loop3A_585 {strides = array<i32>} : memref<2x64x128xf32, #tpu.memory_space<vmem>>, vector<16xf32>,
          %parallel_loop3A_591 = vector.broadcast %parallel_loop3A_550 : i32 to vector<16xi32>
          %parallel_loop3A_592 = arith.addi %add3A_462, %parallel_loop3A_591 : vector<16xi32>
          %parallel_loop3A_593 = tpu.vector_load_idx %arg6[%parallel_loop3A_592] : memref<50192xf32, #tpu.memory_space<vmem>>[vector<16xi32>], vector<16xf32>,
          %parallel_loop3A_594 = arith.constant 0 : i32
          %parallel_loop3A_595 = arith.index_cast %parallel_loop3A_594 : i32 to index
          %parallel_loop3A_596 = arith.index_cast %parallel_loop3A_550 : i32 to index
          %parallel_loop3A_597 = arith.constant 80 : index
          %parallel_loop3A_598 = tpu.vector_load %arg10[%parallel_loop3A_595, %parallel_loop3A_596, %parallel_loop3A_597] {strides = array<i32>} : memref<2x64x128xf32, #tpu.memory_space<vmem>>, vector<16xf32>,
          tpu.vector_store %arg10[%parallel_loop3A_595, %parallel_loop3A_596, %parallel_loop3A_597], %parallel_loop3A_593 {strides = array<i32>} : memref<2x64x128xf32, #tpu.memory_space<vmem>>, vector<16xf32>,
          %parallel_loop3A_599 = vector.broadcast %parallel_loop3A_550 : i32 to vector<16xi32>
          %parallel_loop3A_600 = arith.addi %add3A_469, %parallel_loop3A_599 : vector<16xi32>
          %parallel_loop3A_601 = tpu.vector_load_idx %arg6[%parallel_loop3A_600] : memref<50192xf32, #tpu.memory_space<vmem>>[vector<16xi32>], vector<16xf32>,
          %parallel_loop3A_602 = arith.constant 0 : i32
          %parallel_loop3A_603 = arith.index_cast %parallel_loop3A_602 : i32 to index
          %parallel_loop3A_604 = arith.index_cast %parallel_loop3A_550 : i32 to index
          %parallel_loop3A_605 = arith.constant 96 : index
          %parallel_loop3A_606 = tpu.vector_load %arg10[%parallel_loop3A_603, %parallel_loop3A_604, %parallel_loop3A_605] {strides = array<i32>} : memref<2x64x128xf32, #tpu.memory_space<vmem>>, vector<16xf32>,
          tpu.vector_store %arg10[%parallel_loop3A_603, %parallel_loop3A_604, %parallel_loop3A_605], %parallel_loop3A_601 {strides = array<i32>} : memref<2x64x128xf32, #tpu.memory_space<vmem>>, vector<16xf32>,
          %parallel_loop3A_607 = vector.broadcast %parallel_loop3A_550 : i32 to vector<16xi32>
          %parallel_loop3A_608 = arith.addi %add3A_476, %parallel_loop3A_607 : vector<16xi32>
          %parallel_loop3A_609 = tpu.vector_load_idx %arg6[%parallel_loop3A_608] : memref<50192xf32, #tpu.memory_space<vmem>>[vector<16xi32>], vector<16xf32>,
          %parallel_loop3A_610 = arith.constant 0 : i32
          %parallel_loop3A_611 = arith.index_cast %parallel_loop3A_610 : i32 to index
          %parallel_loop3A_612 = arith.index_cast %parallel_loop3A_550 : i32 to index
          %parallel_loop3A_613 = arith.constant 112 : index
          %parallel_loop3A_614 = tpu.vector_load %arg10[%parallel_loop3A_611, %parallel_loop3A_612, %parallel_loop3A_613] {strides = array<i32>} : memref<2x64x128xf32, #tpu.memory_space<vmem>>, vector<16xf32>,
          tpu.vector_store %arg10[%parallel_loop3A_611, %parallel_loop3A_612, %parallel_loop3A_613], %parallel_loop3A_609 {strides = array<i32>} : memref<2x64x128xf32, #tpu.memory_space<vmem>>, vector<16xf32>,
        } {sc.loop_unroll_factor = 1 : i64, sc.parallel_access}
        %mul3A_480 = arith.constant 2 : i32
        %mul3A_481 = arith.muli %add3A_405, %mul3A_480 : i32
        %add3A_482 = arith.constant 1 : i32
        %add3A_483 = arith.addi %mul3A_481, %add3A_482 : i32
        %get3A_484 = arith.index_cast %add3A_483 : i32 to index
        %get3A_485 = arith.constant 0 : index
        %get3A_486 = tpu.vector_load %arg7[%get3A_484, %get3A_485] {strides = array<i32>} : memref<8x128xi32, #tpu.memory_space<vmem>>, vector<16xi32>,
        %mul3A_487 = arith.constant 64 : i32
        %mul3A_488 = vector.broadcast %mul3A_487 : i32 to vector<16xi32>
        %mul3A_489 = arith.muli %get3A_486, %mul3A_488 : vector<16xi32>
        %add3A_490 = arith.addi %mul3A_489, %mul3A_5 : vector<16xi32>
        %get3A_491 = arith.index_cast %add3A_483 : i32 to index
        %get3A_492 = arith.constant 16 : index
        %get3A_493 = tpu.vector_load %arg7[%get3A_491, %get3A_492] {strides = array<i32>} : memref<8x128xi32, #tpu.memory_space<vmem>>, vector<16xi32>,
        %mul3A_494 = arith.constant 64 : i32
        %mul3A_495 = vector.broadcast %mul3A_494 : i32 to vector<16xi32>
        %mul3A_496 = arith.muli %get3A_493, %mul3A_495 : vector<16xi32>
        %add3A_497 = arith.addi %mul3A_496, %mul3A_5 : vector<16xi32>
        %get3A_498 = arith.index_cast %add3A_483 : i32 to index
        %get3A_499 = arith.constant 32 : index
        %get3A_500 = tpu.vector_load %arg7[%get3A_498, %get3A_499] {strides = array<i32>} : memref<8x128xi32, #tpu.memory_space<vmem>>, vector<16xi32>,
        %mul3A_501 = arith.constant 64 : i32
        %mul3A_502 = vector.broadcast %mul3A_501 : i32 to vector<16xi32>
        %mul3A_503 = arith.muli %get3A_500, %mul3A_502 : vector<16xi32>
        %add3A_504 = arith.addi %mul3A_503, %mul3A_5 : vector<16xi32>
        %get3A_505 = arith.index_cast %add3A_483 : i32 to index
        %get3A_506 = arith.constant 48 : index
        %get3A_507 = tpu.vector_load %arg7[%get3A_505, %get3A_506] {strides = array<i32>} : memref<8x128xi32, #tpu.memory_space<vmem>>, vector<16xi32>,
        %mul3A_508 = arith.constant 64 : i32
        %mul3A_509 = vector.broadcast %mul3A_508 : i32 to vector<16xi32>
        %mul3A_510 = arith.muli %get3A_507, %mul3A_509 : vector<16xi32>
        %add3A_511 = arith.addi %mul3A_510, %mul3A_5 : vector<16xi32>
        %get3A_512 = arith.index_cast %add3A_483 : i32 to index
        %get3A_513 = arith.constant 64 : index
        %get3A_514 = tpu.vector_load %arg7[%get3A_512, %get3A_513] {strides = array<i32>} : memref<8x128xi32, #tpu.memory_space<vmem>>, vector<16xi32>,
        %mul3A_515 = arith.constant 64 : i32
        %mul3A_516 = vector.broadcast %mul3A_515 : i32 to vector<16xi32>
        %mul3A_517 = arith.muli %get3A_514, %mul3A_516 : vector<16xi32>
        %add3A_518 = arith.addi %mul3A_517, %mul3A_5 : vector<16xi32>
        %get3A_519 = arith.index_cast %add3A_483 : i32 to index
        %get3A_520 = arith.constant 80 : index
        %get3A_521 = tpu.vector_load %arg7[%get3A_519, %get3A_520] {strides = array<i32>} : memref<8x128xi32, #tpu.memory_space<vmem>>, vector<16xi32>,
        %mul3A_522 = arith.constant 64 : i32
        %mul3A_523 = vector.broadcast %mul3A_522 : i32 to vector<16xi32>
        %mul3A_524 = arith.muli %get3A_521, %mul3A_523 : vector<16xi32>
        %add3A_525 = arith.addi %mul3A_524, %mul3A_5 : vector<16xi32>
        %get3A_526 = arith.index_cast %add3A_483 : i32 to index
        %get3A_527 = arith.constant 96 : index
        %get3A_528 = tpu.vector_load %arg7[%get3A_526, %get3A_527] {strides = array<i32>} : memref<8x128xi32, #tpu.memory_space<vmem>>, vector<16xi32>,
        %mul3A_529 = arith.constant 64 : i32
        %mul3A_530 = vector.broadcast %mul3A_529 : i32 to vector<16xi32>
        %mul3A_531 = arith.muli %get3A_528, %mul3A_530 : vector<16xi32>
        %add3A_532 = arith.addi %mul3A_531, %mul3A_5 : vector<16xi32>
        %get3A_533 = arith.index_cast %add3A_483 : i32 to index
        %get3A_534 = arith.constant 112 : index
        %get3A_535 = tpu.vector_load %arg7[%get3A_533, %get3A_534] {strides = array<i32>} : memref<8x128xi32, #tpu.memory_space<vmem>>, vector<16xi32>,
        %mul3A_536 = arith.constant 64 : i32
        %mul3A_537 = vector.broadcast %mul3A_536 : i32 to vector<16xi32>
        %mul3A_538 = arith.muli %get3A_535, %mul3A_537 : vector<16xi32>
        %add3A_539 = arith.addi %mul3A_538, %mul3A_5 : vector<16xi32>
        %parallel_loop3A_540 = arith.constant 0 : i32
        %parallel_loop3A_541 = arith.constant 64 : i32
        %parallel_loop3A_542 = arith.constant 1 : i32
        scf.for %parallel_loop3A_550 = %parallel_loop3A_540 to %parallel_loop3A_541 step %parallel_loop3A_542  : i32 {
          %parallel_loop3A_551 = vector.broadcast %parallel_loop3A_550 : i32 to vector<16xi32>
          %parallel_loop3A_552 = arith.addi %add3A_490, %parallel_loop3A_551 : vector<16xi32>
          %parallel_loop3A_553 = tpu.vector_load_idx %arg6[%parallel_loop3A_552] : memref<50192xf32, #tpu.memory_space<vmem>>[vector<16xi32>], vector<16xf32>,
          %parallel_loop3A_554 = arith.constant 1 : i32
          %parallel_loop3A_555 = arith.index_cast %parallel_loop3A_554 : i32 to index
          %parallel_loop3A_556 = arith.index_cast %parallel_loop3A_550 : i32 to index
          %parallel_loop3A_557 = arith.constant 0 : index
          %parallel_loop3A_558 = tpu.vector_load %arg10[%parallel_loop3A_555, %parallel_loop3A_556, %parallel_loop3A_557] {strides = array<i32>} : memref<2x64x128xf32, #tpu.memory_space<vmem>>, vector<16xf32>,
          tpu.vector_store %arg10[%parallel_loop3A_555, %parallel_loop3A_556, %parallel_loop3A_557], %parallel_loop3A_553 {strides = array<i32>} : memref<2x64x128xf32, #tpu.memory_space<vmem>>, vector<16xf32>,
          %parallel_loop3A_559 = vector.broadcast %parallel_loop3A_550 : i32 to vector<16xi32>
          %parallel_loop3A_560 = arith.addi %add3A_497, %parallel_loop3A_559 : vector<16xi32>
          %parallel_loop3A_561 = tpu.vector_load_idx %arg6[%parallel_loop3A_560] : memref<50192xf32, #tpu.memory_space<vmem>>[vector<16xi32>], vector<16xf32>,
          %parallel_loop3A_562 = arith.constant 1 : i32
          %parallel_loop3A_563 = arith.index_cast %parallel_loop3A_562 : i32 to index
          %parallel_loop3A_564 = arith.index_cast %parallel_loop3A_550 : i32 to index
          %parallel_loop3A_565 = arith.constant 16 : index
          %parallel_loop3A_566 = tpu.vector_load %arg10[%parallel_loop3A_563, %parallel_loop3A_564, %parallel_loop3A_565] {strides = array<i32>} : memref<2x64x128xf32, #tpu.memory_space<vmem>>, vector<16xf32>,
          tpu.vector_store %arg10[%parallel_loop3A_563, %parallel_loop3A_564, %parallel_loop3A_565], %parallel_loop3A_561 {strides = array<i32>} : memref<2x64x128xf32, #tpu.memory_space<vmem>>, vector<16xf32>,
          %parallel_loop3A_567 = vector.broadcast %parallel_loop3A_550 : i32 to vector<16xi32>
          %parallel_loop3A_568 = arith.addi %add3A_504, %parallel_loop3A_567 : vector<16xi32>
          %parallel_loop3A_569 = tpu.vector_load_idx %arg6[%parallel_loop3A_568] : memref<50192xf32, #tpu.memory_space<vmem>>[vector<16xi32>], vector<16xf32>,
          %parallel_loop3A_570 = arith.constant 1 : i32
          %parallel_loop3A_571 = arith.index_cast %parallel_loop3A_570 : i32 to index
          %parallel_loop3A_572 = arith.index_cast %parallel_loop3A_550 : i32 to index
          %parallel_loop3A_573 = arith.constant 32 : index
          %parallel_loop3A_574 = tpu.vector_load %arg10[%parallel_loop3A_571, %parallel_loop3A_572, %parallel_loop3A_573] {strides = array<i32>} : memref<2x64x128xf32, #tpu.memory_space<vmem>>, vector<16xf32>,
          tpu.vector_store %arg10[%parallel_loop3A_571, %parallel_loop3A_572, %parallel_loop3A_573], %parallel_loop3A_569 {strides = array<i32>} : memref<2x64x128xf32, #tpu.memory_space<vmem>>, vector<16xf32>,
          %parallel_loop3A_575 = vector.broadcast %parallel_loop3A_550 : i32 to vector<16xi32>
          %parallel_loop3A_576 = arith.addi %add3A_511, %parallel_loop3A_575 : vector<16xi32>
          %parallel_loop3A_577 = tpu.vector_load_idx %arg6[%parallel_loop3A_576] : memref<50192xf32, #tpu.memory_space<vmem>>[vector<16xi32>], vector<16xf32>,
          %parallel_loop3A_578 = arith.constant 1 : i32
          %parallel_loop3A_579 = arith.index_cast %parallel_loop3A_578 : i32 to index
          %parallel_loop3A_580 = arith.index_cast %parallel_loop3A_550 : i32 to index
          %parallel_loop3A_581 = arith.constant 48 : index
          %parallel_loop3A_582 = tpu.vector_load %arg10[%parallel_loop3A_579, %parallel_loop3A_580, %parallel_loop3A_581] {strides = array<i32>} : memref<2x64x128xf32, #tpu.memory_space<vmem>>, vector<16xf32>,
          tpu.vector_store %arg10[%parallel_loop3A_579, %parallel_loop3A_580, %parallel_loop3A_581], %parallel_loop3A_577 {strides = array<i32>} : memref<2x64x128xf32, #tpu.memory_space<vmem>>, vector<16xf32>,
          %parallel_loop3A_583 = vector.broadcast %parallel_loop3A_550 : i32 to vector<16xi32>
          %parallel_loop3A_584 = arith.addi %add3A_518, %parallel_loop3A_583 : vector<16xi32>
          %parallel_loop3A_585 = tpu.vector_load_idx %arg6[%parallel_loop3A_584] : memref<50192xf32, #tpu.memory_space<vmem>>[vector<16xi32>], vector<16xf32>,
          %parallel_loop3A_586 = arith.constant 1 : i32
          %parallel_loop3A_587 = arith.index_cast %parallel_loop3A_586 : i32 to index
          %parallel_loop3A_588 = arith.index_cast %parallel_loop3A_550 : i32 to index
          %parallel_loop3A_589 = arith.constant 64 : index
          %parallel_loop3A_590 = tpu.vector_load %arg10[%parallel_loop3A_587, %parallel_loop3A_588, %parallel_loop3A_589] {strides = array<i32>} : memref<2x64x128xf32, #tpu.memory_space<vmem>>, vector<16xf32>,
          tpu.vector_store %arg10[%parallel_loop3A_587, %parallel_loop3A_588, %parallel_loop3A_589], %parallel_loop3A_585 {strides = array<i32>} : memref<2x64x128xf32, #tpu.memory_space<vmem>>, vector<16xf32>,
          %parallel_loop3A_591 = vector.broadcast %parallel_loop3A_550 : i32 to vector<16xi32>
          %parallel_loop3A_592 = arith.addi %add3A_525, %parallel_loop3A_591 : vector<16xi32>
          %parallel_loop3A_593 = tpu.vector_load_idx %arg6[%parallel_loop3A_592] : memref<50192xf32, #tpu.memory_space<vmem>>[vector<16xi32>], vector<16xf32>,
          %parallel_loop3A_594 = arith.constant 1 : i32
          %parallel_loop3A_595 = arith.index_cast %parallel_loop3A_594 : i32 to index
          %parallel_loop3A_596 = arith.index_cast %parallel_loop3A_550 : i32 to index
          %parallel_loop3A_597 = arith.constant 80 : index
          %parallel_loop3A_598 = tpu.vector_load %arg10[%parallel_loop3A_595, %parallel_loop3A_596, %parallel_loop3A_597] {strides = array<i32>} : memref<2x64x128xf32, #tpu.memory_space<vmem>>, vector<16xf32>,
          tpu.vector_store %arg10[%parallel_loop3A_595, %parallel_loop3A_596, %parallel_loop3A_597], %parallel_loop3A_593 {strides = array<i32>} : memref<2x64x128xf32, #tpu.memory_space<vmem>>, vector<16xf32>,
          %parallel_loop3A_599 = vector.broadcast %parallel_loop3A_550 : i32 to vector<16xi32>
          %parallel_loop3A_600 = arith.addi %add3A_532, %parallel_loop3A_599 : vector<16xi32>
          %parallel_loop3A_601 = tpu.vector_load_idx %arg6[%parallel_loop3A_600] : memref<50192xf32, #tpu.memory_space<vmem>>[vector<16xi32>], vector<16xf32>,
          %parallel_loop3A_602 = arith.constant 1 : i32
          %parallel_loop3A_603 = arith.index_cast %parallel_loop3A_602 : i32 to index
          %parallel_loop3A_604 = arith.index_cast %parallel_loop3A_550 : i32 to index
          %parallel_loop3A_605 = arith.constant 96 : index
          %parallel_loop3A_606 = tpu.vector_load %arg10[%parallel_loop3A_603, %parallel_loop3A_604, %parallel_loop3A_605] {strides = array<i32>} : memref<2x64x128xf32, #tpu.memory_space<vmem>>, vector<16xf32>,
          tpu.vector_store %arg10[%parallel_loop3A_603, %parallel_loop3A_604, %parallel_loop3A_605], %parallel_loop3A_601 {strides = array<i32>} : memref<2x64x128xf32, #tpu.memory_space<vmem>>, vector<16xf32>,
          %parallel_loop3A_607 = vector.broadcast %parallel_loop3A_550 : i32 to vector<16xi32>
          %parallel_loop3A_608 = arith.addi %add3A_539, %parallel_loop3A_607 : vector<16xi32>
          %parallel_loop3A_609 = tpu.vector_load_idx %arg6[%parallel_loop3A_608] : memref<50192xf32, #tpu.memory_space<vmem>>[vector<16xi32>], vector<16xf32>,
          %parallel_loop3A_610 = arith.constant 1 : i32
          %parallel_loop3A_611 = arith.index_cast %parallel_loop3A_610 : i32 to index
          %parallel_loop3A_612 = arith.index_cast %parallel_loop3A_550 : i32 to index
          %parallel_loop3A_613 = arith.constant 112 : index
          %parallel_loop3A_614 = tpu.vector_load %arg10[%parallel_loop3A_611, %parallel_loop3A_612, %parallel_loop3A_613] {strides = array<i32>} : memref<2x64x128xf32, #tpu.memory_space<vmem>>, vector<16xf32>,
          tpu.vector_store %arg10[%parallel_loop3A_611, %parallel_loop3A_612, %parallel_loop3A_613], %parallel_loop3A_609 {strides = array<i32>} : memref<2x64x128xf32, #tpu.memory_space<vmem>>, vector<16xf32>,
        } {sc.loop_unroll_factor = 1 : i64, sc.parallel_access}
        %dma_start3A_543 = arith.constant 1 : i32
        %dma_start3A_544 = arith.constant 0 : i32
        %dma_start3A_545 = tpu.memref_slice %arg4[%add3A_408, %dma_start3A_544, %add3A_86] : memref<200x64x16384xf32, #tpu.memory_space<hbm>> -> memref<2x64x128xf32, #tpu.memory_space<hbm>>
        %dma_start3A_546 = tpu.memref_slice %arg12[%dma_start3A_543] : memref<2x!tpu.dma_semaphore, #tpu.memory_space<semaphore_mem>> -> memref<1x!tpu.dma_semaphore, #tpu.memory_space<semaphore_mem>>
        %dma_start3A_547 = tpu.memref_squeeze %dma_start3A_546 : memref<1x!tpu.dma_semaphore, #tpu.memory_space<semaphore_mem>> -> memref<!tpu.dma_semaphore, #tpu.memory_space<semaphore_mem>>
        %dma_start3A_548 = arith.constant 0 : i32
        %dma_start3A_549 = tpu.memref_slice %arg4[%add3A_408, %dma_start3A_548, %add3A_86] : memref<200x64x16384xf32, #tpu.memory_space<hbm>> -> memref<2x64x128xf32, #tpu.memory_space<hbm>>
        tpu.enqueue_dma source(%arg10 : memref<2x64x128xf32, #tpu.memory_space<vmem>>) target(%dma_start3A_549 : memref<2x64x128xf32, #tpu.memory_space<hbm>>) target_semaphore(%dma_start3A_547 : memref<!tpu.dma_semaphore, #tpu.memory_space<semaphore_mem>>)
      }
      %scan3A_142 = arith.constant 2 : i32
      %lt3A_143 = arith.constant 49 : i32
      %lt3A_144 = arith.cmpi slt, %scan3A_47, %lt3A_143 : i32
      %convert_element_type3A = arith.extui %lt3A_144 : i1 to i32
      %cond3A = arith.constant 0 : i32
      %cond3A_145 = arith.cmpi ne, %convert_element_type3A, %cond3A : i32
      scf.if %cond3A_145 {
        %add3A_256 = arith.constant 2 : i32
        %add3A_257 = arith.addi %add3A_51, %add3A_256 : i32
        %jit3A_258 = arith.constant 25 : i32
        %div3A_259 = arith.divsi %add3A_257, %jit3A_258 : i32
        %sign3A_260 = arith.constant 0 : i32
        %sign3A_261 = arith.cmpi sgt, %add3A_257, %sign3A_260 : i32
        %sign3A_262 = arith.extui %sign3A_261 : i1 to i32
        %sign3A_263 = arith.constant 0 : i32
        %sign3A_264 = arith.cmpi slt, %add3A_257, %sign3A_263 : i32
        %sign3A_265 = arith.extui %sign3A_264 : i1 to i32
        %sign3A_266 = arith.subi %sign3A_262, %sign3A_265 : i32
        %sign3A_267 = arith.constant 0 : i32
        %sign3A_268 = arith.cmpi sgt, %jit3A_258, %sign3A_267 : i32
        %sign3A_269 = arith.extui %sign3A_268 : i1 to i32
        %sign3A_270 = arith.constant 0 : i32
        %sign3A_271 = arith.cmpi slt, %jit3A_258, %sign3A_270 : i32
        %sign3A_272 = arith.extui %sign3A_271 : i1 to i32
        %sign3A_273 = arith.subi %sign3A_269, %sign3A_272 : i32
        %ne3A_274 = arith.cmpi ne, %sign3A_266, %sign3A_273 : i32
        %rem3A_275 = arith.remsi %add3A_257, %jit3A_258 : i32
        %ne3A_276 = arith.constant 0 : i32
        %ne3A_277 = arith.cmpi ne, %rem3A_275, %ne3A_276 : i32
        %and3A_278 = arith.andi %ne3A_274, %ne3A_277 : i1
        %sub3A_279 = arith.constant 1 : i32
        %sub3A_280 = arith.subi %div3A_259, %sub3A_279 : i32
        %select_n3A_281 = arith.select %and3A_278, %sub3A_280, %div3A_259 : i32
        %jit3A_282 = arith.constant 25 : i32
        %eq3A_283 = arith.constant 0 : i32
        %eq3A_284 = arith.cmpi eq, %jit3A_282, %eq3A_283 : i32
        %jit3A_285 = arith.constant 1 : i32
        %select_n3A_286 = arith.select %eq3A_284, %jit3A_285, %jit3A_282 : i32
        %rem3A_287 = arith.remsi %add3A_257, %select_n3A_286 : i32
        %ne3A_288 = arith.constant 0 : i32
        %ne3A_289 = arith.cmpi ne, %rem3A_287, %ne3A_288 : i32
        %lt3A_290 = arith.constant 0 : i32
        %lt3A_291 = arith.cmpi slt, %rem3A_287, %lt3A_290 : i32
        %lt3A_292 = arith.constant 0 : i32
        %lt3A_293 = arith.cmpi slt, %select_n3A_286, %lt3A_292 : i32
        %ne3A_294 = arith.xori %lt3A_291, %lt3A_293 : i1
        %and3A_295 = arith.andi %ne3A_294, %ne3A_289 : i1
        %add3A_296 = arith.addi %rem3A_287, %select_n3A_286 : i32
        %select_n3A_297 = arith.select %and3A_295, %add3A_296, %rem3A_287 : i32
        %mul3A_298 = arith.constant 8 : i32
        %mul3A_299 = arith.muli %select_n3A_297, %mul3A_298 : i32
        %mul3A_300 = arith.constant 128 : i32
        %mul3A_301 = arith.muli %select_n3A_281, %mul3A_300 : i32
        %add3A_302 = arith.addi %mul3A_2, %mul3A_301 : i32
        %dma_start3A_303 = arith.constant 0 : i32
        %dma_start3A_304 = tpu.memref_slice %arg2[%mul3A_299, %add3A_302] : memref<200x16384xi32, #tpu.memory_space<hbm>> -> memref<8x128xi32, #tpu.memory_space<hbm>>
        %dma_start3A_305 = tpu.memref_slice %arg11[%dma_start3A_303] : memref<2x!tpu.dma_semaphore, #tpu.memory_space<semaphore_mem>> -> memref<1x!tpu.dma_semaphore, #tpu.memory_space<semaphore_mem>>
        %dma_start3A_306 = tpu.memref_squeeze %dma_start3A_305 : memref<1x!tpu.dma_semaphore, #tpu.memory_space<semaphore_mem>> -> memref<!tpu.dma_semaphore, #tpu.memory_space<semaphore_mem>>
        %dma_start3A_307 = tpu.memref_slice %arg2[%mul3A_299, %add3A_302] : memref<200x16384xi32, #tpu.memory_space<hbm>> -> memref<8x128xi32, #tpu.memory_space<hbm>>
        tpu.enqueue_dma source(%dma_start3A_307 : memref<8x128xi32, #tpu.memory_space<hbm>>) target(%arg7 : memref<8x128xi32, #tpu.memory_space<vmem>>) target_semaphore(%dma_start3A_306 : memref<!tpu.dma_semaphore, #tpu.memory_space<semaphore_mem>>)
      } else {
      }
      %mul3A_146 = arith.constant 2 : i32
      %mul3A_147 = arith.muli %scan3A_47, %mul3A_146 : i32
      %add3A_148 = arith.constant 1 : i32
      %add3A_149 = arith.addi %mul3A_147, %add3A_148 : i32
      %jit3A_150 = arith.constant 25 : i32
      %div3A_151 = arith.divsi %add3A_149, %jit3A_150 : i32
      %sign3A_152 = arith.constant 0 : i32
      %sign3A_153 = arith.cmpi sgt, %add3A_149, %sign3A_152 : i32
      %sign3A_154 = arith.extui %sign3A_153 : i1 to i32
      %sign3A_155 = arith.constant 0 : i32
      %sign3A_156 = arith.cmpi slt, %add3A_149, %sign3A_155 : i32
      %sign3A_157 = arith.extui %sign3A_156 : i1 to i32
      %sign3A_158 = arith.subi %sign3A_154, %sign3A_157 : i32
      %sign3A_159 = arith.constant 0 : i32
      %sign3A_160 = arith.cmpi sgt, %jit3A_150, %sign3A_159 : i32
      %sign3A_161 = arith.extui %sign3A_160 : i1 to i32
      %sign3A_162 = arith.constant 0 : i32
      %sign3A_163 = arith.cmpi slt, %jit3A_150, %sign3A_162 : i32
      %sign3A_164 = arith.extui %sign3A_163 : i1 to i32
      %sign3A_165 = arith.subi %sign3A_161, %sign3A_164 : i32
      %ne3A_166 = arith.cmpi ne, %sign3A_158, %sign3A_165 : i32
      %rem3A_167 = arith.remsi %add3A_149, %jit3A_150 : i32
      %ne3A_168 = arith.constant 0 : i32
      %ne3A_169 = arith.cmpi ne, %rem3A_167, %ne3A_168 : i32
      %and3A_170 = arith.andi %ne3A_166, %ne3A_169 : i1
      %sub3A_171 = arith.constant 1 : i32
      %sub3A_172 = arith.subi %div3A_151, %sub3A_171 : i32
      %select_n3A_173 = arith.select %and3A_170, %sub3A_172, %div3A_151 : i32
      %jit3A_174 = arith.constant 25 : i32
      %eq3A_175 = arith.constant 0 : i32
      %eq3A_176 = arith.cmpi eq, %jit3A_174, %eq3A_175 : i32
      %jit3A_177 = arith.constant 1 : i32
      %select_n3A_178 = arith.select %eq3A_176, %jit3A_177, %jit3A_174 : i32
      %rem3A_179 = arith.remsi %add3A_149, %select_n3A_178 : i32
      %ne3A_180 = arith.constant 0 : i32
      %ne3A_181 = arith.cmpi ne, %rem3A_179, %ne3A_180 : i32
      %lt3A_182 = arith.constant 0 : i32
      %lt3A_183 = arith.cmpi slt, %rem3A_179, %lt3A_182 : i32
      %lt3A_184 = arith.constant 0 : i32
      %lt3A_185 = arith.cmpi slt, %select_n3A_178, %lt3A_184 : i32
      %ne3A_186 = arith.xori %lt3A_183, %lt3A_185 : i1
      %and3A_187 = arith.andi %ne3A_186, %ne3A_181 : i1
      %add3A_188 = arith.addi %rem3A_179, %select_n3A_178 : i32
      %select_n3A_189 = arith.select %and3A_187, %add3A_188, %rem3A_179 : i32
      %mul3A_190 = arith.constant 8 : i32
      %mul3A_191 = arith.muli %select_n3A_189, %mul3A_190 : i32
      %mul3A_192 = arith.constant 128 : i32
      %mul3A_193 = arith.muli %select_n3A_173, %mul3A_192 : i32
      %add3A_194 = arith.addi %mul3A_2, %mul3A_193 : i32
      %jit3A_195 = arith.constant 25 : i32
      %div3A_196 = arith.divsi %add3A_149, %jit3A_195 : i32
      %sign3A_197 = arith.constant 0 : i32
      %sign3A_198 = arith.cmpi sgt, %add3A_149, %sign3A_197 : i32
      %sign3A_199 = arith.extui %sign3A_198 : i1 to i32
      %sign3A_200 = arith.constant 0 : i32
      %sign3A_201 = arith.cmpi slt, %add3A_149, %sign3A_200 : i32
      %sign3A_202 = arith.extui %sign3A_201 : i1 to i32
      %sign3A_203 = arith.subi %sign3A_199, %sign3A_202 : i32
      %sign3A_204 = arith.constant 0 : i32
      %sign3A_205 = arith.cmpi sgt, %jit3A_195, %sign3A_204 : i32
      %sign3A_206 = arith.extui %sign3A_205 : i1 to i32
      %sign3A_207 = arith.constant 0 : i32
      %sign3A_208 = arith.cmpi slt, %jit3A_195, %sign3A_207 : i32
      %sign3A_209 = arith.extui %sign3A_208 : i1 to i32
      %sign3A_210 = arith.subi %sign3A_206, %sign3A_209 : i32
      %ne3A_211 = arith.cmpi ne, %sign3A_203, %sign3A_210 : i32
      %rem3A_212 = arith.remsi %add3A_149, %jit3A_195 : i32
      %ne3A_213 = arith.constant 0 : i32
      %ne3A_214 = arith.cmpi ne, %rem3A_212, %ne3A_213 : i32
      %and3A_215 = arith.andi %ne3A_211, %ne3A_214 : i1
      %sub3A_216 = arith.constant 1 : i32
      %sub3A_217 = arith.subi %div3A_196, %sub3A_216 : i32
      %select_n3A_218 = arith.select %and3A_215, %sub3A_217, %div3A_196 : i32
      %jit3A_219 = arith.constant 25 : i32
      %eq3A_220 = arith.constant 0 : i32
      %eq3A_221 = arith.cmpi eq, %jit3A_219, %eq3A_220 : i32
      %jit3A_222 = arith.constant 1 : i32
      %select_n3A_223 = arith.select %eq3A_221, %jit3A_222, %jit3A_219 : i32
      %rem3A_224 = arith.remsi %add3A_149, %select_n3A_223 : i32
      %ne3A_225 = arith.constant 0 : i32
      %ne3A_226 = arith.cmpi ne, %rem3A_224, %ne3A_225 : i32
      %lt3A_227 = arith.constant 0 : i32
      %lt3A_228 = arith.cmpi slt, %rem3A_224, %lt3A_227 : i32
      %lt3A_229 = arith.constant 0 : i32
      %lt3A_230 = arith.cmpi slt, %select_n3A_223, %lt3A_229 : i32
      %ne3A_231 = arith.xori %lt3A_228, %lt3A_230 : i1
      %and3A_232 = arith.andi %ne3A_231, %ne3A_226 : i1
      %add3A_233 = arith.addi %rem3A_224, %select_n3A_223 : i32
      %select_n3A_234 = arith.select %and3A_232, %add3A_233, %rem3A_224 : i32
      %mul3A_235 = arith.constant 8 : i32
      %mul3A_236 = arith.muli %select_n3A_234, %mul3A_235 : i32
      %mul3A_237 = arith.constant 128 : i32
      %mul3A_238 = arith.muli %select_n3A_218, %mul3A_237 : i32
      %add3A_239 = arith.addi %mul3A_2, %mul3A_238 : i32
      %dma_wait3A_240 = arith.constant 1 : i32
      %dma_wait3A_241 = tpu.memref_slice %arg2[%mul3A_236, %add3A_239] : memref<200x16384xi32, #tpu.memory_space<hbm>> -> memref<8x128xi32, #tpu.memory_space<hbm>>
      %dma_wait3A_242 = tpu.memref_slice %arg11[%dma_wait3A_240] : memref<2x!tpu.dma_semaphore, #tpu.memory_space<semaphore_mem>> -> memref<1x!tpu.dma_semaphore, #tpu.memory_space<semaphore_mem>>
      %dma_wait3A_243 = tpu.memref_squeeze %dma_wait3A_242 : memref<1x!tpu.dma_semaphore, #tpu.memory_space<semaphore_mem>> -> memref<!tpu.dma_semaphore, #tpu.memory_space<semaphore_mem>>
      %dma_wait3A_244 = tpu.memref_slice %arg2[%mul3A_236, %add3A_239] : memref<200x16384xi32, #tpu.memory_space<hbm>> -> memref<8x128xi32, #tpu.memory_space<hbm>>
      tpu.wait_dma2 semaphore(%dma_wait3A_243 : memref<!tpu.dma_semaphore, #tpu.memory_space<semaphore_mem>>) src(%dma_wait3A_244 : memref<8x128xi32, #tpu.memory_space<hbm>>) dst(%arg8 : memref<8x128xi32, #tpu.memory_space<vmem>>)
      %scan3A_245 = arith.constant 0 : i32
      %scan3A_246 = arith.constant 0 : i32
      %scan3A_247 = arith.constant 2 : i32
      %scan3A_248 = arith.addi %scan3A_246, %scan3A_247 : i32
      %scan3A_249 = arith.constant 1 : i32
      scf.for %scan3A_256 = %scan3A_246 to %scan3A_248 step %scan3A_249  : i32 {
        %mul3A_257 = arith.constant 2 : i32
        %mul3A_258 = arith.muli %scan3A_256, %mul3A_257 : i32
        %add3A_259 = arith.constant 0 : i32
        %add3A_260 = arith.addi %mul3A_258, %add3A_259 : i32
        %mul3A_261 = arith.constant 2 : i32
        %mul3A_262 = arith.muli %add3A_260, %mul3A_261 : i32
        %add3A_263 = arith.addi %mul3A_191, %mul3A_262 : i32
        %dma_wait3A_264 = arith.constant 0 : i32
        %dma_wait3A_265 = arith.constant 0 : i32
        %dma_wait3A_266 = tpu.memref_slice %arg4[%add3A_263, %dma_wait3A_265, %add3A_194] : memref<200x64x16384xf32, #tpu.memory_space<hbm>> -> memref<2x64x128xf32, #tpu.memory_space<hbm>>
        %dma_wait3A_267 = tpu.memref_slice %arg12[%dma_wait3A_264] : memref<2x!tpu.dma_semaphore, #tpu.memory_space<semaphore_mem>> -> memref<1x!tpu.dma_semaphore, #tpu.memory_space<semaphore_mem>>
        %dma_wait3A_268 = tpu.memref_squeeze %dma_wait3A_267 : memref<1x!tpu.dma_semaphore, #tpu.memory_space<semaphore_mem>> -> memref<!tpu.dma_semaphore, #tpu.memory_space<semaphore_mem>>
        %dma_wait3A_269 = arith.constant 0 : i32
        %dma_wait3A_270 = tpu.memref_slice %arg4[%add3A_263, %dma_wait3A_269, %add3A_194] : memref<200x64x16384xf32, #tpu.memory_space<hbm>> -> memref<2x64x128xf32, #tpu.memory_space<hbm>>
        tpu.wait_dma2 semaphore(%dma_wait3A_268 : memref<!tpu.dma_semaphore, #tpu.memory_space<semaphore_mem>>) src(%arg9 : memref<2x64x128xf32, #tpu.memory_space<vmem>>) dst(%dma_wait3A_270 : memref<2x64x128xf32, #tpu.memory_space<hbm>>)
        %mul3A_271 = arith.constant 2 : i32
        %mul3A_272 = arith.muli %add3A_260, %mul3A_271 : i32
        %add3A_273 = arith.constant 0 : i32
        %add3A_274 = arith.addi %mul3A_272, %add3A_273 : i32
        %get3A = arith.index_cast %add3A_274 : i32 to index
        %get3A_275 = arith.constant 0 : index
        %get3A_276 = tpu.vector_load %arg8[%get3A, %get3A_275] {strides = array<i32>} : memref<8x128xi32, #tpu.memory_space<vmem>>, vector<16xi32>,
        %mul3A_277 = arith.constant 64 : i32
        %mul3A_278 = vector.broadcast %mul3A_277 : i32 to vector<16xi32>
        %mul3A_279 = arith.muli %get3A_276, %mul3A_278 : vector<16xi32>
        %add3A_280 = arith.addi %mul3A_279, %mul3A_5 : vector<16xi32>
        %get3A_281 = arith.index_cast %add3A_274 : i32 to index
        %get3A_282 = arith.constant 16 : index
        %get3A_283 = tpu.vector_load %arg8[%get3A_281, %get3A_282] {strides = array<i32>} : memref<8x128xi32, #tpu.memory_space<vmem>>, vector<16xi32>,
        %mul3A_284 = arith.constant 64 : i32
        %mul3A_285 = vector.broadcast %mul3A_284 : i32 to vector<16xi32>
        %mul3A_286 = arith.muli %get3A_283, %mul3A_285 : vector<16xi32>
        %add3A_287 = arith.addi %mul3A_286, %mul3A_5 : vector<16xi32>
        %get3A_288 = arith.index_cast %add3A_274 : i32 to index
        %get3A_289 = arith.constant 32 : index
        %get3A_290 = tpu.vector_load %arg8[%get3A_288, %get3A_289] {strides = array<i32>} : memref<8x128xi32, #tpu.memory_space<vmem>>, vector<16xi32>,
        %mul3A_291 = arith.constant 64 : i32
        %mul3A_292 = vector.broadcast %mul3A_291 : i32 to vector<16xi32>
        %mul3A_293 = arith.muli %get3A_290, %mul3A_292 : vector<16xi32>
        %add3A_294 = arith.addi %mul3A_293, %mul3A_5 : vector<16xi32>
        %get3A_295 = arith.index_cast %add3A_274 : i32 to index
        %get3A_296 = arith.constant 48 : index
        %get3A_297 = tpu.vector_load %arg8[%get3A_295, %get3A_296] {strides = array<i32>} : memref<8x128xi32, #tpu.memory_space<vmem>>, vector<16xi32>,
        %mul3A_298 = arith.constant 64 : i32
        %mul3A_299 = vector.broadcast %mul3A_298 : i32 to vector<16xi32>
        %mul3A_300 = arith.muli %get3A_297, %mul3A_299 : vector<16xi32>
        %add3A_301 = arith.addi %mul3A_300, %mul3A_5 : vector<16xi32>
        %get3A_302 = arith.index_cast %add3A_274 : i32 to index
        %get3A_303 = arith.constant 64 : index
        %get3A_304 = tpu.vector_load %arg8[%get3A_302, %get3A_303] {strides = array<i32>} : memref<8x128xi32, #tpu.memory_space<vmem>>, vector<16xi32>,
        %mul3A_305 = arith.constant 64 : i32
        %mul3A_306 = vector.broadcast %mul3A_305 : i32 to vector<16xi32>
        %mul3A_307 = arith.muli %get3A_304, %mul3A_306 : vector<16xi32>
        %add3A_308 = arith.addi %mul3A_307, %mul3A_5 : vector<16xi32>
        %get3A_309 = arith.index_cast %add3A_274 : i32 to index
        %get3A_310 = arith.constant 80 : index
        %get3A_311 = tpu.vector_load %arg8[%get3A_309, %get3A_310] {strides = array<i32>} : memref<8x128xi32, #tpu.memory_space<vmem>>, vector<16xi32>,
        %mul3A_312 = arith.constant 64 : i32
        %mul3A_313 = vector.broadcast %mul3A_312 : i32 to vector<16xi32>
        %mul3A_314 = arith.muli %get3A_311, %mul3A_313 : vector<16xi32>
        %add3A_315 = arith.addi %mul3A_314, %mul3A_5 : vector<16xi32>
        %get3A_316 = arith.index_cast %add3A_274 : i32 to index
        %get3A_317 = arith.constant 96 : index
        %get3A_318 = tpu.vector_load %arg8[%get3A_316, %get3A_317] {strides = array<i32>} : memref<8x128xi32, #tpu.memory_space<vmem>>, vector<16xi32>,
        %mul3A_319 = arith.constant 64 : i32
        %mul3A_320 = vector.broadcast %mul3A_319 : i32 to vector<16xi32>
        %mul3A_321 = arith.muli %get3A_318, %mul3A_320 : vector<16xi32>
        %add3A_322 = arith.addi %mul3A_321, %mul3A_5 : vector<16xi32>
        %get3A_323 = arith.index_cast %add3A_274 : i32 to index
        %get3A_324 = arith.constant 112 : index
        %get3A_325 = tpu.vector_load %arg8[%get3A_323, %get3A_324] {strides = array<i32>} : memref<8x128xi32, #tpu.memory_space<vmem>>, vector<16xi32>,
        %mul3A_326 = arith.constant 64 : i32
        %mul3A_327 = vector.broadcast %mul3A_326 : i32 to vector<16xi32>
        %mul3A_328 = arith.muli %get3A_325, %mul3A_327 : vector<16xi32>
        %add3A_329 = arith.addi %mul3A_328, %mul3A_5 : vector<16xi32>
        %parallel_loop3A_330 = arith.constant 0 : i32
        %parallel_loop3A_331 = arith.constant 64 : i32
        %parallel_loop3A_332 = arith.constant 1 : i32
        scf.for %parallel_loop3A_550 = %parallel_loop3A_330 to %parallel_loop3A_331 step %parallel_loop3A_332  : i32 {
          %parallel_loop3A_551 = vector.broadcast %parallel_loop3A_550 : i32 to vector<16xi32>
          %parallel_loop3A_552 = arith.addi %add3A_280, %parallel_loop3A_551 : vector<16xi32>
          %parallel_loop3A_553 = tpu.vector_load_idx %arg6[%parallel_loop3A_552] : memref<50192xf32, #tpu.memory_space<vmem>>[vector<16xi32>], vector<16xf32>,
          %parallel_loop3A_554 = arith.constant 0 : i32
          %parallel_loop3A_555 = arith.index_cast %parallel_loop3A_554 : i32 to index
          %parallel_loop3A_556 = arith.index_cast %parallel_loop3A_550 : i32 to index
          %parallel_loop3A_557 = arith.constant 0 : index
          %parallel_loop3A_558 = tpu.vector_load %arg9[%parallel_loop3A_555, %parallel_loop3A_556, %parallel_loop3A_557] {strides = array<i32>} : memref<2x64x128xf32, #tpu.memory_space<vmem>>, vector<16xf32>,
          tpu.vector_store %arg9[%parallel_loop3A_555, %parallel_loop3A_556, %parallel_loop3A_557], %parallel_loop3A_553 {strides = array<i32>} : memref<2x64x128xf32, #tpu.memory_space<vmem>>, vector<16xf32>,
          %parallel_loop3A_559 = vector.broadcast %parallel_loop3A_550 : i32 to vector<16xi32>
          %parallel_loop3A_560 = arith.addi %add3A_287, %parallel_loop3A_559 : vector<16xi32>
          %parallel_loop3A_561 = tpu.vector_load_idx %arg6[%parallel_loop3A_560] : memref<50192xf32, #tpu.memory_space<vmem>>[vector<16xi32>], vector<16xf32>,
          %parallel_loop3A_562 = arith.constant 0 : i32
          %parallel_loop3A_563 = arith.index_cast %parallel_loop3A_562 : i32 to index
          %parallel_loop3A_564 = arith.index_cast %parallel_loop3A_550 : i32 to index
          %parallel_loop3A_565 = arith.constant 16 : index
          %parallel_loop3A_566 = tpu.vector_load %arg9[%parallel_loop3A_563, %parallel_loop3A_564, %parallel_loop3A_565] {strides = array<i32>} : memref<2x64x128xf32, #tpu.memory_space<vmem>>, vector<16xf32>,
          tpu.vector_store %arg9[%parallel_loop3A_563, %parallel_loop3A_564, %parallel_loop3A_565], %parallel_loop3A_561 {strides = array<i32>} : memref<2x64x128xf32, #tpu.memory_space<vmem>>, vector<16xf32>,
          %parallel_loop3A_567 = vector.broadcast %parallel_loop3A_550 : i32 to vector<16xi32>
          %parallel_loop3A_568 = arith.addi %add3A_294, %parallel_loop3A_567 : vector<16xi32>
          %parallel_loop3A_569 = tpu.vector_load_idx %arg6[%parallel_loop3A_568] : memref<50192xf32, #tpu.memory_space<vmem>>[vector<16xi32>], vector<16xf32>,
          %parallel_loop3A_570 = arith.constant 0 : i32
          %parallel_loop3A_571 = arith.index_cast %parallel_loop3A_570 : i32 to index
          %parallel_loop3A_572 = arith.index_cast %parallel_loop3A_550 : i32 to index
          %parallel_loop3A_573 = arith.constant 32 : index
          %parallel_loop3A_574 = tpu.vector_load %arg9[%parallel_loop3A_571, %parallel_loop3A_572, %parallel_loop3A_573] {strides = array<i32>} : memref<2x64x128xf32, #tpu.memory_space<vmem>>, vector<16xf32>,
          tpu.vector_store %arg9[%parallel_loop3A_571, %parallel_loop3A_572, %parallel_loop3A_573], %parallel_loop3A_569 {strides = array<i32>} : memref<2x64x128xf32, #tpu.memory_space<vmem>>, vector<16xf32>,
          %parallel_loop3A_575 = vector.broadcast %parallel_loop3A_550 : i32 to vector<16xi32>
          %parallel_loop3A_576 = arith.addi %add3A_301, %parallel_loop3A_575 : vector<16xi32>
          %parallel_loop3A_577 = tpu.vector_load_idx %arg6[%parallel_loop3A_576] : memref<50192xf32, #tpu.memory_space<vmem>>[vector<16xi32>], vector<16xf32>,
          %parallel_loop3A_578 = arith.constant 0 : i32
          %parallel_loop3A_579 = arith.index_cast %parallel_loop3A_578 : i32 to index
          %parallel_loop3A_580 = arith.index_cast %parallel_loop3A_550 : i32 to index
          %parallel_loop3A_581 = arith.constant 48 : index
          %parallel_loop3A_582 = tpu.vector_load %arg9[%parallel_loop3A_579, %parallel_loop3A_580, %parallel_loop3A_581] {strides = array<i32>} : memref<2x64x128xf32, #tpu.memory_space<vmem>>, vector<16xf32>,
          tpu.vector_store %arg9[%parallel_loop3A_579, %parallel_loop3A_580, %parallel_loop3A_581], %parallel_loop3A_577 {strides = array<i32>} : memref<2x64x128xf32, #tpu.memory_space<vmem>>, vector<16xf32>,
          %parallel_loop3A_583 = vector.broadcast %parallel_loop3A_550 : i32 to vector<16xi32>
          %parallel_loop3A_584 = arith.addi %add3A_308, %parallel_loop3A_583 : vector<16xi32>
          %parallel_loop3A_585 = tpu.vector_load_idx %arg6[%parallel_loop3A_584] : memref<50192xf32, #tpu.memory_space<vmem>>[vector<16xi32>], vector<16xf32>,
          %parallel_loop3A_586 = arith.constant 0 : i32
          %parallel_loop3A_587 = arith.index_cast %parallel_loop3A_586 : i32 to index
          %parallel_loop3A_588 = arith.index_cast %parallel_loop3A_550 : i32 to index
          %parallel_loop3A_589 = arith.constant 64 : index
          %parallel_loop3A_590 = tpu.vector_load %arg9[%parallel_loop3A_587, %parallel_loop3A_588, %parallel_loop3A_589] {strides = array<i32>} : memref<2x64x128xf32, #tpu.memory_space<vmem>>, vector<16xf32>,
          tpu.vector_store %arg9[%parallel_loop3A_587, %parallel_loop3A_588, %parallel_loop3A_589], %parallel_loop3A_585 {strides = array<i32>} : memref<2x64x128xf32, #tpu.memory_space<vmem>>, vector<16xf32>,
          %parallel_loop3A_591 = vector.broadcast %parallel_loop3A_550 : i32 to vector<16xi32>
          %parallel_loop3A_592 = arith.addi %add3A_315, %parallel_loop3A_591 : vector<16xi32>
          %parallel_loop3A_593 = tpu.vector_load_idx %arg6[%parallel_loop3A_592] : memref<50192xf32, #tpu.memory_space<vmem>>[vector<16xi32>], vector<16xf32>,
          %parallel_loop3A_594 = arith.constant 0 : i32
          %parallel_loop3A_595 = arith.index_cast %parallel_loop3A_594 : i32 to index
          %parallel_loop3A_596 = arith.index_cast %parallel_loop3A_550 : i32 to index
          %parallel_loop3A_597 = arith.constant 80 : index
          %parallel_loop3A_598 = tpu.vector_load %arg9[%parallel_loop3A_595, %parallel_loop3A_596, %parallel_loop3A_597] {strides = array<i32>} : memref<2x64x128xf32, #tpu.memory_space<vmem>>, vector<16xf32>,
          tpu.vector_store %arg9[%parallel_loop3A_595, %parallel_loop3A_596, %parallel_loop3A_597], %parallel_loop3A_593 {strides = array<i32>} : memref<2x64x128xf32, #tpu.memory_space<vmem>>, vector<16xf32>,
          %parallel_loop3A_599 = vector.broadcast %parallel_loop3A_550 : i32 to vector<16xi32>
          %parallel_loop3A_600 = arith.addi %add3A_322, %parallel_loop3A_599 : vector<16xi32>
          %parallel_loop3A_601 = tpu.vector_load_idx %arg6[%parallel_loop3A_600] : memref<50192xf32, #tpu.memory_space<vmem>>[vector<16xi32>], vector<16xf32>,
          %parallel_loop3A_602 = arith.constant 0 : i32
          %parallel_loop3A_603 = arith.index_cast %parallel_loop3A_602 : i32 to index
          %parallel_loop3A_604 = arith.index_cast %parallel_loop3A_550 : i32 to index
          %parallel_loop3A_605 = arith.constant 96 : index
          %parallel_loop3A_606 = tpu.vector_load %arg9[%parallel_loop3A_603, %parallel_loop3A_604, %parallel_loop3A_605] {strides = array<i32>} : memref<2x64x128xf32, #tpu.memory_space<vmem>>, vector<16xf32>,
          tpu.vector_store %arg9[%parallel_loop3A_603, %parallel_loop3A_604, %parallel_loop3A_605], %parallel_loop3A_601 {strides = array<i32>} : memref<2x64x128xf32, #tpu.memory_space<vmem>>, vector<16xf32>,
          %parallel_loop3A_607 = vector.broadcast %parallel_loop3A_550 : i32 to vector<16xi32>
          %parallel_loop3A_608 = arith.addi %add3A_329, %parallel_loop3A_607 : vector<16xi32>
          %parallel_loop3A_609 = tpu.vector_load_idx %arg6[%parallel_loop3A_608] : memref<50192xf32, #tpu.memory_space<vmem>>[vector<16xi32>], vector<16xf32>,
          %parallel_loop3A_610 = arith.constant 0 : i32
          %parallel_loop3A_611 = arith.index_cast %parallel_loop3A_610 : i32 to index
          %parallel_loop3A_612 = arith.index_cast %parallel_loop3A_550 : i32 to index
          %parallel_loop3A_613 = arith.constant 112 : index
          %parallel_loop3A_614 = tpu.vector_load %arg9[%parallel_loop3A_611, %parallel_loop3A_612, %parallel_loop3A_613] {strides = array<i32>} : memref<2x64x128xf32, #tpu.memory_space<vmem>>, vector<16xf32>,
          tpu.vector_store %arg9[%parallel_loop3A_611, %parallel_loop3A_612, %parallel_loop3A_613], %parallel_loop3A_609 {strides = array<i32>} : memref<2x64x128xf32, #tpu.memory_space<vmem>>, vector<16xf32>,
        } {sc.loop_unroll_factor = 1 : i64, sc.parallel_access}
        %mul3A_333 = arith.constant 2 : i32
        %mul3A_334 = arith.muli %add3A_260, %mul3A_333 : i32
        %add3A_335 = arith.constant 1 : i32
        %add3A_336 = arith.addi %mul3A_334, %add3A_335 : i32
        %get3A_337 = arith.index_cast %add3A_336 : i32 to index
        %get3A_338 = arith.constant 0 : index
        %get3A_339 = tpu.vector_load %arg8[%get3A_337, %get3A_338] {strides = array<i32>} : memref<8x128xi32, #tpu.memory_space<vmem>>, vector<16xi32>,
        %mul3A_340 = arith.constant 64 : i32
        %mul3A_341 = vector.broadcast %mul3A_340 : i32 to vector<16xi32>
        %mul3A_342 = arith.muli %get3A_339, %mul3A_341 : vector<16xi32>
        %add3A_343 = arith.addi %mul3A_342, %mul3A_5 : vector<16xi32>
        %get3A_344 = arith.index_cast %add3A_336 : i32 to index
        %get3A_345 = arith.constant 16 : index
        %get3A_346 = tpu.vector_load %arg8[%get3A_344, %get3A_345] {strides = array<i32>} : memref<8x128xi32, #tpu.memory_space<vmem>>, vector<16xi32>,
        %mul3A_347 = arith.constant 64 : i32
        %mul3A_348 = vector.broadcast %mul3A_347 : i32 to vector<16xi32>
        %mul3A_349 = arith.muli %get3A_346, %mul3A_348 : vector<16xi32>
        %add3A_350 = arith.addi %mul3A_349, %mul3A_5 : vector<16xi32>
        %get3A_351 = arith.index_cast %add3A_336 : i32 to index
        %get3A_352 = arith.constant 32 : index
        %get3A_353 = tpu.vector_load %arg8[%get3A_351, %get3A_352] {strides = array<i32>} : memref<8x128xi32, #tpu.memory_space<vmem>>, vector<16xi32>,
        %mul3A_354 = arith.constant 64 : i32
        %mul3A_355 = vector.broadcast %mul3A_354 : i32 to vector<16xi32>
        %mul3A_356 = arith.muli %get3A_353, %mul3A_355 : vector<16xi32>
        %add3A_357 = arith.addi %mul3A_356, %mul3A_5 : vector<16xi32>
        %get3A_358 = arith.index_cast %add3A_336 : i32 to index
        %get3A_359 = arith.constant 48 : index
        %get3A_360 = tpu.vector_load %arg8[%get3A_358, %get3A_359] {strides = array<i32>} : memref<8x128xi32, #tpu.memory_space<vmem>>, vector<16xi32>,
        %mul3A_361 = arith.constant 64 : i32
        %mul3A_362 = vector.broadcast %mul3A_361 : i32 to vector<16xi32>
        %mul3A_363 = arith.muli %get3A_360, %mul3A_362 : vector<16xi32>
        %add3A_364 = arith.addi %mul3A_363, %mul3A_5 : vector<16xi32>
        %get3A_365 = arith.index_cast %add3A_336 : i32 to index
        %get3A_366 = arith.constant 64 : index
        %get3A_367 = tpu.vector_load %arg8[%get3A_365, %get3A_366] {strides = array<i32>} : memref<8x128xi32, #tpu.memory_space<vmem>>, vector<16xi32>,
        %mul3A_368 = arith.constant 64 : i32
        %mul3A_369 = vector.broadcast %mul3A_368 : i32 to vector<16xi32>
        %mul3A_370 = arith.muli %get3A_367, %mul3A_369 : vector<16xi32>
        %add3A_371 = arith.addi %mul3A_370, %mul3A_5 : vector<16xi32>
        %get3A_372 = arith.index_cast %add3A_336 : i32 to index
        %get3A_373 = arith.constant 80 : index
        %get3A_374 = tpu.vector_load %arg8[%get3A_372, %get3A_373] {strides = array<i32>} : memref<8x128xi32, #tpu.memory_space<vmem>>, vector<16xi32>,
        %mul3A_375 = arith.constant 64 : i32
        %mul3A_376 = vector.broadcast %mul3A_375 : i32 to vector<16xi32>
        %mul3A_377 = arith.muli %get3A_374, %mul3A_376 : vector<16xi32>
        %add3A_378 = arith.addi %mul3A_377, %mul3A_5 : vector<16xi32>
        %get3A_379 = arith.index_cast %add3A_336 : i32 to index
        %get3A_380 = arith.constant 96 : index
        %get3A_381 = tpu.vector_load %arg8[%get3A_379, %get3A_380] {strides = array<i32>} : memref<8x128xi32, #tpu.memory_space<vmem>>, vector<16xi32>,
        %mul3A_382 = arith.constant 64 : i32
        %mul3A_383 = vector.broadcast %mul3A_382 : i32 to vector<16xi32>
        %mul3A_384 = arith.muli %get3A_381, %mul3A_383 : vector<16xi32>
        %add3A_385 = arith.addi %mul3A_384, %mul3A_5 : vector<16xi32>
        %get3A_386 = arith.index_cast %add3A_336 : i32 to index
        %get3A_387 = arith.constant 112 : index
        %get3A_388 = tpu.vector_load %arg8[%get3A_386, %get3A_387] {strides = array<i32>} : memref<8x128xi32, #tpu.memory_space<vmem>>, vector<16xi32>,
        %mul3A_389 = arith.constant 64 : i32
        %mul3A_390 = vector.broadcast %mul3A_389 : i32 to vector<16xi32>
        %mul3A_391 = arith.muli %get3A_388, %mul3A_390 : vector<16xi32>
        %add3A_392 = arith.addi %mul3A_391, %mul3A_5 : vector<16xi32>
        %parallel_loop3A_393 = arith.constant 0 : i32
        %parallel_loop3A_394 = arith.constant 64 : i32
        %parallel_loop3A_395 = arith.constant 1 : i32
        scf.for %parallel_loop3A_550 = %parallel_loop3A_393 to %parallel_loop3A_394 step %parallel_loop3A_395  : i32 {
          %parallel_loop3A_551 = vector.broadcast %parallel_loop3A_550 : i32 to vector<16xi32>
          %parallel_loop3A_552 = arith.addi %add3A_343, %parallel_loop3A_551 : vector<16xi32>
          %parallel_loop3A_553 = tpu.vector_load_idx %arg6[%parallel_loop3A_552] : memref<50192xf32, #tpu.memory_space<vmem>>[vector<16xi32>], vector<16xf32>,
          %parallel_loop3A_554 = arith.constant 1 : i32
          %parallel_loop3A_555 = arith.index_cast %parallel_loop3A_554 : i32 to index
          %parallel_loop3A_556 = arith.index_cast %parallel_loop3A_550 : i32 to index
          %parallel_loop3A_557 = arith.constant 0 : index
          %parallel_loop3A_558 = tpu.vector_load %arg9[%parallel_loop3A_555, %parallel_loop3A_556, %parallel_loop3A_557] {strides = array<i32>} : memref<2x64x128xf32, #tpu.memory_space<vmem>>, vector<16xf32>,
          tpu.vector_store %arg9[%parallel_loop3A_555, %parallel_loop3A_556, %parallel_loop3A_557], %parallel_loop3A_553 {strides = array<i32>} : memref<2x64x128xf32, #tpu.memory_space<vmem>>, vector<16xf32>,
          %parallel_loop3A_559 = vector.broadcast %parallel_loop3A_550 : i32 to vector<16xi32>
          %parallel_loop3A_560 = arith.addi %add3A_350, %parallel_loop3A_559 : vector<16xi32>
          %parallel_loop3A_561 = tpu.vector_load_idx %arg6[%parallel_loop3A_560] : memref<50192xf32, #tpu.memory_space<vmem>>[vector<16xi32>], vector<16xf32>,
          %parallel_loop3A_562 = arith.constant 1 : i32
          %parallel_loop3A_563 = arith.index_cast %parallel_loop3A_562 : i32 to index
          %parallel_loop3A_564 = arith.index_cast %parallel_loop3A_550 : i32 to index
          %parallel_loop3A_565 = arith.constant 16 : index
          %parallel_loop3A_566 = tpu.vector_load %arg9[%parallel_loop3A_563, %parallel_loop3A_564, %parallel_loop3A_565] {strides = array<i32>} : memref<2x64x128xf32, #tpu.memory_space<vmem>>, vector<16xf32>,
          tpu.vector_store %arg9[%parallel_loop3A_563, %parallel_loop3A_564, %parallel_loop3A_565], %parallel_loop3A_561 {strides = array<i32>} : memref<2x64x128xf32, #tpu.memory_space<vmem>>, vector<16xf32>,
          %parallel_loop3A_567 = vector.broadcast %parallel_loop3A_550 : i32 to vector<16xi32>
          %parallel_loop3A_568 = arith.addi %add3A_357, %parallel_loop3A_567 : vector<16xi32>
          %parallel_loop3A_569 = tpu.vector_load_idx %arg6[%parallel_loop3A_568] : memref<50192xf32, #tpu.memory_space<vmem>>[vector<16xi32>], vector<16xf32>,
          %parallel_loop3A_570 = arith.constant 1 : i32
          %parallel_loop3A_571 = arith.index_cast %parallel_loop3A_570 : i32 to index
          %parallel_loop3A_572 = arith.index_cast %parallel_loop3A_550 : i32 to index
          %parallel_loop3A_573 = arith.constant 32 : index
          %parallel_loop3A_574 = tpu.vector_load %arg9[%parallel_loop3A_571, %parallel_loop3A_572, %parallel_loop3A_573] {strides = array<i32>} : memref<2x64x128xf32, #tpu.memory_space<vmem>>, vector<16xf32>,
          tpu.vector_store %arg9[%parallel_loop3A_571, %parallel_loop3A_572, %parallel_loop3A_573], %parallel_loop3A_569 {strides = array<i32>} : memref<2x64x128xf32, #tpu.memory_space<vmem>>, vector<16xf32>,
          %parallel_loop3A_575 = vector.broadcast %parallel_loop3A_550 : i32 to vector<16xi32>
          %parallel_loop3A_576 = arith.addi %add3A_364, %parallel_loop3A_575 : vector<16xi32>
          %parallel_loop3A_577 = tpu.vector_load_idx %arg6[%parallel_loop3A_576] : memref<50192xf32, #tpu.memory_space<vmem>>[vector<16xi32>], vector<16xf32>,
          %parallel_loop3A_578 = arith.constant 1 : i32
          %parallel_loop3A_579 = arith.index_cast %parallel_loop3A_578 : i32 to index
          %parallel_loop3A_580 = arith.index_cast %parallel_loop3A_550 : i32 to index
          %parallel_loop3A_581 = arith.constant 48 : index
          %parallel_loop3A_582 = tpu.vector_load %arg9[%parallel_loop3A_579, %parallel_loop3A_580, %parallel_loop3A_581] {strides = array<i32>} : memref<2x64x128xf32, #tpu.memory_space<vmem>>, vector<16xf32>,
          tpu.vector_store %arg9[%parallel_loop3A_579, %parallel_loop3A_580, %parallel_loop3A_581], %parallel_loop3A_577 {strides = array<i32>} : memref<2x64x128xf32, #tpu.memory_space<vmem>>, vector<16xf32>,
          %parallel_loop3A_583 = vector.broadcast %parallel_loop3A_550 : i32 to vector<16xi32>
          %parallel_loop3A_584 = arith.addi %add3A_371, %parallel_loop3A_583 : vector<16xi32>
          %parallel_loop3A_585 = tpu.vector_load_idx %arg6[%parallel_loop3A_584] : memref<50192xf32, #tpu.memory_space<vmem>>[vector<16xi32>], vector<16xf32>,
          %parallel_loop3A_586 = arith.constant 1 : i32
          %parallel_loop3A_587 = arith.index_cast %parallel_loop3A_586 : i32 to index
          %parallel_loop3A_588 = arith.index_cast %parallel_loop3A_550 : i32 to index
          %parallel_loop3A_589 = arith.constant 64 : index
          %parallel_loop3A_590 = tpu.vector_load %arg9[%parallel_loop3A_587, %parallel_loop3A_588, %parallel_loop3A_589] {strides = array<i32>} : memref<2x64x128xf32, #tpu.memory_space<vmem>>, vector<16xf32>,
          tpu.vector_store %arg9[%parallel_loop3A_587, %parallel_loop3A_588, %parallel_loop3A_589], %parallel_loop3A_585 {strides = array<i32>} : memref<2x64x128xf32, #tpu.memory_space<vmem>>, vector<16xf32>,
          %parallel_loop3A_591 = vector.broadcast %parallel_loop3A_550 : i32 to vector<16xi32>
          %parallel_loop3A_592 = arith.addi %add3A_378, %parallel_loop3A_591 : vector<16xi32>
          %parallel_loop3A_593 = tpu.vector_load_idx %arg6[%parallel_loop3A_592] : memref<50192xf32, #tpu.memory_space<vmem>>[vector<16xi32>], vector<16xf32>,
          %parallel_loop3A_594 = arith.constant 1 : i32
          %parallel_loop3A_595 = arith.index_cast %parallel_loop3A_594 : i32 to index
          %parallel_loop3A_596 = arith.index_cast %parallel_loop3A_550 : i32 to index
          %parallel_loop3A_597 = arith.constant 80 : index
          %parallel_loop3A_598 = tpu.vector_load %arg9[%parallel_loop3A_595, %parallel_loop3A_596, %parallel_loop3A_597] {strides = array<i32>} : memref<2x64x128xf32, #tpu.memory_space<vmem>>, vector<16xf32>,
          tpu.vector_store %arg9[%parallel_loop3A_595, %parallel_loop3A_596, %parallel_loop3A_597], %parallel_loop3A_593 {strides = array<i32>} : memref<2x64x128xf32, #tpu.memory_space<vmem>>, vector<16xf32>,
          %parallel_loop3A_599 = vector.broadcast %parallel_loop3A_550 : i32 to vector<16xi32>
          %parallel_loop3A_600 = arith.addi %add3A_385, %parallel_loop3A_599 : vector<16xi32>
          %parallel_loop3A_601 = tpu.vector_load_idx %arg6[%parallel_loop3A_600] : memref<50192xf32, #tpu.memory_space<vmem>>[vector<16xi32>], vector<16xf32>,
          %parallel_loop3A_602 = arith.constant 1 : i32
          %parallel_loop3A_603 = arith.index_cast %parallel_loop3A_602 : i32 to index
          %parallel_loop3A_604 = arith.index_cast %parallel_loop3A_550 : i32 to index
          %parallel_loop3A_605 = arith.constant 96 : index
          %parallel_loop3A_606 = tpu.vector_load %arg9[%parallel_loop3A_603, %parallel_loop3A_604, %parallel_loop3A_605] {strides = array<i32>} : memref<2x64x128xf32, #tpu.memory_space<vmem>>, vector<16xf32>,
          tpu.vector_store %arg9[%parallel_loop3A_603, %parallel_loop3A_604, %parallel_loop3A_605], %parallel_loop3A_601 {strides = array<i32>} : memref<2x64x128xf32, #tpu.memory_space<vmem>>, vector<16xf32>,
          %parallel_loop3A_607 = vector.broadcast %parallel_loop3A_550 : i32 to vector<16xi32>
          %parallel_loop3A_608 = arith.addi %add3A_392, %parallel_loop3A_607 : vector<16xi32>
          %parallel_loop3A_609 = tpu.vector_load_idx %arg6[%parallel_loop3A_608] : memref<50192xf32, #tpu.memory_space<vmem>>[vector<16xi32>], vector<16xf32>,
          %parallel_loop3A_610 = arith.constant 1 : i32
          %parallel_loop3A_611 = arith.index_cast %parallel_loop3A_610 : i32 to index
          %parallel_loop3A_612 = arith.index_cast %parallel_loop3A_550 : i32 to index
          %parallel_loop3A_613 = arith.constant 112 : index
          %parallel_loop3A_614 = tpu.vector_load %arg9[%parallel_loop3A_611, %parallel_loop3A_612, %parallel_loop3A_613] {strides = array<i32>} : memref<2x64x128xf32, #tpu.memory_space<vmem>>, vector<16xf32>,
          tpu.vector_store %arg9[%parallel_loop3A_611, %parallel_loop3A_612, %parallel_loop3A_613], %parallel_loop3A_609 {strides = array<i32>} : memref<2x64x128xf32, #tpu.memory_space<vmem>>, vector<16xf32>,
        } {sc.loop_unroll_factor = 1 : i64, sc.parallel_access}
        %dma_start3A_396 = arith.constant 0 : i32
        %dma_start3A_397 = arith.constant 0 : i32
        %dma_start3A_398 = tpu.memref_slice %arg4[%add3A_263, %dma_start3A_397, %add3A_194] : memref<200x64x16384xf32, #tpu.memory_space<hbm>> -> memref<2x64x128xf32, #tpu.memory_space<hbm>>
        %dma_start3A_399 = tpu.memref_slice %arg12[%dma_start3A_396] : memref<2x!tpu.dma_semaphore, #tpu.memory_space<semaphore_mem>> -> memref<1x!tpu.dma_semaphore, #tpu.memory_space<semaphore_mem>>
        %dma_start3A_400 = tpu.memref_squeeze %dma_start3A_399 : memref<1x!tpu.dma_semaphore, #tpu.memory_space<semaphore_mem>> -> memref<!tpu.dma_semaphore, #tpu.memory_space<semaphore_mem>>
        %dma_start3A_401 = arith.constant 0 : i32
        %dma_start3A_402 = tpu.memref_slice %arg4[%add3A_263, %dma_start3A_401, %add3A_194] : memref<200x64x16384xf32, #tpu.memory_space<hbm>> -> memref<2x64x128xf32, #tpu.memory_space<hbm>>
        tpu.enqueue_dma source(%arg9 : memref<2x64x128xf32, #tpu.memory_space<vmem>>) target(%dma_start3A_402 : memref<2x64x128xf32, #tpu.memory_space<hbm>>) target_semaphore(%dma_start3A_400 : memref<!tpu.dma_semaphore, #tpu.memory_space<semaphore_mem>>)
        %mul3A_403 = arith.constant 2 : i32
        %mul3A_404 = arith.muli %scan3A_256, %mul3A_403 : i32
        %add3A_405 = arith.constant 1 : i32
        %add3A_406 = arith.addi %mul3A_404, %add3A_405 : i32
        %mul3A_407 = arith.constant 2 : i32
        %mul3A_408 = arith.muli %add3A_406, %mul3A_407 : i32
        %add3A_409 = arith.addi %mul3A_191, %mul3A_408 : i32
        %dma_wait3A_410 = arith.constant 1 : i32
        %dma_wait3A_411 = arith.constant 0 : i32
        %dma_wait3A_412 = tpu.memref_slice %arg4[%add3A_409, %dma_wait3A_411, %add3A_194] : memref<200x64x16384xf32, #tpu.memory_space<hbm>> -> memref<2x64x128xf32, #tpu.memory_space<hbm>>
        %dma_wait3A_413 = tpu.memref_slice %arg12[%dma_wait3A_410] : memref<2x!tpu.dma_semaphore, #tpu.memory_space<semaphore_mem>> -> memref<1x!tpu.dma_semaphore, #tpu.memory_space<semaphore_mem>>
        %dma_wait3A_414 = tpu.memref_squeeze %dma_wait3A_413 : memref<1x!tpu.dma_semaphore, #tpu.memory_space<semaphore_mem>> -> memref<!tpu.dma_semaphore, #tpu.memory_space<semaphore_mem>>
        %dma_wait3A_415 = arith.constant 0 : i32
        %dma_wait3A_416 = tpu.memref_slice %arg4[%add3A_409, %dma_wait3A_415, %add3A_194] : memref<200x64x16384xf32, #tpu.memory_space<hbm>> -> memref<2x64x128xf32, #tpu.memory_space<hbm>>
        tpu.wait_dma2 semaphore(%dma_wait3A_414 : memref<!tpu.dma_semaphore, #tpu.memory_space<semaphore_mem>>) src(%arg10 : memref<2x64x128xf32, #tpu.memory_space<vmem>>) dst(%dma_wait3A_416 : memref<2x64x128xf32, #tpu.memory_space<hbm>>)
        %mul3A_417 = arith.constant 2 : i32
        %mul3A_418 = arith.muli %add3A_406, %mul3A_417 : i32
        %add3A_419 = arith.constant 0 : i32
        %add3A_420 = arith.addi %mul3A_418, %add3A_419 : i32
        %get3A_421 = arith.index_cast %add3A_420 : i32 to index
        %get3A_422 = arith.constant 0 : index
        %get3A_423 = tpu.vector_load %arg8[%get3A_421, %get3A_422] {strides = array<i32>} : memref<8x128xi32, #tpu.memory_space<vmem>>, vector<16xi32>,
        %mul3A_424 = arith.constant 64 : i32
        %mul3A_425 = vector.broadcast %mul3A_424 : i32 to vector<16xi32>
        %mul3A_426 = arith.muli %get3A_423, %mul3A_425 : vector<16xi32>
        %add3A_427 = arith.addi %mul3A_426, %mul3A_5 : vector<16xi32>
        %get3A_428 = arith.index_cast %add3A_420 : i32 to index
        %get3A_429 = arith.constant 16 : index
        %get3A_430 = tpu.vector_load %arg8[%get3A_428, %get3A_429] {strides = array<i32>} : memref<8x128xi32, #tpu.memory_space<vmem>>, vector<16xi32>,
        %mul3A_431 = arith.constant 64 : i32
        %mul3A_432 = vector.broadcast %mul3A_431 : i32 to vector<16xi32>
        %mul3A_433 = arith.muli %get3A_430, %mul3A_432 : vector<16xi32>
        %add3A_434 = arith.addi %mul3A_433, %mul3A_5 : vector<16xi32>
        %get3A_435 = arith.index_cast %add3A_420 : i32 to index
        %get3A_436 = arith.constant 32 : index
        %get3A_437 = tpu.vector_load %arg8[%get3A_435, %get3A_436] {strides = array<i32>} : memref<8x128xi32, #tpu.memory_space<vmem>>, vector<16xi32>,
        %mul3A_438 = arith.constant 64 : i32
        %mul3A_439 = vector.broadcast %mul3A_438 : i32 to vector<16xi32>
        %mul3A_440 = arith.muli %get3A_437, %mul3A_439 : vector<16xi32>
        %add3A_441 = arith.addi %mul3A_440, %mul3A_5 : vector<16xi32>
        %get3A_442 = arith.index_cast %add3A_420 : i32 to index
        %get3A_443 = arith.constant 48 : index
        %get3A_444 = tpu.vector_load %arg8[%get3A_442, %get3A_443] {strides = array<i32>} : memref<8x128xi32, #tpu.memory_space<vmem>>, vector<16xi32>,
        %mul3A_445 = arith.constant 64 : i32
        %mul3A_446 = vector.broadcast %mul3A_445 : i32 to vector<16xi32>
        %mul3A_447 = arith.muli %get3A_444, %mul3A_446 : vector<16xi32>
        %add3A_448 = arith.addi %mul3A_447, %mul3A_5 : vector<16xi32>
        %get3A_449 = arith.index_cast %add3A_420 : i32 to index
        %get3A_450 = arith.constant 64 : index
        %get3A_451 = tpu.vector_load %arg8[%get3A_449, %get3A_450] {strides = array<i32>} : memref<8x128xi32, #tpu.memory_space<vmem>>, vector<16xi32>,
        %mul3A_452 = arith.constant 64 : i32
        %mul3A_453 = vector.broadcast %mul3A_452 : i32 to vector<16xi32>
        %mul3A_454 = arith.muli %get3A_451, %mul3A_453 : vector<16xi32>
        %add3A_455 = arith.addi %mul3A_454, %mul3A_5 : vector<16xi32>
        %get3A_456 = arith.index_cast %add3A_420 : i32 to index
        %get3A_457 = arith.constant 80 : index
        %get3A_458 = tpu.vector_load %arg8[%get3A_456, %get3A_457] {strides = array<i32>} : memref<8x128xi32, #tpu.memory_space<vmem>>, vector<16xi32>,
        %mul3A_459 = arith.constant 64 : i32
        %mul3A_460 = vector.broadcast %mul3A_459 : i32 to vector<16xi32>
        %mul3A_461 = arith.muli %get3A_458, %mul3A_460 : vector<16xi32>
        %add3A_462 = arith.addi %mul3A_461, %mul3A_5 : vector<16xi32>
        %get3A_463 = arith.index_cast %add3A_420 : i32 to index
        %get3A_464 = arith.constant 96 : index
        %get3A_465 = tpu.vector_load %arg8[%get3A_463, %get3A_464] {strides = array<i32>} : memref<8x128xi32, #tpu.memory_space<vmem>>, vector<16xi32>,
        %mul3A_466 = arith.constant 64 : i32
        %mul3A_467 = vector.broadcast %mul3A_466 : i32 to vector<16xi32>
        %mul3A_468 = arith.muli %get3A_465, %mul3A_467 : vector<16xi32>
        %add3A_469 = arith.addi %mul3A_468, %mul3A_5 : vector<16xi32>
        %get3A_470 = arith.index_cast %add3A_420 : i32 to index
        %get3A_471 = arith.constant 112 : index
        %get3A_472 = tpu.vector_load %arg8[%get3A_470, %get3A_471] {strides = array<i32>} : memref<8x128xi32, #tpu.memory_space<vmem>>, vector<16xi32>,
        %mul3A_473 = arith.constant 64 : i32
        %mul3A_474 = vector.broadcast %mul3A_473 : i32 to vector<16xi32>
        %mul3A_475 = arith.muli %get3A_472, %mul3A_474 : vector<16xi32>
        %add3A_476 = arith.addi %mul3A_475, %mul3A_5 : vector<16xi32>
        %parallel_loop3A_477 = arith.constant 0 : i32
        %parallel_loop3A_478 = arith.constant 64 : i32
        %parallel_loop3A_479 = arith.constant 1 : i32
        scf.for %parallel_loop3A_550 = %parallel_loop3A_477 to %parallel_loop3A_478 step %parallel_loop3A_479  : i32 {
          %parallel_loop3A_551 = vector.broadcast %parallel_loop3A_550 : i32 to vector<16xi32>
          %parallel_loop3A_552 = arith.addi %add3A_427, %parallel_loop3A_551 : vector<16xi32>
          %parallel_loop3A_553 = tpu.vector_load_idx %arg6[%parallel_loop3A_552] : memref<50192xf32, #tpu.memory_space<vmem>>[vector<16xi32>], vector<16xf32>,
          %parallel_loop3A_554 = arith.constant 0 : i32
          %parallel_loop3A_555 = arith.index_cast %parallel_loop3A_554 : i32 to index
          %parallel_loop3A_556 = arith.index_cast %parallel_loop3A_550 : i32 to index
          %parallel_loop3A_557 = arith.constant 0 : index
          %parallel_loop3A_558 = tpu.vector_load %arg10[%parallel_loop3A_555, %parallel_loop3A_556, %parallel_loop3A_557] {strides = array<i32>} : memref<2x64x128xf32, #tpu.memory_space<vmem>>, vector<16xf32>,
          tpu.vector_store %arg10[%parallel_loop3A_555, %parallel_loop3A_556, %parallel_loop3A_557], %parallel_loop3A_553 {strides = array<i32>} : memref<2x64x128xf32, #tpu.memory_space<vmem>>, vector<16xf32>,
          %parallel_loop3A_559 = vector.broadcast %parallel_loop3A_550 : i32 to vector<16xi32>
          %parallel_loop3A_560 = arith.addi %add3A_434, %parallel_loop3A_559 : vector<16xi32>
          %parallel_loop3A_561 = tpu.vector_load_idx %arg6[%parallel_loop3A_560] : memref<50192xf32, #tpu.memory_space<vmem>>[vector<16xi32>], vector<16xf32>,
          %parallel_loop3A_562 = arith.constant 0 : i32
          %parallel_loop3A_563 = arith.index_cast %parallel_loop3A_562 : i32 to index
          %parallel_loop3A_564 = arith.index_cast %parallel_loop3A_550 : i32 to index
          %parallel_loop3A_565 = arith.constant 16 : index
          %parallel_loop3A_566 = tpu.vector_load %arg10[%parallel_loop3A_563, %parallel_loop3A_564, %parallel_loop3A_565] {strides = array<i32>} : memref<2x64x128xf32, #tpu.memory_space<vmem>>, vector<16xf32>,
          tpu.vector_store %arg10[%parallel_loop3A_563, %parallel_loop3A_564, %parallel_loop3A_565], %parallel_loop3A_561 {strides = array<i32>} : memref<2x64x128xf32, #tpu.memory_space<vmem>>, vector<16xf32>,
          %parallel_loop3A_567 = vector.broadcast %parallel_loop3A_550 : i32 to vector<16xi32>
          %parallel_loop3A_568 = arith.addi %add3A_441, %parallel_loop3A_567 : vector<16xi32>
          %parallel_loop3A_569 = tpu.vector_load_idx %arg6[%parallel_loop3A_568] : memref<50192xf32, #tpu.memory_space<vmem>>[vector<16xi32>], vector<16xf32>,
          %parallel_loop3A_570 = arith.constant 0 : i32
          %parallel_loop3A_571 = arith.index_cast %parallel_loop3A_570 : i32 to index
          %parallel_loop3A_572 = arith.index_cast %parallel_loop3A_550 : i32 to index
          %parallel_loop3A_573 = arith.constant 32 : index
          %parallel_loop3A_574 = tpu.vector_load %arg10[%parallel_loop3A_571, %parallel_loop3A_572, %parallel_loop3A_573] {strides = array<i32>} : memref<2x64x128xf32, #tpu.memory_space<vmem>>, vector<16xf32>,
          tpu.vector_store %arg10[%parallel_loop3A_571, %parallel_loop3A_572, %parallel_loop3A_573], %parallel_loop3A_569 {strides = array<i32>} : memref<2x64x128xf32, #tpu.memory_space<vmem>>, vector<16xf32>,
          %parallel_loop3A_575 = vector.broadcast %parallel_loop3A_550 : i32 to vector<16xi32>
          %parallel_loop3A_576 = arith.addi %add3A_448, %parallel_loop3A_575 : vector<16xi32>
          %parallel_loop3A_577 = tpu.vector_load_idx %arg6[%parallel_loop3A_576] : memref<50192xf32, #tpu.memory_space<vmem>>[vector<16xi32>], vector<16xf32>,
          %parallel_loop3A_578 = arith.constant 0 : i32
          %parallel_loop3A_579 = arith.index_cast %parallel_loop3A_578 : i32 to index
          %parallel_loop3A_580 = arith.index_cast %parallel_loop3A_550 : i32 to index
          %parallel_loop3A_581 = arith.constant 48 : index
          %parallel_loop3A_582 = tpu.vector_load %arg10[%parallel_loop3A_579, %parallel_loop3A_580, %parallel_loop3A_581] {strides = array<i32>} : memref<2x64x128xf32, #tpu.memory_space<vmem>>, vector<16xf32>,
          tpu.vector_store %arg10[%parallel_loop3A_579, %parallel_loop3A_580, %parallel_loop3A_581], %parallel_loop3A_577 {strides = array<i32>} : memref<2x64x128xf32, #tpu.memory_space<vmem>>, vector<16xf32>,
          %parallel_loop3A_583 = vector.broadcast %parallel_loop3A_550 : i32 to vector<16xi32>
          %parallel_loop3A_584 = arith.addi %add3A_455, %parallel_loop3A_583 : vector<16xi32>
          %parallel_loop3A_585 = tpu.vector_load_idx %arg6[%parallel_loop3A_584] : memref<50192xf32, #tpu.memory_space<vmem>>[vector<16xi32>], vector<16xf32>,
          %parallel_loop3A_586 = arith.constant 0 : i32
          %parallel_loop3A_587 = arith.index_cast %parallel_loop3A_586 : i32 to index
          %parallel_loop3A_588 = arith.index_cast %parallel_loop3A_550 : i32 to index
          %parallel_loop3A_589 = arith.constant 64 : index
          %parallel_loop3A_590 = tpu.vector_load %arg10[%parallel_loop3A_587, %parallel_loop3A_588, %parallel_loop3A_589] {strides = array<i32>} : memref<2x64x128xf32, #tpu.memory_space<vmem>>, vector<16xf32>,
          tpu.vector_store %arg10[%parallel_loop3A_587, %parallel_loop3A_588, %parallel_loop3A_589], %parallel_loop3A_585 {strides = array<i32>} : memref<2x64x128xf32, #tpu.memory_space<vmem>>, vector<16xf32>,
          %parallel_loop3A_591 = vector.broadcast %parallel_loop3A_550 : i32 to vector<16xi32>
          %parallel_loop3A_592 = arith.addi %add3A_462, %parallel_loop3A_591 : vector<16xi32>
          %parallel_loop3A_593 = tpu.vector_load_idx %arg6[%parallel_loop3A_592] : memref<50192xf32, #tpu.memory_space<vmem>>[vector<16xi32>], vector<16xf32>,
          %parallel_loop3A_594 = arith.constant 0 : i32
          %parallel_loop3A_595 = arith.index_cast %parallel_loop3A_594 : i32 to index
          %parallel_loop3A_596 = arith.index_cast %parallel_loop3A_550 : i32 to index
          %parallel_loop3A_597 = arith.constant 80 : index
          %parallel_loop3A_598 = tpu.vector_load %arg10[%parallel_loop3A_595, %parallel_loop3A_596, %parallel_loop3A_597] {strides = array<i32>} : memref<2x64x128xf32, #tpu.memory_space<vmem>>, vector<16xf32>,
          tpu.vector_store %arg10[%parallel_loop3A_595, %parallel_loop3A_596, %parallel_loop3A_597], %parallel_loop3A_593 {strides = array<i32>} : memref<2x64x128xf32, #tpu.memory_space<vmem>>, vector<16xf32>,
          %parallel_loop3A_599 = vector.broadcast %parallel_loop3A_550 : i32 to vector<16xi32>
          %parallel_loop3A_600 = arith.addi %add3A_469, %parallel_loop3A_599 : vector<16xi32>
          %parallel_loop3A_601 = tpu.vector_load_idx %arg6[%parallel_loop3A_600] : memref<50192xf32, #tpu.memory_space<vmem>>[vector<16xi32>], vector<16xf32>,
          %parallel_loop3A_602 = arith.constant 0 : i32
          %parallel_loop3A_603 = arith.index_cast %parallel_loop3A_602 : i32 to index
          %parallel_loop3A_604 = arith.index_cast %parallel_loop3A_550 : i32 to index
          %parallel_loop3A_605 = arith.constant 96 : index
          %parallel_loop3A_606 = tpu.vector_load %arg10[%parallel_loop3A_603, %parallel_loop3A_604, %parallel_loop3A_605] {strides = array<i32>} : memref<2x64x128xf32, #tpu.memory_space<vmem>>, vector<16xf32>,
          tpu.vector_store %arg10[%parallel_loop3A_603, %parallel_loop3A_604, %parallel_loop3A_605], %parallel_loop3A_601 {strides = array<i32>} : memref<2x64x128xf32, #tpu.memory_space<vmem>>, vector<16xf32>,
          %parallel_loop3A_607 = vector.broadcast %parallel_loop3A_550 : i32 to vector<16xi32>
          %parallel_loop3A_608 = arith.addi %add3A_476, %parallel_loop3A_607 : vector<16xi32>
          %parallel_loop3A_609 = tpu.vector_load_idx %arg6[%parallel_loop3A_608] : memref<50192xf32, #tpu.memory_space<vmem>>[vector<16xi32>], vector<16xf32>,
          %parallel_loop3A_610 = arith.constant 0 : i32
          %parallel_loop3A_611 = arith.index_cast %parallel_loop3A_610 : i32 to index
          %parallel_loop3A_612 = arith.index_cast %parallel_loop3A_550 : i32 to index
          %parallel_loop3A_613 = arith.constant 112 : index
          %parallel_loop3A_614 = tpu.vector_load %arg10[%parallel_loop3A_611, %parallel_loop3A_612, %parallel_loop3A_613] {strides = array<i32>} : memref<2x64x128xf32, #tpu.memory_space<vmem>>, vector<16xf32>,
          tpu.vector_store %arg10[%parallel_loop3A_611, %parallel_loop3A_612, %parallel_loop3A_613], %parallel_loop3A_609 {strides = array<i32>} : memref<2x64x128xf32, #tpu.memory_space<vmem>>, vector<16xf32>,
        } {sc.loop_unroll_factor = 1 : i64, sc.parallel_access}
        %mul3A_480 = arith.constant 2 : i32
        %mul3A_481 = arith.muli %add3A_406, %mul3A_480 : i32
        %add3A_482 = arith.constant 1 : i32
        %add3A_483 = arith.addi %mul3A_481, %add3A_482 : i32
        %get3A_484 = arith.index_cast %add3A_483 : i32 to index
        %get3A_485 = arith.constant 0 : index
        %get3A_486 = tpu.vector_load %arg8[%get3A_484, %get3A_485] {strides = array<i32>} : memref<8x128xi32, #tpu.memory_space<vmem>>, vector<16xi32>,
        %mul3A_487 = arith.constant 64 : i32
        %mul3A_488 = vector.broadcast %mul3A_487 : i32 to vector<16xi32>
        %mul3A_489 = arith.muli %get3A_486, %mul3A_488 : vector<16xi32>
        %add3A_490 = arith.addi %mul3A_489, %mul3A_5 : vector<16xi32>
        %get3A_491 = arith.index_cast %add3A_483 : i32 to index
        %get3A_492 = arith.constant 16 : index
        %get3A_493 = tpu.vector_load %arg8[%get3A_491, %get3A_492] {strides = array<i32>} : memref<8x128xi32, #tpu.memory_space<vmem>>, vector<16xi32>,
        %mul3A_494 = arith.constant 64 : i32
        %mul3A_495 = vector.broadcast %mul3A_494 : i32 to vector<16xi32>
        %mul3A_496 = arith.muli %get3A_493, %mul3A_495 : vector<16xi32>
        %add3A_497 = arith.addi %mul3A_496, %mul3A_5 : vector<16xi32>
        %get3A_498 = arith.index_cast %add3A_483 : i32 to index
        %get3A_499 = arith.constant 32 : index
        %get3A_500 = tpu.vector_load %arg8[%get3A_498, %get3A_499] {strides = array<i32>} : memref<8x128xi32, #tpu.memory_space<vmem>>, vector<16xi32>,
        %mul3A_501 = arith.constant 64 : i32
        %mul3A_502 = vector.broadcast %mul3A_501 : i32 to vector<16xi32>
        %mul3A_503 = arith.muli %get3A_500, %mul3A_502 : vector<16xi32>
        %add3A_504 = arith.addi %mul3A_503, %mul3A_5 : vector<16xi32>
        %get3A_505 = arith.index_cast %add3A_483 : i32 to index
        %get3A_506 = arith.constant 48 : index
        %get3A_507 = tpu.vector_load %arg8[%get3A_505, %get3A_506] {strides = array<i32>} : memref<8x128xi32, #tpu.memory_space<vmem>>, vector<16xi32>,
        %mul3A_508 = arith.constant 64 : i32
        %mul3A_509 = vector.broadcast %mul3A_508 : i32 to vector<16xi32>
        %mul3A_510 = arith.muli %get3A_507, %mul3A_509 : vector<16xi32>
        %add3A_511 = arith.addi %mul3A_510, %mul3A_5 : vector<16xi32>
        %get3A_512 = arith.index_cast %add3A_483 : i32 to index
        %get3A_513 = arith.constant 64 : index
        %get3A_514 = tpu.vector_load %arg8[%get3A_512, %get3A_513] {strides = array<i32>} : memref<8x128xi32, #tpu.memory_space<vmem>>, vector<16xi32>,
        %mul3A_515 = arith.constant 64 : i32
        %mul3A_516 = vector.broadcast %mul3A_515 : i32 to vector<16xi32>
        %mul3A_517 = arith.muli %get3A_514, %mul3A_516 : vector<16xi32>
        %add3A_518 = arith.addi %mul3A_517, %mul3A_5 : vector<16xi32>
        %get3A_519 = arith.index_cast %add3A_483 : i32 to index
        %get3A_520 = arith.constant 80 : index
        %get3A_521 = tpu.vector_load %arg8[%get3A_519, %get3A_520] {strides = array<i32>} : memref<8x128xi32, #tpu.memory_space<vmem>>, vector<16xi32>,
        %mul3A_522 = arith.constant 64 : i32
        %mul3A_523 = vector.broadcast %mul3A_522 : i32 to vector<16xi32>
        %mul3A_524 = arith.muli %get3A_521, %mul3A_523 : vector<16xi32>
        %add3A_525 = arith.addi %mul3A_524, %mul3A_5 : vector<16xi32>
        %get3A_526 = arith.index_cast %add3A_483 : i32 to index
        %get3A_527 = arith.constant 96 : index
        %get3A_528 = tpu.vector_load %arg8[%get3A_526, %get3A_527] {strides = array<i32>} : memref<8x128xi32, #tpu.memory_space<vmem>>, vector<16xi32>,
        %mul3A_529 = arith.constant 64 : i32
        %mul3A_530 = vector.broadcast %mul3A_529 : i32 to vector<16xi32>
        %mul3A_531 = arith.muli %get3A_528, %mul3A_530 : vector<16xi32>
        %add3A_532 = arith.addi %mul3A_531, %mul3A_5 : vector<16xi32>
        %get3A_533 = arith.index_cast %add3A_483 : i32 to index
        %get3A_534 = arith.constant 112 : index
        %get3A_535 = tpu.vector_load %arg8[%get3A_533, %get3A_534] {strides = array<i32>} : memref<8x128xi32, #tpu.memory_space<vmem>>, vector<16xi32>,
        %mul3A_536 = arith.constant 64 : i32
        %mul3A_537 = vector.broadcast %mul3A_536 : i32 to vector<16xi32>
        %mul3A_538 = arith.muli %get3A_535, %mul3A_537 : vector<16xi32>
        %add3A_539 = arith.addi %mul3A_538, %mul3A_5 : vector<16xi32>
        %parallel_loop3A_540 = arith.constant 0 : i32
        %parallel_loop3A_541 = arith.constant 64 : i32
        %parallel_loop3A_542 = arith.constant 1 : i32
        scf.for %parallel_loop3A_550 = %parallel_loop3A_540 to %parallel_loop3A_541 step %parallel_loop3A_542  : i32 {
          %parallel_loop3A_551 = vector.broadcast %parallel_loop3A_550 : i32 to vector<16xi32>
          %parallel_loop3A_552 = arith.addi %add3A_490, %parallel_loop3A_551 : vector<16xi32>
          %parallel_loop3A_553 = tpu.vector_load_idx %arg6[%parallel_loop3A_552] : memref<50192xf32, #tpu.memory_space<vmem>>[vector<16xi32>], vector<16xf32>,
          %parallel_loop3A_554 = arith.constant 1 : i32
          %parallel_loop3A_555 = arith.index_cast %parallel_loop3A_554 : i32 to index
          %parallel_loop3A_556 = arith.index_cast %parallel_loop3A_550 : i32 to index
          %parallel_loop3A_557 = arith.constant 0 : index
          %parallel_loop3A_558 = tpu.vector_load %arg10[%parallel_loop3A_555, %parallel_loop3A_556, %parallel_loop3A_557] {strides = array<i32>} : memref<2x64x128xf32, #tpu.memory_space<vmem>>, vector<16xf32>,
          tpu.vector_store %arg10[%parallel_loop3A_555, %parallel_loop3A_556, %parallel_loop3A_557], %parallel_loop3A_553 {strides = array<i32>} : memref<2x64x128xf32, #tpu.memory_space<vmem>>, vector<16xf32>,
          %parallel_loop3A_559 = vector.broadcast %parallel_loop3A_550 : i32 to vector<16xi32>
          %parallel_loop3A_560 = arith.addi %add3A_497, %parallel_loop3A_559 : vector<16xi32>
          %parallel_loop3A_561 = tpu.vector_load_idx %arg6[%parallel_loop3A_560] : memref<50192xf32, #tpu.memory_space<vmem>>[vector<16xi32>], vector<16xf32>,
          %parallel_loop3A_562 = arith.constant 1 : i32
          %parallel_loop3A_563 = arith.index_cast %parallel_loop3A_562 : i32 to index
          %parallel_loop3A_564 = arith.index_cast %parallel_loop3A_550 : i32 to index
          %parallel_loop3A_565 = arith.constant 16 : index
          %parallel_loop3A_566 = tpu.vector_load %arg10[%parallel_loop3A_563, %parallel_loop3A_564, %parallel_loop3A_565] {strides = array<i32>} : memref<2x64x128xf32, #tpu.memory_space<vmem>>, vector<16xf32>,
          tpu.vector_store %arg10[%parallel_loop3A_563, %parallel_loop3A_564, %parallel_loop3A_565], %parallel_loop3A_561 {strides = array<i32>} : memref<2x64x128xf32, #tpu.memory_space<vmem>>, vector<16xf32>,
          %parallel_loop3A_567 = vector.broadcast %parallel_loop3A_550 : i32 to vector<16xi32>
          %parallel_loop3A_568 = arith.addi %add3A_504, %parallel_loop3A_567 : vector<16xi32>
          %parallel_loop3A_569 = tpu.vector_load_idx %arg6[%parallel_loop3A_568] : memref<50192xf32, #tpu.memory_space<vmem>>[vector<16xi32>], vector<16xf32>,
          %parallel_loop3A_570 = arith.constant 1 : i32
          %parallel_loop3A_571 = arith.index_cast %parallel_loop3A_570 : i32 to index
          %parallel_loop3A_572 = arith.index_cast %parallel_loop3A_550 : i32 to index
          %parallel_loop3A_573 = arith.constant 32 : index
          %parallel_loop3A_574 = tpu.vector_load %arg10[%parallel_loop3A_571, %parallel_loop3A_572, %parallel_loop3A_573] {strides = array<i32>} : memref<2x64x128xf32, #tpu.memory_space<vmem>>, vector<16xf32>,
          tpu.vector_store %arg10[%parallel_loop3A_571, %parallel_loop3A_572, %parallel_loop3A_573], %parallel_loop3A_569 {strides = array<i32>} : memref<2x64x128xf32, #tpu.memory_space<vmem>>, vector<16xf32>,
          %parallel_loop3A_575 = vector.broadcast %parallel_loop3A_550 : i32 to vector<16xi32>
          %parallel_loop3A_576 = arith.addi %add3A_511, %parallel_loop3A_575 : vector<16xi32>
          %parallel_loop3A_577 = tpu.vector_load_idx %arg6[%parallel_loop3A_576] : memref<50192xf32, #tpu.memory_space<vmem>>[vector<16xi32>], vector<16xf32>,
          %parallel_loop3A_578 = arith.constant 1 : i32
          %parallel_loop3A_579 = arith.index_cast %parallel_loop3A_578 : i32 to index
          %parallel_loop3A_580 = arith.index_cast %parallel_loop3A_550 : i32 to index
          %parallel_loop3A_581 = arith.constant 48 : index
          %parallel_loop3A_582 = tpu.vector_load %arg10[%parallel_loop3A_579, %parallel_loop3A_580, %parallel_loop3A_581] {strides = array<i32>} : memref<2x64x128xf32, #tpu.memory_space<vmem>>, vector<16xf32>,
          tpu.vector_store %arg10[%parallel_loop3A_579, %parallel_loop3A_580, %parallel_loop3A_581], %parallel_loop3A_577 {strides = array<i32>} : memref<2x64x128xf32, #tpu.memory_space<vmem>>, vector<16xf32>,
          %parallel_loop3A_583 = vector.broadcast %parallel_loop3A_550 : i32 to vector<16xi32>
          %parallel_loop3A_584 = arith.addi %add3A_518, %parallel_loop3A_583 : vector<16xi32>
          %parallel_loop3A_585 = tpu.vector_load_idx %arg6[%parallel_loop3A_584] : memref<50192xf32, #tpu.memory_space<vmem>>[vector<16xi32>], vector<16xf32>,
          %parallel_loop3A_586 = arith.constant 1 : i32
          %parallel_loop3A_587 = arith.index_cast %parallel_loop3A_586 : i32 to index
          %parallel_loop3A_588 = arith.index_cast %parallel_loop3A_550 : i32 to index
          %parallel_loop3A_589 = arith.constant 64 : index
          %parallel_loop3A_590 = tpu.vector_load %arg10[%parallel_loop3A_587, %parallel_loop3A_588, %parallel_loop3A_589] {strides = array<i32>} : memref<2x64x128xf32, #tpu.memory_space<vmem>>, vector<16xf32>,
          tpu.vector_store %arg10[%parallel_loop3A_587, %parallel_loop3A_588, %parallel_loop3A_589], %parallel_loop3A_585 {strides = array<i32>} : memref<2x64x128xf32, #tpu.memory_space<vmem>>, vector<16xf32>,
          %parallel_loop3A_591 = vector.broadcast %parallel_loop3A_550 : i32 to vector<16xi32>
          %parallel_loop3A_592 = arith.addi %add3A_525, %parallel_loop3A_591 : vector<16xi32>
          %parallel_loop3A_593 = tpu.vector_load_idx %arg6[%parallel_loop3A_592] : memref<50192xf32, #tpu.memory_space<vmem>>[vector<16xi32>], vector<16xf32>,
          %parallel_loop3A_594 = arith.constant 1 : i32
          %parallel_loop3A_595 = arith.index_cast %parallel_loop3A_594 : i32 to index
          %parallel_loop3A_596 = arith.index_cast %parallel_loop3A_550 : i32 to index
          %parallel_loop3A_597 = arith.constant 80 : index
          %parallel_loop3A_598 = tpu.vector_load %arg10[%parallel_loop3A_595, %parallel_loop3A_596, %parallel_loop3A_597] {strides = array<i32>} : memref<2x64x128xf32, #tpu.memory_space<vmem>>, vector<16xf32>,
          tpu.vector_store %arg10[%parallel_loop3A_595, %parallel_loop3A_596, %parallel_loop3A_597], %parallel_loop3A_593 {strides = array<i32>} : memref<2x64x128xf32, #tpu.memory_space<vmem>>, vector<16xf32>,
          %parallel_loop3A_599 = vector.broadcast %parallel_loop3A_550 : i32 to vector<16xi32>
          %parallel_loop3A_600 = arith.addi %add3A_532, %parallel_loop3A_599 : vector<16xi32>
          %parallel_loop3A_601 = tpu.vector_load_idx %arg6[%parallel_loop3A_600] : memref<50192xf32, #tpu.memory_space<vmem>>[vector<16xi32>], vector<16xf32>,
          %parallel_loop3A_602 = arith.constant 1 : i32
          %parallel_loop3A_603 = arith.index_cast %parallel_loop3A_602 : i32 to index
          %parallel_loop3A_604 = arith.index_cast %parallel_loop3A_550 : i32 to index
          %parallel_loop3A_605 = arith.constant 96 : index
          %parallel_loop3A_606 = tpu.vector_load %arg10[%parallel_loop3A_603, %parallel_loop3A_604, %parallel_loop3A_605] {strides = array<i32>} : memref<2x64x128xf32, #tpu.memory_space<vmem>>, vector<16xf32>,
          tpu.vector_store %arg10[%parallel_loop3A_603, %parallel_loop3A_604, %parallel_loop3A_605], %parallel_loop3A_601 {strides = array<i32>} : memref<2x64x128xf32, #tpu.memory_space<vmem>>, vector<16xf32>,
          %parallel_loop3A_607 = vector.broadcast %parallel_loop3A_550 : i32 to vector<16xi32>
          %parallel_loop3A_608 = arith.addi %add3A_539, %parallel_loop3A_607 : vector<16xi32>
          %parallel_loop3A_609 = tpu.vector_load_idx %arg6[%parallel_loop3A_608] : memref<50192xf32, #tpu.memory_space<vmem>>[vector<16xi32>], vector<16xf32>,
          %parallel_loop3A_610 = arith.constant 1 : i32
          %parallel_loop3A_611 = arith.index_cast %parallel_loop3A_610 : i32 to index
          %parallel_loop3A_612 = arith.index_cast %parallel_loop3A_550 : i32 to index
          %parallel_loop3A_613 = arith.constant 112 : index
          %parallel_loop3A_614 = tpu.vector_load %arg10[%parallel_loop3A_611, %parallel_loop3A_612, %parallel_loop3A_613] {strides = array<i32>} : memref<2x64x128xf32, #tpu.memory_space<vmem>>, vector<16xf32>,
          tpu.vector_store %arg10[%parallel_loop3A_611, %parallel_loop3A_612, %parallel_loop3A_613], %parallel_loop3A_609 {strides = array<i32>} : memref<2x64x128xf32, #tpu.memory_space<vmem>>, vector<16xf32>,
        } {sc.loop_unroll_factor = 1 : i64, sc.parallel_access}
        %dma_start3A_543 = arith.constant 1 : i32
        %dma_start3A_544 = arith.constant 0 : i32
        %dma_start3A_545 = tpu.memref_slice %arg4[%add3A_409, %dma_start3A_544, %add3A_194] : memref<200x64x16384xf32, #tpu.memory_space<hbm>> -> memref<2x64x128xf32, #tpu.memory_space<hbm>>
        %dma_start3A_546 = tpu.memref_slice %arg12[%dma_start3A_543] : memref<2x!tpu.dma_semaphore, #tpu.memory_space<semaphore_mem>> -> memref<1x!tpu.dma_semaphore, #tpu.memory_space<semaphore_mem>>
        %dma_start3A_547 = tpu.memref_squeeze %dma_start3A_546 : memref<1x!tpu.dma_semaphore, #tpu.memory_space<semaphore_mem>> -> memref<!tpu.dma_semaphore, #tpu.memory_space<semaphore_mem>>
        %dma_start3A_548 = arith.constant 0 : i32
        %dma_start3A_549 = tpu.memref_slice %arg4[%add3A_409, %dma_start3A_548, %add3A_194] : memref<200x64x16384xf32, #tpu.memory_space<hbm>> -> memref<2x64x128xf32, #tpu.memory_space<hbm>>
        tpu.enqueue_dma source(%arg10 : memref<2x64x128xf32, #tpu.memory_space<vmem>>) target(%dma_start3A_549 : memref<2x64x128xf32, #tpu.memory_space<hbm>>) target_semaphore(%dma_start3A_547 : memref<!tpu.dma_semaphore, #tpu.memory_space<semaphore_mem>>)
      }
      %scan3A_250 = arith.constant 2 : i32
      %lt3A_251 = arith.constant 49 : i32
      %lt3A_252 = arith.cmpi slt, %scan3A_47, %lt3A_251 : i32
      %convert_element_type3A_253 = arith.extui %lt3A_252 : i1 to i32
      %cond3A_254 = arith.constant 0 : i32
      %cond3A_255 = arith.cmpi ne, %convert_element_type3A_253, %cond3A_254 : i32
      scf.if %cond3A_255 {
        %add3A_256 = arith.constant 2 : i32
        %add3A_257 = arith.addi %add3A_149, %add3A_256 : i32
        %jit3A_258 = arith.constant 25 : i32
        %div3A_259 = arith.divsi %add3A_257, %jit3A_258 : i32
        %sign3A_260 = arith.constant 0 : i32
        %sign3A_261 = arith.cmpi sgt, %add3A_257, %sign3A_260 : i32
        %sign3A_262 = arith.extui %sign3A_261 : i1 to i32
        %sign3A_263 = arith.constant 0 : i32
        %sign3A_264 = arith.cmpi slt, %add3A_257, %sign3A_263 : i32
        %sign3A_265 = arith.extui %sign3A_264 : i1 to i32
        %sign3A_266 = arith.subi %sign3A_262, %sign3A_265 : i32
        %sign3A_267 = arith.constant 0 : i32
        %sign3A_268 = arith.cmpi sgt, %jit3A_258, %sign3A_267 : i32
        %sign3A_269 = arith.extui %sign3A_268 : i1 to i32
        %sign3A_270 = arith.constant 0 : i32
        %sign3A_271 = arith.cmpi slt, %jit3A_258, %sign3A_270 : i32
        %sign3A_272 = arith.extui %sign3A_271 : i1 to i32
        %sign3A_273 = arith.subi %sign3A_269, %sign3A_272 : i32
        %ne3A_274 = arith.cmpi ne, %sign3A_266, %sign3A_273 : i32
        %rem3A_275 = arith.remsi %add3A_257, %jit3A_258 : i32
        %ne3A_276 = arith.constant 0 : i32
        %ne3A_277 = arith.cmpi ne, %rem3A_275, %ne3A_276 : i32
        %and3A_278 = arith.andi %ne3A_274, %ne3A_277 : i1
        %sub3A_279 = arith.constant 1 : i32
        %sub3A_280 = arith.subi %div3A_259, %sub3A_279 : i32
        %select_n3A_281 = arith.select %and3A_278, %sub3A_280, %div3A_259 : i32
        %jit3A_282 = arith.constant 25 : i32
        %eq3A_283 = arith.constant 0 : i32
        %eq3A_284 = arith.cmpi eq, %jit3A_282, %eq3A_283 : i32
        %jit3A_285 = arith.constant 1 : i32
        %select_n3A_286 = arith.select %eq3A_284, %jit3A_285, %jit3A_282 : i32
        %rem3A_287 = arith.remsi %add3A_257, %select_n3A_286 : i32
        %ne3A_288 = arith.constant 0 : i32
        %ne3A_289 = arith.cmpi ne, %rem3A_287, %ne3A_288 : i32
        %lt3A_290 = arith.constant 0 : i32
        %lt3A_291 = arith.cmpi slt, %rem3A_287, %lt3A_290 : i32
        %lt3A_292 = arith.constant 0 : i32
        %lt3A_293 = arith.cmpi slt, %select_n3A_286, %lt3A_292 : i32
        %ne3A_294 = arith.xori %lt3A_291, %lt3A_293 : i1
        %and3A_295 = arith.andi %ne3A_294, %ne3A_289 : i1
        %add3A_296 = arith.addi %rem3A_287, %select_n3A_286 : i32
        %select_n3A_297 = arith.select %and3A_295, %add3A_296, %rem3A_287 : i32
        %mul3A_298 = arith.constant 8 : i32
        %mul3A_299 = arith.muli %select_n3A_297, %mul3A_298 : i32
        %mul3A_300 = arith.constant 128 : i32
        %mul3A_301 = arith.muli %select_n3A_281, %mul3A_300 : i32
        %add3A_302 = arith.addi %mul3A_2, %mul3A_301 : i32
        %dma_start3A_303 = arith.constant 1 : i32
        %dma_start3A_304 = tpu.memref_slice %arg2[%mul3A_299, %add3A_302] : memref<200x16384xi32, #tpu.memory_space<hbm>> -> memref<8x128xi32, #tpu.memory_space<hbm>>
        %dma_start3A_305 = tpu.memref_slice %arg11[%dma_start3A_303] : memref<2x!tpu.dma_semaphore, #tpu.memory_space<semaphore_mem>> -> memref<1x!tpu.dma_semaphore, #tpu.memory_space<semaphore_mem>>
        %dma_start3A_306 = tpu.memref_squeeze %dma_start3A_305 : memref<1x!tpu.dma_semaphore, #tpu.memory_space<semaphore_mem>> -> memref<!tpu.dma_semaphore, #tpu.memory_space<semaphore_mem>>
        %dma_start3A_307 = tpu.memref_slice %arg2[%mul3A_299, %add3A_302] : memref<200x16384xi32, #tpu.memory_space<hbm>> -> memref<8x128xi32, #tpu.memory_space<hbm>>
        tpu.enqueue_dma source(%dma_start3A_307 : memref<8x128xi32, #tpu.memory_space<hbm>>) target(%arg8 : memref<8x128xi32, #tpu.memory_space<vmem>>) target_semaphore(%dma_start3A_306 : memref<!tpu.dma_semaphore, #tpu.memory_space<semaphore_mem>>)
      } else {
      }
    }
    %scan3A_29 = arith.constant 50 : i32
    %dma_wait3A = arith.constant 0 : i32
    %dma_wait3A_30 = arith.constant 0 : i32
    %dma_wait3A_31 = arith.constant 0 : i32
    %dma_wait3A_32 = tpu.memref_slice %arg4[%dma_wait3A_30, %dma_wait3A_31, %mul3A_2] : memref<200x64x16384xf32, #tpu.memory_space<hbm>> -> memref<2x64x128xf32, #tpu.memory_space<hbm>>
    %dma_wait3A_33 = tpu.memref_slice %arg12[%dma_wait3A] : memref<2x!tpu.dma_semaphore, #tpu.memory_space<semaphore_mem>> -> memref<1x!tpu.dma_semaphore, #tpu.memory_space<semaphore_mem>>
    %dma_wait3A_34 = tpu.memref_squeeze %dma_wait3A_33 : memref<1x!tpu.dma_semaphore, #tpu.memory_space<semaphore_mem>> -> memref<!tpu.dma_semaphore, #tpu.memory_space<semaphore_mem>>
    %dma_wait3A_35 = arith.constant 0 : i32
    %dma_wait3A_36 = arith.constant 0 : i32
    %dma_wait3A_37 = tpu.memref_slice %arg4[%dma_wait3A_35, %dma_wait3A_36, %mul3A_2] : memref<200x64x16384xf32, #tpu.memory_space<hbm>> -> memref<2x64x128xf32, #tpu.memory_space<hbm>>
    tpu.wait_dma2 semaphore(%dma_wait3A_34 : memref<!tpu.dma_semaphore, #tpu.memory_space<semaphore_mem>>) src(%arg9 : memref<2x64x128xf32, #tpu.memory_space<vmem>>) dst(%dma_wait3A_37 : memref<2x64x128xf32, #tpu.memory_space<hbm>>)
    %dma_wait3A_38 = arith.constant 1 : i32
    %dma_wait3A_39 = arith.constant 0 : i32
    %dma_wait3A_40 = arith.constant 0 : i32
    %dma_wait3A_41 = tpu.memref_slice %arg4[%dma_wait3A_39, %dma_wait3A_40, %mul3A_2] : memref<200x64x16384xf32, #tpu.memory_space<hbm>> -> memref<2x64x128xf32, #tpu.memory_space<hbm>>
    %dma_wait3A_42 = tpu.memref_slice %arg12[%dma_wait3A_38] : memref<2x!tpu.dma_semaphore, #tpu.memory_space<semaphore_mem>> -> memref<1x!tpu.dma_semaphore, #tpu.memory_space<semaphore_mem>>
    %dma_wait3A_43 = tpu.memref_squeeze %dma_wait3A_42 : memref<1x!tpu.dma_semaphore, #tpu.memory_space<semaphore_mem>> -> memref<!tpu.dma_semaphore, #tpu.memory_space<semaphore_mem>>
    %dma_wait3A_44 = arith.constant 0 : i32
    %dma_wait3A_45 = arith.constant 0 : i32
    %dma_wait3A_46 = tpu.memref_slice %arg4[%dma_wait3A_44, %dma_wait3A_45, %mul3A_2] : memref<200x64x16384xf32, #tpu.memory_space<hbm>> -> memref<2x64x128xf32, #tpu.memory_space<hbm>>
    tpu.wait_dma2 semaphore(%dma_wait3A_43 : memref<!tpu.dma_semaphore, #tpu.memory_space<semaphore_mem>>) src(%arg10 : memref<2x64x128xf32, #tpu.memory_space<vmem>>) dst(%dma_wait3A_46 : memref<2x64x128xf32, #tpu.memory_space<hbm>>)
    return
  }
}

</mosaic_0001>

<sc_bundles>
// kernel: kernel.3.cloned.1.call-start
scs
__scs_entry_jumppad:
0x0: {  	(pc) =	sbr.rel $0x88, $3  }
0x1: {  	(tag) =	ssettag $0x0;
	lr =	simm.s32 $0x1  }
0x2: {  	[smem:$0x3F9F] =	sst lr;
	_ =	strace $0xD0000000  }
0x3: {  	_ = 	snop  }
0x4: {  	_ = 	snop  }
0x5: {  	_ = 	snop  }
0x6: {  	_ = 	snop  }
0x7: {  	_ = 	snop  }
__scs_overlays_trampoline_lowered:
0x8: {  	[smem:$0x3FAE] =	sst s0  }
0x9: {  	[smem:$0x3FAF] =	sst s1  }
0xa: {  	[smem:$0x3FB0] =	sst s2  }
0xb: {  	[smem:$0x3FB1] =	sst s3  }
0xc: {  	[smem:$0x3FB2] =	sst s4  }
0xd: {  	[smem:$0x3FB3] =	sst s5  }
0xe: {  	[smem:$0x3FB4] =	sst s6  }
0xf: {  	[smem:$0x3FB5] =	sst s7  }
0x10: {  	[smem:$0x3FB6] =	sst s8  }
0x11: {  	[smem:$0x3FB7] =	sst s9;
	s0 =	simm.s32 @!p0 $0x0  }
0x12: {  	s1 =	sld [smem:$0x3F9D];
	s0 =	simm.s32 @p0 $0x1  }
0x13: {  	[smem:$0x3FB8] =	sst s0;
	s0 =	simm.s32 @!p1 $0x0  }
0x14: {  	s2 =	sld [smem:$0x3F9C];
	s0 =	simm.s32 @p1 $0x1  }
0x15: {  	[smem:$0x3FB9] =	sst s0;
	s0 =	simm.s32 @!p2 $0x0  }
0x16: {  	s3 =	sld [smem:$0x3FDB];
	s0 =	simm.s32 @p2 $0x1  }
0x17: {  	s4 =	simm.s32 $0x1BF5;
	[smem:$0x3FBB] =	sst s0  }
0x18: {  	s0 =	sld [smem:$0x3F9E];
	_ =	swait.ge [sflag:s4], $0x0  }
0x19: {  	s7 =	sld [smem:$0x3F9F]  }
0x1a: {  	s8 =	sadd.s32 $0xFFFFE003, lr  }
0x1b: {  	s9 =	sadd.s32 $0xFFFFFEF7, lr;
	s5 =	simm.s32 $0xFFFFFFFF;
	p2 =	slt.u32 s8, $0xFFFFF086  }
0x1c: {  	p1 =	slt.u32 s9, $0xF7A;
	s5 =	simm.s32 @!p2 $0x0  }
0x1d: {  	s5 =	simm.s32 @p1 $0x1;
	p0 =	seq.s32 s7, s2  }
0x1e: {  	s7 =	smul.u32 @!p0 $0xF7A, s2;
	p2 =	seq.s32 @!p0 s5, $0x0  }
0x1f: {  	s9 =	smul.u32 $0xF7A, s1;
	s8 =	simm.s32 @!p0 $0x1BF5;
	p2 =	por !p2, p0  }
0x20: {  	[sflag:s8] =	ssyncset.s32 @!p0 $0xFFFFF086;
	s6 =	sadd.s32 @!p0 s3, s7;
	s7 =	simm.s32 @!p0 $0x108  }
0x21: {  	s3 =	sadd.s32 s3, s9;
	s6 =	sadd.s32 @!p0 $0x88, s6;
	s7 =	simm.s32 @p2 $0x1082  }
0x22: {  	[simem:s7], [sflag:s8] =	dma.local @!p0 [hbm:s6], $0xF7A  }
0x23: {  	s9 =	sor.u32 $0xD0000000, s2;
	s6 =	simm.s32 $0x108;
	_ =	swait.ge @!p0 [sflag:s8], $0x0  }
0x24: {  	s3 =	sadd.s32 $0x88, s3;
	s6 =	simm.s32 @!p1 $0x1082;
	[sflag:s4] =	ssyncset.s32 $0xFFFFF086  }
0x25: {  	[simem:s6], [sflag:s4] =	dma.local [hbm:s3], $0xF7A  }
0x26: {  	[smem:$0x3F9F] =	sst s1;
	(tag) =	ssettag s2;
	_ =	strace s9  }
0x27: {  	s1 =	sld [smem:$0x3FAF]  }
0x28: {  	s2 =	sld [smem:$0x3FB0]  }
0x29: {  	s4 =	sld [smem:$0x3FB2]  }
0x2a: {  	p0 =	seq.s32 s5, $0x0;
	s5 =	sld [smem:$0x3FB3]  }
0x2b: {  	s6 =	sld [smem:$0x3FB4]  }
0x2c: {  	s7 =	sld [smem:$0x3FB5]  }
0x2d: {  	s3 =	simm.s32 $0x108;
	s8 =	sld [smem:$0x3FB6]  }
0x2e: {  	s3 =	simm.s32 @!p0 $0x1082;
	s9 =	sld [smem:$0x3FB7]  }
0x2f: {  	lr =	sadd.s32 s0, s3;
	s0 =	sld [smem:$0x3FAE]  }
0x30: {  	s3 =	sld [smem:$0x3FB1]  }
0x31: {  	[smem:$0x3FBA] =	sst s10  }
0x32: {  	s10 =	sld [smem:$0x3FB8];
	_ =	sdelay $0x3  }
0x33: {  	p0 =	seq.s32 s10, $0x1;
	s10 =	sld [smem:$0x3FBA];
	_ =	sdelay $0x3  }
0x34: {  	[smem:$0x3FBA] =	sst s10  }
0x35: {  	s10 =	sld [smem:$0x3FB9];
	_ =	sdelay $0x3  }
0x36: {  	p1 =	seq.s32 s10, $0x1;
	s10 =	sld [smem:$0x3FBA];
	_ =	sdelay $0x3  }
0x37: {  	[smem:$0x3FBA] =	sst s10  }
0x38: {  	s10 =	sld [smem:$0x3FBB]  }
0x39: {  	_ = 	snop;
	(pc) =	sbr.ind lr, $3  }
0x3a: {  	_ = 	snop  }
0x3b: {  	_ = 	snop  }
0x3c: {  	p2 =	seq.s32 s10, $0x1;
	s10 =	sld [smem:$0x3FBA]  }
0x3d: {  	_ =	shalt  }
0x3e: {  	_ =	shalt  }
0x3f: {  	_ =	shalt  }
0x40: {  	_ =	shalt  }
0x41: {  	_ =	shalt  }
0x42: {  	_ =	shalt  }
0x43: {  	_ =	shalt  }
0x44: {  	_ =	shalt  }
0x45: {  	_ =	shalt  }
0x46: {  	_ =	shalt  }
0x47: {  	_ =	shalt  }
0x48: {  	_ =	shalt  }
0x49: {  	_ =	shalt  }
0x4a: {  	_ =	shalt  }
0x4b: {  	_ =	shalt  }
0x4c: {  	_ =	shalt  }
0x4d: {  	_ =	shalt  }
0x4e: {  	_ =	shalt  }
0x4f: {  	_ =	shalt  }
0x50: {  	_ =	shalt  }
0x51: {  	_ =	shalt  }
0x52: {  	_ =	shalt  }
0x53: {  	_ =	shalt  }
0x54: {  	_ =	shalt  }
0x55: {  	_ =	shalt  }
0x56: {  	_ =	shalt  }
0x57: {  	_ =	shalt  }
0x58: {  	_ =	shalt  }
0x59: {  	_ =	shalt  }
0x5a: {  	_ =	shalt  }
0x5b: {  	_ =	shalt  }
0x5c: {  	_ =	shalt  }
0x5d: {  	_ =	shalt  }
0x5e: {  	_ =	shalt  }
0x5f: {  	_ =	shalt  }
0x60: {  	_ =	shalt  }
0x61: {  	_ =	shalt  }
0x62: {  	_ =	shalt  }
0x63: {  	_ =	shalt  }
0x64: {  	_ =	shalt  }
0x65: {  	_ =	shalt  }
0x66: {  	_ =	shalt  }
0x67: {  	_ =	shalt  }
0x68: {  	_ =	shalt  }
0x69: {  	_ =	shalt  }
0x6a: {  	_ =	shalt  }
0x6b: {  	_ =	shalt  }
0x6c: {  	_ =	shalt  }
0x6d: {  	_ =	shalt  }
0x6e: {  	_ =	shalt  }
0x6f: {  	_ =	shalt  }
0x70: {  	_ =	shalt  }
0x71: {  	_ =	shalt  }
0x72: {  	_ =	shalt  }
0x73: {  	_ =	shalt  }
0x74: {  	_ =	shalt  }
0x75: {  	_ =	shalt  }
0x76: {  	_ =	shalt  }
0x77: {  	_ =	shalt  }
0x78: {  	_ =	shalt  }
0x79: {  	_ =	shalt  }
0x7a: {  	_ =	shalt  }
0x7b: {  	_ =	shalt  }
0x7c: {  	_ =	shalt  }
0x7d: {  	_ =	shalt  }
0x7e: {  	_ =	shalt  }
0x7f: {  	_ =	shalt  }
0x80: {  	_ =	shalt  }
0x81: {  	_ =	shalt  }
0x82: {  	_ =	shalt  }
0x83: {  	_ =	shalt  }
0x84: {  	_ =	shalt  }
0x85: {  	_ =	shalt  }
0x86: {  	_ =	shalt  }
0x87: {  	_ =	shalt  }
.Lfunc_end0:
.L_simem_size_0:
called_computation_lowered:
.L_overlay_start_0:
0x88: {  	s2 =	sld [smem:$0x3FD9]  }
0x89: {  	s3 =	sld [smem:$0x3FFE];
	_ =	sdelay $0x1  }
0x8a: {  	s1 =	srdreg.scid  }
0x8b: {  	s0 =	sand.u32 $0x1, s1  }
0x8c: {  	s17 =	sshll.u32 s0, $0xA;
	s2 =	sadd.s32 s3, s2  }
0x8d: {  	s2 =	sadd.s32 s2, s17  }
0x8e: {  	[smem:$0x3FC6] =	sst s2  }
0x8f: {  	_ = 	snop  }
0x90: {  	s2 =	sld [smem:$0x3FC9]  }
0x91: {  	s18 =	sld [smem:$0x3FD0];
	(tm) =	ssettm $0x1  }
0x92: {  	s4 =	sld [smem:$0x3FFB];
	_ =	sdelay $0x3  }
0x93: {  	_ =	strace s4  }
0x94: {  	s4 =	sld [smem:$0x3FFC];
	_ =	sdelay $0x3  }
0x95: {  	_ =	strace s4  }
0x96: {  	s4 =	sld [smem:$0x3FFD];
	_ =	sdelay $0x3  }
0x97: {  	_ =	strace s4  }
0x98: {  	_ =	strace $0x8FFFFFFF  }
0x99: {  	s19 =	sld [smem:$0x3FDB];
	_ =	sdelay $0x1  }
0x9a: {  	s5 =	simm.s32 $_scs_section_size  }
0x9b: {  	s6 =	simm.s32 $_size__tile_overlayer_lowered;
	s7 =	simm.s32 $_tile_overlayer_lowered  }
0x9c: {  	s22 =	simm.s32 $0x1BFF;
	s21 =	sshll.u32 s7, $0x1;
	s4 =	sadd.s32 s5, s19  }
0x9d: {  	s8 =	simm.s32 $0x0;
	s20 =	sshll.u32 s6, $0x1;
	s6 =	sadd.s32 s21, s4  }
0x9e: {  	[timem:s8], [sflag:s22] =	dma.local [hbm:s6], s20  }
0x9f: {  	_ =	swait.ge [sflag:s22], s20  }
0xa0: {  	s5 =	ssub.s32 $0x0, s20;
	[sflag:s22] =	ssyncset.done $0x0  }
0xa1: {  	[sflag:s22] =	ssyncadd.s32 s5;
	_ =	sdelay $0x1  }
0xa2: {  	s23 =	simm.s32 $0x1B8B  }
0xa3: {  	_ =	swait.ge [sflag:s23], $0x1  }
0xa4: {  	[sflag:s23] =	ssyncset.done $0x0  }
0xa5: {  	s25 =	simm.s32 $0x1B8E;
	s24 =	sld [smem:$0x3FFE];
	[sflag:s23] =	ssyncadd.s32 $0xFFFFFFFF  }
0xa6: {  	s26 =	simm.s32 $execute0_lowered;
	[smem:$0x3FD2] =	sst s25  }
0xa7: {  	s6 =	sshll.u32 s26, $0x1;
	_ =	strace $0x80000046;
	[dreg:$0x1] =	wrdreg $0xFFFFFFFF  }
0xa8: {  	s28 =	simm.s32 $_size_execute0_lowered;
	s4 =	sadd.s32 s4, s6;
	[dreg:$0x0] =	wrdreg $0x0  }
0xa9: {  	s6 =	sshll.u32 s28, $0x1;
	[dreg:$0x2] =	wrdreg s4  }
0xaa: {  	[dreg:$0x3] =	wrdreg s6  }
0xab: {  	[dreg:$0x4] =	wrdreg $0xC0  }
0xac: {  	_ =	task [dreg:s8], $0x5FFFF  }
0xad: {  	[dreg:$0x1] =	wrdreg $0xFFFFFFFF  }
0xae: {  	[dreg:$0x0] =	wrdreg $0x60  }
0xaf: {  	[dreg:$0x2] =	wrdreg s2  }
0xb0: {  	[dreg:$0x3] =	wrdreg s24  }
0xb1: {  	[dreg:$0x4] =	wrdreg s18  }
0xb2: {  	[dreg:$0x5] =	wrdreg $0x9  }
0xb3: {  	_ =	task.clear_ibuf [dreg:s8], $0x6FFFF;
	_ =	strace $0x90000046  }
0xb4: {  	s29 =	simm.s32 $0x9;
	_ =	strace $0x80000048  }
0xb5: {  	_ =	swait.ge [sflag:s29], $0x1  }
0xb6: {  	[sflag:s29] =	ssyncadd.s32 $0xFFFFFFFF  }
0xb7: {  	_ =	strace $0x90000048  }
0xb8: {  	_ =	sfence  }
0xb9: {  	s30 =	sld [smem:$0x0];
	_ =	sdelay $0x2  }
0xba: {  	s31 =	sshll.u32 s1, $0xD;
	s1 =	sshrl.u32 s1, $0x2  }
0xbb: {  	s3 =	sand.u32 $0x4000, s31;
	s1 =	sadd.s32 s1, s30  }
0xbc: {  	s0 =	sor.u32 s3, s0;
	s1 =	sshll.u32 s1, $0x11  }
0xbd: {  	s0 =	sor.u32 s1, s0  }
0xbe: {  	s0 =	sadd.s32 $0x8F2B, s0  }
0xbf: {  	[sflag:s0] =	ssyncadd.remote.s32 $0x1  }
0xc0: {  	_ =	sfence.sel $0xFFFF  }
0xc1: {  	[dreg:$0x0] =	wrdreg $0xFFFFFFFF;
	(pc) =	sbr.abs _section_cstart, $3  }
0xc2: {  	[dreg:$0x1] =	wrdreg $0xFFFFFFFF  }
0xc3: {  	_ =	task.clear_ibuf [dreg:s8], $0x2FFFF;
	_ =	strace $0x9FFFFFFF  }
0xc4: {  	(tm) =	ssettm $0x7FFFFFFF  }
0xc5: {  	_ =	shalt  }
tec
execute0_lowered:
.L_overlay_start_1:
0x0: {  	(tag) =	ssettag $0x1  }
0x1: {  	s0 =	rddreg [dreg:$0x0]  }
0x2: {  	s1 =	rddreg [dreg:$0x1]  }
0x3: {  	s2 =	rddreg [dreg:$0x2]  }
0x4: {  	s3 =	srdreg.scid;
	s4 =	stileid.u32  }
0x5: {  	s6 =	simm.s32 $0x0;
	s10 =	simm.s32 $0xC80;
	s14 =	simm.s32 $0x400  }
0x6: {  	s15 =	simm.s32 $0x20000;
	s16 =	simm.s32 $0xD900;
	s17 =	simm.s32 $0x11900  }
0x7: {  	v0 =	vlaneseq.u32;
	s19 =	simm.s32 $0x3;
	s3 =	sand.u32 $0x1, s3;
	s4 =	sshll.u32 s4, $0xA  }
0x8: {  	[smem:$0x7FF] =	sst s6;
	s29 =	sadd.s32 $0x400, s1;
	v1 =	vadd.s32 $0xC41, v0;
	s5 =	sshll.u32 s3, $0x9  }
.Ltmp0:
0x9: {  	v2 =	vadd.s32 $0x1882, v0;
	v3 =	vadd.s32 $0x24C3, v0;
	v4 =	vadd.s32 $0x3104, v0;
	s3 =	ssub.s32 $0x2, s3;
	s5 =	sor.u32 s5, s4;
	(pc) =	sbr.rel .LBB2_1-.Ltmp0, $4  }
0xa: {  	v5 =	vadd.s32 $0x3D45, v0;
	v6 =	vadd.s32 $0x4986, v0;
	v7 =	vadd.s32 $0x55C7, v0;
	_ =	strace $0x80000047;
	s28 =	sshrl.u32 s3, $0x1;
	s4 =	sadd.s32 s0, s5  }
0xb: {  	v8 =	vadd.s32 $0x6208, v0;
	v9 =	vadd.s32 $0x6E49, v0;
	v10 =	vadd.s32 $0x7A8A, v0;
	[dreg:$0x4] =	wrdreg s29;
	s30 =	ssub.s32 s3, s28;
	s31 =	sadd.s32 $0x4000, s4  }
0xc: {  	s20 =	simm.s32 $0x4;
	v11 =	vadd.s32 $0x86CB, v0;
	v12 =	vadd.s32 $0x930C, v0;
	v13 =	vadd.s32 $0x9F4D, v0;
	s0 =	smax.u32 s30, $0x1;
	[dreg:$0x5] =	wrdreg s31  }
0xd: {  	v14 =	vadd.s32 $0xAB8E, v0;
	v15 =	vadd.s32 $0xB7CF, v0;
	v16 =	vmul.u32 $0xC41, v0;
	s1 =	simm.s32 $0x0;
	s7 =	sshrl.u32 s5, $0x7;
	[dreg:$0x6] =	wrdreg s0  }
.LBB2_26:
0xe: {  	_ =	swait.ge [sflag:s19], $0x4000  }
0xf: {  	[sflag:s19] =	ssyncset.done $0x0  }
0x10: {  	[sflag:s19] =	ssyncadd.s32 $0xFFFFC000  }
0x11: {  	_ =	swait.ge [sflag:s20], $0x4000  }
0x12: {  	s1 =	rddreg [dreg:$0x7]  }
0x13: {  	s0 =	rddreg [dreg:$0x6];
	s1 =	sadd.s32 $0x1, s1  }
0x14: {  	p0 =	sne.s32 s1, s0  }
.Ltmp1:
0x15: {  	_ = 	snop;
	(pc) =	sbr.rel @!p0 .LBB2_27-.Ltmp1, $3  }
0x16: {  	_ =	sdelay $0x1  }
0x17: {  	[sflag:s20] =	ssyncset.done $0x0  }
0x18: {  	[sflag:s20] =	ssyncadd.s32 $0xFFFFC000  }
.LBB2_1:
0x19: {  	[dreg:$0x7] =	wrdreg s1  }
0x1a: {  	s0 =	simm.s32 $0x0;
	s29 =	rddreg [dreg:$0x4];
	s30 =	simm.s32 $0x5  }
0x1b: {  	[tilespmem:s0], [sflag:$0x5] =	stream.linear.gather [hbm4b:s29+s0], $0xC80, $0x38;
	[tilespmem:$0x15900] =	vst v63  }
0x1c: {  	_ =	swait.ge [sflag:s30], $0xC80  }
0x1d: {  	[sflag:s30] =	ssyncset.done $0x0  }
0x1e: {  	s31 =	simm.s32 $0x0;
	s0 =	simm.s32 $0x10;
	[sflag:s30] =	ssyncadd.s32 $0xFFFFF380  }
0x1f: {  	v17 =	vor.u32 s31, v0;
	v18 =	vld [tilespmem:s0+$0xFFFFFFF0]  }
0x20: {  	v19 =	vadd.s32 s31, v1  }
0x21: {  	v20 =	vadd.s32 s31, v2  }
0x22: {  	v21 =	vadd.s32 s31, v3  }
0x23: {  	v22 =	vadd.s32 s31, v4  }
0x24: {  	[tilespmem:v17+s10+$0x0] =	vst.idx.msk $0xffff, v18;
	v17 =	vadd.s32 s31, v5  }
0x25: {  	[tilespmem:v19+s10+$0x0] =	vst.idx.msk $0xffff, v18;
	v19 =	vadd.s32 s31, v6  }
0x26: {  	[tilespmem:v20+s10+$0x0] =	vst.idx.msk $0xffff, v18;
	v20 =	vadd.s32 s31, v7  }
0x27: {  	[tilespmem:v21+s10+$0x0] =	vst.idx.msk $0xffff, v18;
	v21 =	vadd.s32 s31, v8  }
0x28: {  	[tilespmem:v22+s10+$0x0] =	vst.idx.msk $0xffff, v18;
	v22 =	vadd.s32 s31, v9  }
0x29: {  	[tilespmem:v17+s10+$0x0] =	vst.idx.msk $0xffff, v18;
	v17 =	vadd.s32 s31, v10  }
0x2a: {  	[tilespmem:v19+s10+$0x0] =	vst.idx.msk $0xffff, v18;
	v19 =	vadd.s32 s31, v11  }
0x2b: {  	[tilespmem:v20+s10+$0x0] =	vst.idx.msk $0xffff, v18;
	v20 =	vadd.s32 s31, v12  }
0x2c: {  	[tilespmem:v21+s10+$0x0] =	vst.idx.msk $0xffff, v18;
	v21 =	vadd.s32 s31, v13  }
0x2d: {  	[tilespmem:v22+s10+$0x0] =	vst.idx.msk $0xffff, v18;
	v22 =	vadd.s32 s31, v14  }
0x2e: {  	v23 =	vadd.s32 s31, v15;
	[tilespmem:v17+s10+$0x0] =	vst.idx.msk $0xffff, v18  }
0x2f: {  	v24 =	vor.u32 s0, v0;
	v17 =	vld [tilespmem:s0+$0x0];
	[tilespmem:v19+s10+$0x0] =	vst.idx.msk $0xffff, v18  }
0x30: {  	v19 =	vadd.s32 s0, v1;
	[tilespmem:v20+s10+$0x0] =	vst.idx.msk $0xffff, v18  }
0x31: {  	v20 =	vadd.s32 s0, v2;
	[tilespmem:v21+s10+$0x0] =	vst.idx.msk $0xffff, v18  }
0x32: {  	v21 =	vadd.s32 s0, v3;
	[tilespmem:v22+s10+$0x0] =	vst.idx.msk $0xffff, v18  }
0x33: {  	v22 =	vadd.s32 s0, v4;
	[tilespmem:v23+s10+$0x0] =	vst.idx.msk $0xffff, v18  }
0x34: {  	v18 =	vadd.s32 s0, v5;
	[tilespmem:v24+s10+$0x0] =	vst.idx.msk $0xffff, v17  }
0x35: {  	v23 =	vadd.s32 s0, v6;
	[tilespmem:v19+s10+$0x0] =	vst.idx.msk $0xffff, v17  }
0x36: {  	[tilespmem:v20+s10+$0x0] =	vst.idx.msk $0xffff, v17  }
0x37: {  	v19 =	vadd.s32 s0, v7;
	[tilespmem:v21+s10+$0x0] =	vst.idx.msk $0xffff, v17  }
0x38: {  	v63 =	vadd.s32 s0, v8;
	[tilespmem:v22+s10+$0x0] =	vst.idx.msk $0xffff, v17  }
0x39: {  	v25 =	vadd.s32 s0, v9;
	[tilespmem:v18+s10+$0x0] =	vst.idx.msk $0xffff, v17  }
0x3a: {  	[tilespmem:v23+s10+$0x0] =	vst.idx.msk $0xffff, v17;
	v23 =	vadd.s32 s0, v10  }
0x3b: {  	v22 =	vadd.s32 s0, v11  }
0x3c: {  	v20 =	vadd.s32 s0, v12;
	[tilespmem:v19+s10+$0x0] =	vst.idx.msk $0xffff, v17  }
0x3d: {  	v21 =	vadd.s32 s0, v13;
	[tilespmem:v63+s10+$0x0] =	vst.idx.msk $0xffff, v17  }
0x3e: {  	s1 =	simm.s32 $0x0;
	s3 =	simm.s32 $0x30;
	v18 =	vadd.s32 s0, v15;
	v19 =	vadd.s32 s0, v14;
	[tilespmem:v25+s10+$0x0] =	vst.idx.msk $0xffff, v17  }
.LBB2_2:
0x3f: {  	s5 =	sadd.s32 $0xFFFFFFF0, s3;
	v24 =	vor.u32 s3, v0;
	v25 =	vadd.s32 s3, v1;
	v26 =	vadd.s32 s3, v2;
	[tilespmem:v23+s10+$0x0] =	vst.idx.msk $0xffff, v17;
	s0 =	sadd.s32 $0x20, s0  }
0x40: {  	v29 =	vadd.s32 s3, v3;
	v30 =	vadd.s32 s3, v4;
	v27 =	vld [tilespmem:s0+$0xFFFFFFF0];
	v28 =	vor.u32 s5, v0;
	[tilespmem:v22+s10+$0x0] =	vst.idx.msk $0xffff, v17  }
0x41: {  	v33 =	vadd.s32 s3, v5;
	v34 =	vadd.s32 s3, v6;
	v31 =	vadd.s32 s5, v1;
	v32 =	vld [tilespmem:s0+$0x0];
	[tilespmem:v20+s10+$0x0] =	vst.idx.msk $0xffff, v17  }
0x42: {  	v36 =	vadd.s32 s3, v7;
	v37 =	vadd.s32 s3, v8;
	v35 =	vadd.s32 s5, v2;
	[tilespmem:v21+s10+$0x0] =	vst.idx.msk $0xffff, v17  }
0x43: {  	v39 =	vadd.s32 s3, v9;
	v23 =	vadd.s32 s3, v10;
	v38 =	vadd.s32 s5, v3;
	[tilespmem:v19+s10+$0x0] =	vst.idx.msk $0xffff, v17  }
0x44: {  	v40 =	vadd.s32 s5, v4;
	v22 =	vadd.s32 s3, v11;
	v20 =	vadd.s32 s3, v12;
	[tilespmem:v18+s10+$0x0] =	vst.idx.msk $0xffff, v17  }
0x45: {  	v21 =	vadd.s32 s3, v13;
	v19 =	vadd.s32 s3, v14;
	[tilespmem:v28+s10+$0x0] =	vst.idx.msk $0xffff, v27;
	v28 =	vadd.s32 s5, v5  }
0x46: {  	v18 =	vadd.s32 s3, v15;
	[tilespmem:v31+s10+$0x0] =	vst.idx.msk $0xffff, v27;
	v31 =	vadd.s32 s5, v6;
	v17 =	vmov v32  }
0x47: {  	v32 =	vadd.s32 s5, v7;
	[tilespmem:v35+s10+$0x0] =	vst.idx.msk $0xffff, v27  }
0x48: {  	v35 =	vadd.s32 s5, v8;
	[tilespmem:v38+s10+$0x0] =	vst.idx.msk $0xffff, v27  }
0x49: {  	v38 =	vadd.s32 s5, v9;
	[tilespmem:v40+s10+$0x0] =	vst.idx.msk $0xffff, v27  }
0x4a: {  	[tilespmem:v28+s10+$0x0] =	vst.idx.msk $0xffff, v27;
	v28 =	vadd.s32 s5, v10  }
0x4b: {  	[tilespmem:v31+s10+$0x0] =	vst.idx.msk $0xffff, v27;
	v31 =	vadd.s32 s5, v11  }
0x4c: {  	[tilespmem:v32+s10+$0x0] =	vst.idx.msk $0xffff, v27;
	v32 =	vadd.s32 s5, v12  }
0x4d: {  	[tilespmem:v35+s10+$0x0] =	vst.idx.msk $0xffff, v27;
	v35 =	vadd.s32 s5, v13  }
0x4e: {  	s1 =	sadd.s32 $0x2, s1;
	[tilespmem:v38+s10+$0x0] =	vst.idx.msk $0xffff, v27;
	v38 =	vadd.s32 s5, v14  }
0x4f: {  	p0 =	slt.u32 s1, $0xC2;
	[tilespmem:v28+s10+$0x0] =	vst.idx.msk $0xffff, v27;
	v28 =	vadd.s32 s5, v15  }
0x50: {  	[tilespmem:v31+s10+$0x0] =	vst.idx.msk $0xffff, v27  }
0x51: {  	[tilespmem:v32+s10+$0x0] =	vst.idx.msk $0xffff, v27  }
0x52: {  	[tilespmem:v35+s10+$0x0] =	vst.idx.msk $0xffff, v27  }
0x53: {  	[tilespmem:v38+s10+$0x0] =	vst.idx.msk $0xffff, v27  }
0x54: {  	[tilespmem:v28+s10+$0x0] =	vst.idx.msk $0xffff, v27  }
0x55: {  	[tilespmem:v24+s10+$0x0] =	vst.idx.msk $0xffff, v17  }
0x56: {  	[tilespmem:v25+s10+$0x0] =	vst.idx.msk $0xffff, v17  }
0x57: {  	[tilespmem:v26+s10+$0x0] =	vst.idx.msk $0xffff, v17  }
0x58: {  	[tilespmem:v29+s10+$0x0] =	vst.idx.msk $0xffff, v17  }
0x59: {  	[tilespmem:v30+s10+$0x0] =	vst.idx.msk $0xffff, v17  }
.Ltmp2:
0x5a: {  	[tilespmem:v33+s10+$0x0] =	vst.idx.msk $0xffff, v17;
	(pc) =	sbr.rel @p0 .LBB2_2-.Ltmp2, $4  }
0x5b: {  	[tilespmem:v34+s10+$0x0] =	vst.idx.msk $0xffff, v17  }
0x5c: {  	[tilespmem:v36+s10+$0x0] =	vst.idx.msk $0xffff, v17  }
0x5d: {  	[tilespmem:v37+s10+$0x0] =	vst.idx.msk $0xffff, v17  }
0x5e: {  	s3 =	sadd.s32 $0x20, s3;
	[tilespmem:v39+s10+$0x0] =	vst.idx.msk $0xffff, v17  }
0x5f: {  	_ =	sdelay $0x3  }
0x60: {  	[tilespmem:v23+s10+$0x0] =	vst.idx.msk $0xffff, v17  }
0x61: {  	[tilespmem:v22+s10+$0x0] =	vst.idx.msk $0xffff, v17  }
0x62: {  	[tilespmem:v20+s10+$0x0] =	vst.idx.msk $0xffff, v17  }
0x63: {  	[tilespmem:v21+s10+$0x0] =	vst.idx.msk $0xffff, v17  }
0x64: {  	[tilespmem:v19+s10+$0x0] =	vst.idx.msk $0xffff, v17  }
0x65: {  	s22 =	simm.s32 $0x0;
	s0 =	simm.s32 $0xD100;
	[tilespmem:v18+s10+$0x0] =	vst.idx.msk $0xffff, v17  }
0x66: {  	[tilespmem:s0], [sflag:$0x1] =	stream.linear.gather [hbm4b:s4+s22], $0x400, $0x38;
	[tilespmem:$0x15900] =	vst v63  }
0x67: {  	s1 =	simm.s32 $0xD500;
	s31 =	rddreg [dreg:$0x5]  }
0x68: {  	[tilespmem:s1], [sflag:$0x2] =	stream.linear.gather [hbm4b:s31+s22], $0x400, $0x38;
	[tilespmem:$0x15900] =	vst v63  }
.LBB2_4:
0x69: {  	s0 =	smul.u32 $0x52, s22;
	_ =	sdelay $0x1  }
0x6a: {  	s0 =	sshrl.u32 s0, $0xA  }
0x6b: {  	s0 =	sand.u32 $0x3F, s0  }
0x6c: {  	s1 =	smul.u32 $0x19, s0  }
0x6d: {  	s23 =	sshll.u32 s22, $0x1;
	s3 =	simm.s32 $0x1  }
0x6e: {  	p1 =	sne.s32 s22, $0x0;
	p2 =	por $0x1, $0x1;
	s1 =	ssub.s32 s23, s1  }
0x6f: {  	_ =	swait.ge [sflag:s3], $0x400;
	s0 =	sadd.s32 s0, s7;
	s1 =	sand.u32 $0xFF, s1  }
0x70: {  	[sflag:s3] =	ssyncset.done $0x0;
	s0 =	sshll.u32 s0, $0xA;
	s1 =	sshll.u32 s1, $0x17  }
0x71: {  	s26 =	simm.s32 $0x0;
	[sflag:s3] =	ssyncadd.s32 $0xFFFFFC00;
	s24 =	sor.u32 s0, s1  }
.LBB2_5:
0x72: {  	s0 =	simm.s32 @p1 $0x3  }
0x73: {  	_ =	swait.ge @p1 [sflag:s0], $0x4000  }
0x74: {  	s1 =	sshll.u32 s26, $0x9;
	[sflag:s0] =	ssyncset.done @p1 $0x0  }
0x75: {  	s25 =	sand.u32 $0x3FFFFE00, s1;
	[sflag:s0] =	ssyncadd.s32 @p1 $0xFFFFC000  }
0x76: {  	v17 =	vld [tilespmem:s25+$0xD100];
	_ =	sdelay $0x4  }
0x77: {  	v17 =	vshll.u32 v17, $0x6  }
0x78: {  	s3 =	simm.s32 $0x0;
	v18 =	vld [tilespmem:s25+$0xD110];
	v17 =	vadd.s32 v16, v17  }
0x79: {  	v19 =	vadd.s32 s3, v17;
	_ =	sdelay $0x3  }
0x7a: {  	v20 =	vld [tilespmem:s25+$0xD120];
	v18 =	vshll.u32 v18, $0x6  }
0x7b: {  	v18 =	vadd.s32 v16, v18;
	v19 =	vld.idx.msk [tilespmem:v19+s10+$0x0], $0xffff  }
0x7c: {  	s1 =	simm.s32 $0x1;
	v21 =	vld [tilespmem:s25+$0xD130];
	v23 =	vadd.s32 s3, v18  }
0x7d: {  	v24 =	vld [tilespmem:s25+$0xD140];
	v26 =	vadd.s32 s1, v17  }
0x7e: {  	v25 =	vld [tilespmem:s25+$0xD150]  }
0x7f: {  	s6 =	simm.s32 $0xD940;
	v27 =	vld [tilespmem:s25+$0xD160]  }
0x80: {  	v28 =	vld [tilespmem:s25+$0xD170];
	v20 =	vshll.u32 v20, $0x6;
	[tilespmem:s6+$0xFFFFFFC0] =	vst v19  }
0x81: {  	v22 =	vadd.s32 v16, v20;
	v19 =	vld.idx.msk [tilespmem:v23+s10+$0x0], $0xffff  }
0x82: {  	v20 =	vld.idx.msk [tilespmem:v26+s10+$0x0], $0xffff;
	v26 =	vadd.s32 s3, v22  }
0x83: {  	s29 =	simm.s32 $0x2;
	v29 =	vadd.s32 s1, v18  }
0x84: {  	v30 =	vadd.s32 s29, v17;
	_ =	sdelay $0x1  }
0x85: {  	s31 =	simm.s32 $0xD9C0;
	v21 =	vshll.u32 v21, $0x6;
	[tilespmem:s6+$0xFFFFFFD0] =	vst v19  }
0x86: {  	[tilespmem:s31+$0xFFFFFFC0] =	vst v20;
	v23 =	vadd.s32 v16, v21;
	v19 =	vld.idx.msk [tilespmem:v26+s10+$0x0], $0xffff  }
0x87: {  	v20 =	vld.idx.msk [tilespmem:v29+s10+$0x0], $0xffff;
	v26 =	vadd.s32 s3, v23  }
0x88: {  	v29 =	vld.idx.msk [tilespmem:v30+s10+$0x0], $0xffff;
	v30 =	vadd.s32 s1, v22  }
0x89: {  	v31 =	vadd.s32 s29, v18  }
0x8a: {  	s0 =	simm.s32 $0x3  }
0x8b: {  	s11 =	simm.s32 $0x4;
	v32 =	vadd.s32 s0, v17;
	v21 =	vshll.u32 v24, $0x6;
	[tilespmem:s6+$0xFFFFFFE0] =	vst v19  }
0x8c: {  	s28 =	simm.s32 $0xDA40;
	v33 =	vadd.s32 s11, v17;
	v21 =	vadd.s32 v16, v21;
	[tilespmem:s31+$0xFFFFFFD0] =	vst v20;
	v19 =	vld.idx.msk [tilespmem:v26+s10+$0x0], $0xffff  }
0x8d: {  	v24 =	vadd.s32 s3, v21;
	[tilespmem:s28+$0xFFFFFFC0] =	vst v29;
	v20 =	vld.idx.msk [tilespmem:v30+s10+$0x0], $0xffff  }
0x8e: {  	v29 =	vadd.s32 s1, v23;
	v26 =	vld.idx.msk [tilespmem:v31+s10+$0x0], $0xffff  }
0x8f: {  	v31 =	vadd.s32 s29, v22  }
0x90: {  	v30 =	vld.idx.msk [tilespmem:v32+s10+$0x0], $0xffff  }
0x91: {  	v25 =	vshll.u32 v25, $0x6;
	v57 =	vadd.s32 s0, v18;
	v58 =	vld.idx.msk [tilespmem:v33+s10+$0x0], $0xffff;
	[tilespmem:s6+$0xFFFFFFF0] =	vst v19  }
0x92: {  	v34 =	vadd.s32 s11, v18;
	[tilespmem:s31+$0xFFFFFFE0] =	vst v20;
	v19 =	vadd.s32 v16, v25;
	v20 =	vld.idx.msk [tilespmem:v24+s10+$0x0], $0xffff  }
0x93: {  	[tilespmem:s28+$0xFFFFFFD0] =	vst v26;
	v24 =	vld.idx.msk [tilespmem:v29+s10+$0x0], $0xffff;
	v25 =	vadd.s32 s3, v19  }
0x94: {  	s30 =	simm.s32 $0xDAC0;
	v26 =	vld.idx.msk [tilespmem:v31+s10+$0x0], $0xffff;
	v29 =	vadd.s32 s1, v21  }
0x95: {  	s5 =	simm.s32 $0xDB40;
	[tilespmem:s30+$0xFFFFFFC0] =	vst v30;
	v31 =	vadd.s32 s29, v23  }
0x96: {  	[tilespmem:s5+$0xFFFFFFC0] =	vst v58;
	v30 =	vld.idx.msk [tilespmem:v57+s10+$0x0], $0xffff  }
0x97: {  	v59 =	vadd.s32 s0, v22;
	v61 =	vld.idx.msk [tilespmem:v34+s10+$0x0], $0xffff;
	[tilespmem:s6+$0x0] =	vst v20  }
0x98: {  	s8 =	simm.s32 $0x5;
	v27 =	vshll.u32 v27, $0x6;
	[tilespmem:s31+$0xFFFFFFF0] =	vst v24;
	v24 =	vld.idx.msk [tilespmem:v25+s10+$0x0], $0xffff  }
0x99: {  	v20 =	vadd.s32 v16, v27;
	v27 =	vadd.s32 s8, v17;
	[tilespmem:s28+$0xFFFFFFE0] =	vst v26;
	v25 =	vld.idx.msk [tilespmem:v29+s10+$0x0], $0xffff  }
0x9a: {  	v35 =	vadd.s32 s11, v22;
	v29 =	vld.idx.msk [tilespmem:v31+s10+$0x0], $0xffff  }
0x9b: {  	[tilespmem:s30+$0xFFFFFFD0] =	vst v30;
	v26 =	vadd.s32 s3, v20  }
0x9c: {  	v30 =	vadd.s32 s1, v19;
	v31 =	vld.idx.msk [tilespmem:v59+s10+$0x0], $0xffff  }
0x9d: {  	v60 =	vadd.s32 s29, v21;
	[tilespmem:s5+$0xFFFFFFD0] =	vst v61  }
0x9e: {  	v62 =	vadd.s32 s0, v23;
	v27 =	vld.idx.msk [tilespmem:v27+s10+$0x0], $0xffff;
	[tilespmem:s6+$0x10] =	vst v24  }
0x9f: {  	s21 =	simm.s32 $0x6;
	v24 =	vshll.u32 v28, $0x6;
	v28 =	vadd.s32 s8, v18;
	[tilespmem:s28+$0xFFFFFFF0] =	vst v29;
	v29 =	vld.idx.msk [tilespmem:v35+s10+$0x0], $0xffff  }
0xa0: {  	[tilespmem:s31+$0x0] =	vst v25;
	v25 =	vld.idx.msk [tilespmem:v26+s10+$0x0], $0xffff;
	v24 =	vadd.s32 v16, v24;
	v26 =	vadd.s32 s21, v17  }
0xa1: {  	[tilespmem:s30+$0xFFFFFFE0] =	vst v31;
	v36 =	vld.idx.msk [tilespmem:v30+s10+$0x0], $0xffff;
	v31 =	vadd.s32 s3, v24  }
0xa2: {  	s9 =	simm.s32 $0xDBC0;
	v37 =	vld.idx.msk [tilespmem:v60+s10+$0x0], $0xffff  }
0xa3: {  	v63 =	vadd.s32 s1, v20;
	v38 =	vld.idx.msk [tilespmem:v62+s10+$0x0], $0xffff;
	[tilespmem:s9+$0xFFFFFFC0] =	vst v27  }
0xa4: {  	v39 =	vadd.s32 s29, v19;
	v30 =	vld.idx.msk [tilespmem:v28+s10+$0x0], $0xffff  }
0xa5: {  	v32 =	vld.idx.msk [tilespmem:v26+s10+$0x0], $0xffff;
	[tilespmem:s6+$0x20] =	vst v25;
	v26 =	vadd.s32 s0, v21  }
0xa6: {  	v27 =	vld.idx.msk [tilespmem:v31+s10+$0x0], $0xffff;
	v31 =	vadd.s32 s11, v23  }
0xa7: {  	v33 =	vadd.s32 s8, v22;
	[tilespmem:s31+$0x10] =	vst v36  }
0xa8: {  	v34 =	vadd.s32 s21, v18;
	s3 =	simm.s32 $0x7;
	[tilespmem:s28+$0x0] =	vst v37;
	v28 =	vld.idx.msk [tilespmem:v63+s10+$0x0], $0xffff  }
0xa9: {  	p0 =	por p2, p2;
	s13 =	simm.s32 $0x8;
	s12 =	simm.s32 $0xDBC0;
	v35 =	vadd.s32 s3, v17;
	[tilespmem:s30+$0xFFFFFFF0] =	vst v38;
	v25 =	vld.idx.msk [tilespmem:v39+s10+$0x0], $0xffff  }
.LBB2_6:
0xaa: {  	p2 =	sne.s32 s13, $0x3F;
	[tilespmem:s5+$0xFFFFFFE0] =	vst v29;
	v36 =	vld.idx.msk [tilespmem:v26+s10+$0x0], $0xffff;
	v37 =	vadd.s32 s1, v24;
	s1 =	smov.u32 s29;
	s29 =	smov.u32 s0  }
0xab: {  	s12 =	sadd.s32 $0x80, s12;
	s0 =	smov.u32 s11;
	s11 =	smov.u32 s8;
	[tilespmem:s9+$0xFFFFFFD0] =	vst v30;
	v38 =	vld.idx.msk [tilespmem:v31+s10+$0x0], $0xffff;
	v39 =	vadd.s32 s1, v20  }
0xac: {  	s8 =	smov.u32 s21;
	s21 =	smov.u32 s3;
	s3 =	smov.u32 s13;
	v40 =	vadd.s32 s29, v19;
	[tilespmem:s12+$0xFFFFFFC0] =	vst v32;
	v29 =	vld.idx.msk [tilespmem:v33+s10+$0x0], $0xffff  }
.Ltmp3:
0xad: {  	v26 =	vadd.s32 s0, v21;
	v30 =	vld.idx.msk [tilespmem:v34+s10+$0x0], $0xffff;
	[tilespmem:s6+$0x30] =	vst v27;
	s6 =	smov.u32 s31;
	s31 =	smov.u32 s28;
	(pc) =	sbr.rel @p2 .LBB2_6-.Ltmp3, $4  }
0xae: {  	v31 =	vadd.s32 s11, v23;
	s28 =	smov.u32 s30;
	s30 =	smov.u32 s5;
	s5 =	smov.u32 s9;
	v32 =	vld.idx.msk [tilespmem:v35+s10+$0x0], $0xffff;
	[tilespmem:s6+$0x20] =	vst v28  }
0xaf: {  	v33 =	vadd.s32 s8, v22;
	s9 =	smov.u32 s12;
	[tilespmem:s31+$0x10] =	vst v25;
	v27 =	vld.idx.msk [tilespmem:v37+s10+$0x0], $0xffff  }
0xb0: {  	v34 =	vadd.s32 s21, v18;
	[tilespmem:s28+$0x0] =	vst v36;
	v28 =	vld.idx.msk [tilespmem:v39+s10+$0x0], $0xffff  }
0xb1: {  	s13 =	sadd.s32 $0x1, s13;
	v35 =	vadd.s32 s3, v17;
	[tilespmem:s30+$0xFFFFFFF0] =	vst v38;
	v25 =	vld.idx.msk [tilespmem:v40+s10+$0x0], $0xffff  }
0xb2: {  	_ =	sdelay $0x3  }
0xb3: {  	v17 =	vld.idx.msk [tilespmem:v35+s10+$0x0], $0xffff  }
0xb4: {  	v18 =	vadd.s32 s3, v18;
	_ =	sdelay $0x1  }
0xb5: {  	s12 =	sadd.s32 $0x80, s12  }
0xb6: {  	[tilespmem:s12+$0xFFFFFFC0] =	vst v32;
	s13 =	sadd.s32 $0x80, s12  }
0xb7: {  	v32 =	vld.idx.msk [tilespmem:v34+s10+$0x0], $0xffff;
	[tilespmem:s13+$0xFFFFFFC0] =	vst v17  }
0xb8: {  	v17 =	vadd.s32 s21, v22;
	v18 =	vld.idx.msk [tilespmem:v18+s10+$0x0], $0xffff  }
0xb9: {  	v22 =	vadd.s32 s3, v22;
	_ =	sdelay $0x1  }
0xba: {  	[tilespmem:s9+$0xFFFFFFD0] =	vst v30  }
0xbb: {  	v30 =	vld.idx.msk [tilespmem:v33+s10+$0x0], $0xffff;
	[tilespmem:s12+$0xFFFFFFD0] =	vst v32  }
0xbc: {  	v52 =	vadd.s32 s8, v23;
	v17 =	vld.idx.msk [tilespmem:v17+s10+$0x0], $0xffff;
	[tilespmem:s13+$0xFFFFFFD0] =	vst v18  }
0xbd: {  	v18 =	vadd.s32 s21, v23;
	v22 =	vld.idx.msk [tilespmem:v22+s10+$0x0], $0xffff  }
0xbe: {  	v23 =	vadd.s32 s3, v23  }
0xbf: {  	[tilespmem:s5+$0xFFFFFFE0] =	vst v29  }
0xc0: {  	v29 =	vld.idx.msk [tilespmem:v31+s10+$0x0], $0xffff;
	[tilespmem:s9+$0xFFFFFFE0] =	vst v30  }
0xc1: {  	v30 =	vadd.s32 s11, v21;
	v31 =	vld.idx.msk [tilespmem:v52+s10+$0x0], $0xffff;
	[tilespmem:s12+$0xFFFFFFE0] =	vst v17  }
0xc2: {  	v17 =	vadd.s32 s8, v21;
	v18 =	vld.idx.msk [tilespmem:v18+s10+$0x0], $0xffff;
	[tilespmem:s13+$0xFFFFFFE0] =	vst v22  }
0xc3: {  	[tilespmem:s6+$0x30] =	vst v27;
	v22 =	vadd.s32 s21, v21;
	v23 =	vld.idx.msk [tilespmem:v23+s10+$0x0], $0xffff  }
0xc4: {  	[tilespmem:s31+$0x20] =	vst v28;
	v21 =	vadd.s32 s3, v21  }
0xc5: {  	v26 =	vld.idx.msk [tilespmem:v26+s10+$0x0], $0xffff;
	v27 =	vadd.s32 s1, v24;
	[tilespmem:s5+$0xFFFFFFF0] =	vst v29  }
0xc6: {  	v28 =	vadd.s32 s0, v19;
	v29 =	vld.idx.msk [tilespmem:v30+s10+$0x0], $0xffff;
	[tilespmem:s9+$0xFFFFFFF0] =	vst v31  }
0xc7: {  	v30 =	vadd.s32 s11, v19;
	v17 =	vld.idx.msk [tilespmem:v17+s10+$0x0], $0xffff;
	[tilespmem:s12+$0xFFFFFFF0] =	vst v18  }
0xc8: {  	v18 =	vadd.s32 s8, v19;
	v22 =	vld.idx.msk [tilespmem:v22+s10+$0x0], $0xffff;
	[tilespmem:s13+$0xFFFFFFF0] =	vst v23  }
0xc9: {  	[tilespmem:s28+$0x10] =	vst v25;
	v23 =	vadd.s32 s21, v19;
	v21 =	vld.idx.msk [tilespmem:v21+s10+$0x0], $0xffff  }
0xca: {  	[tilespmem:s30+$0x0] =	vst v26;
	v25 =	vld.idx.msk [tilespmem:v27+s10+$0x0], $0xffff;
	v19 =	vadd.s32 s3, v19  }
0xcb: {  	v26 =	vadd.s32 s29, v20;
	v27 =	vld.idx.msk [tilespmem:v28+s10+$0x0], $0xffff;
	[tilespmem:s5+$0x0] =	vst v29  }
0xcc: {  	v28 =	vadd.s32 s0, v20;
	v29 =	vld.idx.msk [tilespmem:v30+s10+$0x0], $0xffff;
	[tilespmem:s9+$0x0] =	vst v17  }
0xcd: {  	v17 =	vadd.s32 s11, v20;
	v18 =	vld.idx.msk [tilespmem:v18+s10+$0x0], $0xffff;
	[tilespmem:s12+$0x0] =	vst v22  }
0xce: {  	v22 =	vadd.s32 s8, v20;
	v23 =	vld.idx.msk [tilespmem:v23+s10+$0x0], $0xffff;
	[tilespmem:s13+$0x0] =	vst v21  }
0xcf: {  	[tilespmem:s31+$0x30] =	vst v25;
	v21 =	vadd.s32 s21, v20;
	v19 =	vld.idx.msk [tilespmem:v19+s10+$0x0], $0xffff  }
0xd0: {  	v25 =	vld.idx.msk [tilespmem:v26+s10+$0x0], $0xffff;
	[tilespmem:s30+$0x10] =	vst v27;
	v20 =	vadd.s32 s3, v20  }
0xd1: {  	v26 =	vadd.s32 s29, v24;
	v27 =	vld.idx.msk [tilespmem:v28+s10+$0x0], $0xffff;
	[tilespmem:s5+$0x10] =	vst v29  }
0xd2: {  	v28 =	vadd.s32 s0, v24;
	v17 =	vld.idx.msk [tilespmem:v17+s10+$0x0], $0xffff;
	[tilespmem:s9+$0x10] =	vst v18  }
0xd3: {  	v18 =	vadd.s32 s11, v24;
	v22 =	vld.idx.msk [tilespmem:v22+s10+$0x0], $0xffff;
	[tilespmem:s12+$0x10] =	vst v23  }
0xd4: {  	v23 =	vadd.s32 s8, v24;
	v21 =	vld.idx.msk [tilespmem:v21+s10+$0x0], $0xffff;
	[tilespmem:s13+$0x10] =	vst v19  }
0xd5: {  	[tilespmem:s28+$0x20] =	vst v25;
	v19 =	vadd.s32 s21, v24;
	v20 =	vld.idx.msk [tilespmem:v20+s10+$0x0], $0xffff  }
0xd6: {  	v25 =	vld.idx.msk [tilespmem:v26+s10+$0x0], $0xffff;
	[tilespmem:s30+$0x20] =	vst v27;
	v24 =	vadd.s32 s3, v24  }
0xd7: {  	v26 =	vld.idx.msk [tilespmem:v28+s10+$0x0], $0xffff;
	[tilespmem:s5+$0x20] =	vst v17  }
0xd8: {  	v17 =	vld.idx.msk [tilespmem:v18+s10+$0x0], $0xffff;
	[tilespmem:s9+$0x20] =	vst v22  }
0xd9: {  	v18 =	vld.idx.msk [tilespmem:v23+s10+$0x0], $0xffff;
	[tilespmem:s12+$0x20] =	vst v21  }
0xda: {  	v19 =	vld.idx.msk [tilespmem:v19+s10+$0x0], $0xffff;
	[tilespmem:s13+$0x20] =	vst v20  }
0xdb: {  	[tilespmem:s28+$0x30] =	vst v25;
	v20 =	vld.idx.msk [tilespmem:v24+s10+$0x0], $0xffff  }
0xdc: {  	[tilespmem:s30+$0x30] =	vst v26  }
0xdd: {  	[tilespmem:s5+$0x30] =	vst v17  }
0xde: {  	[tilespmem:s9+$0x30] =	vst v18  }
0xdf: {  	[tilespmem:s12+$0x30] =	vst v19  }
0xe0: {  	[tilespmem:s13+$0x30] =	vst v20  }
0xe1: {  	v17 =	vld [tilespmem:s25+$0xD180];
	_ =	sdelay $0x4  }
0xe2: {  	v17 =	vshll.u32 v17, $0x6  }
0xe3: {  	s21 =	simm.s32 $0x0;
	v18 =	vld [tilespmem:s25+$0xD190];
	v17 =	vadd.s32 v16, v17  }
0xe4: {  	v19 =	vadd.s32 s21, v17;
	_ =	sdelay $0x3  }
0xe5: {  	v20 =	vld [tilespmem:s25+$0xD1A0];
	v18 =	vshll.u32 v18, $0x6  }
0xe6: {  	v18 =	vadd.s32 v16, v18;
	v19 =	vld.idx.msk [tilespmem:v19+s10+$0x0], $0xffff  }
0xe7: {  	s11 =	simm.s32 $0x1;
	v21 =	vld [tilespmem:s25+$0xD1B0];
	v23 =	vadd.s32 s21, v18  }
0xe8: {  	v24 =	vld [tilespmem:s25+$0xD1C0];
	v26 =	vadd.s32 s11, v17  }
0xe9: {  	v25 =	vld [tilespmem:s25+$0xD1D0]  }
0xea: {  	s8 =	simm.s32 $0xF970;
	v27 =	vld [tilespmem:s25+$0xD1E0]  }
0xeb: {  	v28 =	vld [tilespmem:s25+$0xD1F0];
	v20 =	vshll.u32 v20, $0x6;
	[tilespmem:s8+$0xFFFFFF90] =	vst v19  }
0xec: {  	v22 =	vadd.s32 v16, v20;
	v19 =	vld.idx.msk [tilespmem:v23+s10+$0x0], $0xffff  }
0xed: {  	v20 =	vld.idx.msk [tilespmem:v26+s10+$0x0], $0xffff;
	v26 =	vadd.s32 s21, v22  }
0xee: {  	s29 =	simm.s32 $0x2;
	v29 =	vadd.s32 s11, v18  }
0xef: {  	v30 =	vadd.s32 s29, v17;
	_ =	sdelay $0x1  }
0xf0: {  	s0 =	simm.s32 $0xF9F0;
	v21 =	vshll.u32 v21, $0x6;
	[tilespmem:s8+$0xFFFFFFA0] =	vst v19  }
0xf1: {  	[tilespmem:s0+$0xFFFFFF90] =	vst v20;
	v23 =	vadd.s32 v16, v21;
	v19 =	vld.idx.msk [tilespmem:v26+s10+$0x0], $0xffff  }
0xf2: {  	v20 =	vld.idx.msk [tilespmem:v29+s10+$0x0], $0xffff;
	v26 =	vadd.s32 s21, v23  }
0xf3: {  	v29 =	vld.idx.msk [tilespmem:v30+s10+$0x0], $0xffff;
	v30 =	vadd.s32 s11, v22  }
0xf4: {  	v31 =	vadd.s32 s29, v18  }
0xf5: {  	s1 =	simm.s32 $0x3  }
0xf6: {  	s5 =	simm.s32 $0x4;
	v53 =	vadd.s32 s1, v17;
	v21 =	vshll.u32 v24, $0x6;
	[tilespmem:s8+$0xFFFFFFB0] =	vst v19  }
0xf7: {  	s28 =	simm.s32 $0xFA70;
	v55 =	vadd.s32 s5, v17;
	v21 =	vadd.s32 v16, v21;
	[tilespmem:s0+$0xFFFFFFA0] =	vst v20;
	v19 =	vld.idx.msk [tilespmem:v26+s10+$0x0], $0xffff  }
0xf8: {  	v24 =	vadd.s32 s21, v21;
	[tilespmem:s28+$0xFFFFFF90] =	vst v29;
	v20 =	vld.idx.msk [tilespmem:v30+s10+$0x0], $0xffff  }
0xf9: {  	v29 =	vadd.s32 s11, v23;
	v26 =	vld.idx.msk [tilespmem:v31+s10+$0x0], $0xffff  }
0xfa: {  	v31 =	vadd.s32 s29, v22  }
0xfb: {  	v30 =	vld.idx.msk [tilespmem:v53+s10+$0x0], $0xffff  }
0xfc: {  	v25 =	vshll.u32 v25, $0x6;
	v54 =	vadd.s32 s1, v18;
	v56 =	vld.idx.msk [tilespmem:v55+s10+$0x0], $0xffff;
	[tilespmem:s8+$0xFFFFFFC0] =	vst v19  }
0xfd: {  	v58 =	vadd.s32 s5, v18;
	[tilespmem:s0+$0xFFFFFFB0] =	vst v20;
	v19 =	vadd.s32 v16, v25;
	v20 =	vld.idx.msk [tilespmem:v24+s10+$0x0], $0xffff  }
0xfe: {  	[tilespmem:s28+$0xFFFFFFA0] =	vst v26;
	v24 =	vld.idx.msk [tilespmem:v29+s10+$0x0], $0xffff;
	v25 =	vadd.s32 s21, v19  }
0xff: {  	s30 =	simm.s32 $0xFAF0;
	v26 =	vld.idx.msk [tilespmem:v31+s10+$0x0], $0xffff;
	v29 =	vadd.s32 s11, v21  }
0x100: {  	s6 =	simm.s32 $0xFB70;
	[tilespmem:s30+$0xFFFFFF90] =	vst v30;
	v31 =	vadd.s32 s29, v23  }
0x101: {  	[tilespmem:s6+$0xFFFFFF90] =	vst v56;
	v30 =	vld.idx.msk [tilespmem:v54+s10+$0x0], $0xffff  }
0x102: {  	v57 =	vadd.s32 s1, v22;
	v60 =	vld.idx.msk [tilespmem:v58+s10+$0x0], $0xffff;
	[tilespmem:s8+$0xFFFFFFD0] =	vst v20  }
0x103: {  	s9 =	simm.s32 $0x5;
	v27 =	vshll.u32 v27, $0x6;
	[tilespmem:s0+$0xFFFFFFC0] =	vst v24;
	v24 =	vld.idx.msk [tilespmem:v25+s10+$0x0], $0xffff  }
0x104: {  	v20 =	vadd.s32 v16, v27;
	v27 =	vadd.s32 s9, v17;
	[tilespmem:s28+$0xFFFFFFB0] =	vst v26;
	v25 =	vld.idx.msk [tilespmem:v29+s10+$0x0], $0xffff  }
0x105: {  	v62 =	vadd.s32 s5, v22;
	v29 =	vld.idx.msk [tilespmem:v31+s10+$0x0], $0xffff  }
0x106: {  	[tilespmem:s30+$0xFFFFFFA0] =	vst v30;
	v26 =	vadd.s32 s21, v20  }
0x107: {  	v30 =	vadd.s32 s11, v19;
	v31 =	vld.idx.msk [tilespmem:v57+s10+$0x0], $0xffff  }
0x108: {  	v59 =	vadd.s32 s29, v21;
	[tilespmem:s6+$0xFFFFFFA0] =	vst v60  }
0x109: {  	v61 =	vadd.s32 s1, v23;
	v27 =	vld.idx.msk [tilespmem:v27+s10+$0x0], $0xffff;
	[tilespmem:s8+$0xFFFFFFE0] =	vst v24  }
0x10a: {  	s3 =	simm.s32 $0x6;
	v24 =	vshll.u32 v28, $0x6;
	v28 =	vadd.s32 s9, v18;
	[tilespmem:s28+$0xFFFFFFC0] =	vst v29;
	v29 =	vld.idx.msk [tilespmem:v62+s10+$0x0], $0xffff  }
0x10b: {  	[tilespmem:s0+$0xFFFFFFD0] =	vst v25;
	v25 =	vld.idx.msk [tilespmem:v26+s10+$0x0], $0xffff;
	v24 =	vadd.s32 v16, v24;
	v26 =	vadd.s32 s3, v17  }
0x10c: {  	[tilespmem:s30+$0xFFFFFFB0] =	vst v31;
	v36 =	vld.idx.msk [tilespmem:v30+s10+$0x0], $0xffff;
	v31 =	vadd.s32 s21, v24  }
0x10d: {  	s31 =	simm.s32 $0xFBF0;
	v37 =	vld.idx.msk [tilespmem:v59+s10+$0x0], $0xffff  }
0x10e: {  	v63 =	vadd.s32 s11, v20;
	v38 =	vld.idx.msk [tilespmem:v61+s10+$0x0], $0xffff;
	[tilespmem:s31+$0xFFFFFF90] =	vst v27  }
0x10f: {  	v39 =	vadd.s32 s29, v19;
	v30 =	vld.idx.msk [tilespmem:v28+s10+$0x0], $0xffff  }
0x110: {  	v32 =	vld.idx.msk [tilespmem:v26+s10+$0x0], $0xffff;
	[tilespmem:s8+$0xFFFFFFF0] =	vst v25;
	v26 =	vadd.s32 s1, v21  }
0x111: {  	v27 =	vld.idx.msk [tilespmem:v31+s10+$0x0], $0xffff;
	v31 =	vadd.s32 s5, v23  }
0x112: {  	v33 =	vadd.s32 s9, v22;
	[tilespmem:s0+$0xFFFFFFE0] =	vst v36  }
0x113: {  	s12 =	simm.s32 $0x7;
	v34 =	vadd.s32 s3, v18;
	[tilespmem:s28+$0xFFFFFFD0] =	vst v37;
	v28 =	vld.idx.msk [tilespmem:v63+s10+$0x0], $0xffff  }
0x114: {  	s18 =	simm.s32 $0x8;
	s13 =	simm.s32 $0xFBF0;
	v35 =	vadd.s32 s12, v17;
	[tilespmem:s30+$0xFFFFFFC0] =	vst v38;
	v25 =	vld.idx.msk [tilespmem:v39+s10+$0x0], $0xffff  }
.LBB2_8:
0x115: {  	p2 =	sne.s32 s18, $0x3F;
	[tilespmem:s6+$0xFFFFFFB0] =	vst v29;
	v36 =	vld.idx.msk [tilespmem:v26+s10+$0x0], $0xffff;
	v37 =	vadd.s32 s11, v24;
	s11 =	smov.u32 s29;
	s29 =	smov.u32 s1  }
0x116: {  	s13 =	sadd.s32 $0x80, s13;
	s1 =	smov.u32 s5;
	s5 =	smov.u32 s9;
	[tilespmem:s31+$0xFFFFFFA0] =	vst v30;
	v38 =	vld.idx.msk [tilespmem:v31+s10+$0x0], $0xffff;
	v39 =	vadd.s32 s11, v20  }
0x117: {  	s9 =	smov.u32 s3;
	s3 =	smov.u32 s12;
	s12 =	smov.u32 s18;
	v40 =	vadd.s32 s29, v19;
	[tilespmem:s13+$0xFFFFFF90] =	vst v32;
	v29 =	vld.idx.msk [tilespmem:v33+s10+$0x0], $0xffff  }
.Ltmp4:
0x118: {  	v26 =	vadd.s32 s1, v21;
	v30 =	vld.idx.msk [tilespmem:v34+s10+$0x0], $0xffff;
	[tilespmem:s8+$0x0] =	vst v27;
	s8 =	smov.u32 s0;
	s0 =	smov.u32 s28;
	(pc) =	sbr.rel @p2 .LBB2_8-.Ltmp4, $4  }
0x119: {  	v31 =	vadd.s32 s5, v23;
	s28 =	smov.u32 s30;
	s30 =	smov.u32 s6;
	s6 =	smov.u32 s31;
	v32 =	vld.idx.msk [tilespmem:v35+s10+$0x0], $0xffff;
	[tilespmem:s8+$0xFFFFFFF0] =	vst v28  }
0x11a: {  	v33 =	vadd.s32 s9, v22;
	s31 =	smov.u32 s13;
	[tilespmem:s0+$0xFFFFFFE0] =	vst v25;
	v27 =	vld.idx.msk [tilespmem:v37+s10+$0x0], $0xffff  }
0x11b: {  	v34 =	vadd.s32 s3, v18;
	[tilespmem:s28+$0xFFFFFFD0] =	vst v36;
	v28 =	vld.idx.msk [tilespmem:v39+s10+$0x0], $0xffff  }
0x11c: {  	s18 =	sadd.s32 $0x1, s18;
	v35 =	vadd.s32 s12, v17;
	[tilespmem:s30+$0xFFFFFFC0] =	vst v38;
	v25 =	vld.idx.msk [tilespmem:v40+s10+$0x0], $0xffff  }
0x11d: {  	_ =	sdelay $0x3  }
0x11e: {  	v17 =	vld.idx.msk [tilespmem:v35+s10+$0x0], $0xffff  }
0x11f: {  	v18 =	vadd.s32 s12, v18;
	_ =	sdelay $0x1  }
0x120: {  	s13 =	sadd.s32 $0x80, s13  }
0x121: {  	[tilespmem:s13+$0xFFFFFF90] =	vst v32;
	s21 =	sadd.s32 $0x80, s13  }
0x122: {  	v32 =	vld.idx.msk [tilespmem:v34+s10+$0x0], $0xffff;
	[tilespmem:s21+$0xFFFFFF90] =	vst v17  }
0x123: {  	v17 =	vadd.s32 s3, v22;
	v18 =	vld.idx.msk [tilespmem:v18+s10+$0x0], $0xffff  }
0x124: {  	v22 =	vadd.s32 s12, v22;
	_ =	sdelay $0x1  }
0x125: {  	[tilespmem:s31+$0xFFFFFFA0] =	vst v30  }
0x126: {  	v30 =	vld.idx.msk [tilespmem:v33+s10+$0x0], $0xffff;
	[tilespmem:s13+$0xFFFFFFA0] =	vst v32  }
0x127: {  	v52 =	vadd.s32 s9, v23;
	v17 =	vld.idx.msk [tilespmem:v17+s10+$0x0], $0xffff;
	[tilespmem:s21+$0xFFFFFFA0] =	vst v18  }
0x128: {  	v18 =	vadd.s32 s3, v23;
	v22 =	vld.idx.msk [tilespmem:v22+s10+$0x0], $0xffff  }
0x129: {  	v23 =	vadd.s32 s12, v23  }
0x12a: {  	[tilespmem:s6+$0xFFFFFFB0] =	vst v29  }
0x12b: {  	v29 =	vld.idx.msk [tilespmem:v31+s10+$0x0], $0xffff;
	[tilespmem:s31+$0xFFFFFFB0] =	vst v30  }
0x12c: {  	v30 =	vadd.s32 s5, v21;
	v31 =	vld.idx.msk [tilespmem:v52+s10+$0x0], $0xffff;
	[tilespmem:s13+$0xFFFFFFB0] =	vst v17  }
0x12d: {  	v17 =	vadd.s32 s9, v21;
	v18 =	vld.idx.msk [tilespmem:v18+s10+$0x0], $0xffff;
	[tilespmem:s21+$0xFFFFFFB0] =	vst v22  }
0x12e: {  	[tilespmem:s8+$0x0] =	vst v27;
	v22 =	vadd.s32 s3, v21;
	v23 =	vld.idx.msk [tilespmem:v23+s10+$0x0], $0xffff  }
0x12f: {  	[tilespmem:s0+$0xFFFFFFF0] =	vst v28;
	v21 =	vadd.s32 s12, v21  }
0x130: {  	v26 =	vld.idx.msk [tilespmem:v26+s10+$0x0], $0xffff;
	v27 =	vadd.s32 s11, v24;
	[tilespmem:s6+$0xFFFFFFC0] =	vst v29  }
0x131: {  	v28 =	vadd.s32 s1, v19;
	v29 =	vld.idx.msk [tilespmem:v30+s10+$0x0], $0xffff;
	[tilespmem:s31+$0xFFFFFFC0] =	vst v31  }
0x132: {  	v30 =	vadd.s32 s5, v19;
	v17 =	vld.idx.msk [tilespmem:v17+s10+$0x0], $0xffff;
	[tilespmem:s13+$0xFFFFFFC0] =	vst v18  }
0x133: {  	v18 =	vadd.s32 s9, v19;
	v22 =	vld.idx.msk [tilespmem:v22+s10+$0x0], $0xffff;
	[tilespmem:s21+$0xFFFFFFC0] =	vst v23  }
0x134: {  	[tilespmem:s28+$0xFFFFFFE0] =	vst v25;
	v23 =	vadd.s32 s3, v19;
	v21 =	vld.idx.msk [tilespmem:v21+s10+$0x0], $0xffff  }
0x135: {  	[tilespmem:s30+$0xFFFFFFD0] =	vst v26;
	v25 =	vld.idx.msk [tilespmem:v27+s10+$0x0], $0xffff;
	v19 =	vadd.s32 s12, v19  }
0x136: {  	v26 =	vadd.s32 s29, v20;
	v27 =	vld.idx.msk [tilespmem:v28+s10+$0x0], $0xffff;
	[tilespmem:s6+$0xFFFFFFD0] =	vst v29  }
0x137: {  	v28 =	vadd.s32 s1, v20;
	v29 =	vld.idx.msk [tilespmem:v30+s10+$0x0], $0xffff;
	[tilespmem:s31+$0xFFFFFFD0] =	vst v17  }
0x138: {  	v17 =	vadd.s32 s5, v20;
	v18 =	vld.idx.msk [tilespmem:v18+s10+$0x0], $0xffff;
	[tilespmem:s13+$0xFFFFFFD0] =	vst v22  }
0x139: {  	v22 =	vadd.s32 s9, v20;
	v23 =	vld.idx.msk [tilespmem:v23+s10+$0x0], $0xffff;
	[tilespmem:s21+$0xFFFFFFD0] =	vst v21  }
0x13a: {  	[tilespmem:s0+$0x0] =	vst v25;
	v21 =	vadd.s32 s3, v20;
	v19 =	vld.idx.msk [tilespmem:v19+s10+$0x0], $0xffff  }
0x13b: {  	v25 =	vld.idx.msk [tilespmem:v26+s10+$0x0], $0xffff;
	[tilespmem:s30+$0xFFFFFFE0] =	vst v27;
	v20 =	vadd.s32 s12, v20  }
0x13c: {  	v26 =	vadd.s32 s29, v24;
	v27 =	vld.idx.msk [tilespmem:v28+s10+$0x0], $0xffff;
	[tilespmem:s6+$0xFFFFFFE0] =	vst v29  }
0x13d: {  	v28 =	vadd.s32 s1, v24;
	v17 =	vld.idx.msk [tilespmem:v17+s10+$0x0], $0xffff;
	[tilespmem:s31+$0xFFFFFFE0] =	vst v18  }
0x13e: {  	v18 =	vadd.s32 s5, v24;
	v22 =	vld.idx.msk [tilespmem:v22+s10+$0x0], $0xffff;
	[tilespmem:s13+$0xFFFFFFE0] =	vst v23  }
0x13f: {  	v23 =	vadd.s32 s9, v24;
	v21 =	vld.idx.msk [tilespmem:v21+s10+$0x0], $0xffff;
	[tilespmem:s21+$0xFFFFFFE0] =	vst v19  }
0x140: {  	[tilespmem:s28+$0xFFFFFFF0] =	vst v25;
	v19 =	vadd.s32 s3, v24;
	v20 =	vld.idx.msk [tilespmem:v20+s10+$0x0], $0xffff  }
0x141: {  	v25 =	vld.idx.msk [tilespmem:v26+s10+$0x0], $0xffff;
	[tilespmem:s30+$0xFFFFFFF0] =	vst v27;
	v24 =	vadd.s32 s12, v24  }
0x142: {  	v26 =	vld.idx.msk [tilespmem:v28+s10+$0x0], $0xffff;
	[tilespmem:s6+$0xFFFFFFF0] =	vst v17  }
0x143: {  	v17 =	vld.idx.msk [tilespmem:v18+s10+$0x0], $0xffff;
	[tilespmem:s31+$0xFFFFFFF0] =	vst v22  }
0x144: {  	v18 =	vld.idx.msk [tilespmem:v23+s10+$0x0], $0xffff;
	[tilespmem:s13+$0xFFFFFFF0] =	vst v21  }
0x145: {  	v19 =	vld.idx.msk [tilespmem:v19+s10+$0x0], $0xffff;
	[tilespmem:s21+$0xFFFFFFF0] =	vst v20  }
0x146: {  	[tilespmem:s28+$0x0] =	vst v25;
	v20 =	vld.idx.msk [tilespmem:v24+s10+$0x0], $0xffff  }
0x147: {  	[tilespmem:s30+$0x0] =	vst v26  }
0x148: {  	s18 =	sshll.u32 s26, $0x16;
	[tilespmem:s6+$0x0] =	vst v17  }
0x149: {  	s0 =	sadd.s32 s24, s18;
	[tilespmem:s31+$0x0] =	vst v18  }
0x14a: {  	s0 =	sshrl.u32 s0, $0x3;
	[tilespmem:s13+$0x0] =	vst v19  }
0x14b: {  	s26 =	sshll.u32 s26, $0x2;
	s0 =	sadd.s32 s2, s0;
	s1 =	simm.s32 @p1 $0x4;
	[tilespmem:s21+$0x0] =	vst v20  }
0x14c: {  	[hbm4b:s0+s14] =	stream.strided.scatter [tilespmem:s16], [sflag:$0x3], $0x4000, s15, s14, $0x38;
	[tilespmem:$0x15900] =	vst v63  }
0x14d: {  	s26 =	sor.u32 $0x2, s26;
	_ =	swait.ge @p1 [sflag:s1], $0x4000  }
0x14e: {  	s0 =	sshll.u32 s26, $0x7;
	[sflag:s1] =	ssyncset.done @p1 $0x0  }
0x14f: {  	s0 =	sand.u32 $0x3FFFFF80, s0;
	[sflag:s1] =	ssyncadd.s32 @p1 $0xFFFFC000  }
0x150: {  	v17 =	vld [tilespmem:s0+$0xD100];
	_ =	sdelay $0x4  }
0x151: {  	v17 =	vshll.u32 v17, $0x6  }
0x152: {  	s31 =	simm.s32 $0x0;
	v18 =	vld [tilespmem:s0+$0xD110];
	v17 =	vadd.s32 v16, v17  }
0x153: {  	v19 =	vadd.s32 s31, v17;
	_ =	sdelay $0x3  }
0x154: {  	v20 =	vld [tilespmem:s0+$0xD120];
	v18 =	vshll.u32 v18, $0x6  }
0x155: {  	v18 =	vadd.s32 v16, v18;
	v19 =	vld.idx.msk [tilespmem:v19+s10+$0x0], $0xffff  }
0x156: {  	s11 =	simm.s32 $0x1;
	v21 =	vld [tilespmem:s0+$0xD130];
	v23 =	vadd.s32 s31, v18  }
0x157: {  	v24 =	vld [tilespmem:s0+$0xD140];
	v26 =	vadd.s32 s11, v17  }
0x158: {  	v25 =	vld [tilespmem:s0+$0xD150]  }
0x159: {  	s8 =	simm.s32 $0x11940;
	v27 =	vld [tilespmem:s0+$0xD160]  }
0x15a: {  	v28 =	vld [tilespmem:s0+$0xD170];
	v20 =	vshll.u32 v20, $0x6;
	[tilespmem:s8+$0xFFFFFFC0] =	vst v19  }
0x15b: {  	v22 =	vadd.s32 v16, v20;
	v19 =	vld.idx.msk [tilespmem:v23+s10+$0x0], $0xffff  }
0x15c: {  	v20 =	vld.idx.msk [tilespmem:v26+s10+$0x0], $0xffff;
	v26 =	vadd.s32 s31, v22  }
0x15d: {  	s29 =	simm.s32 $0x2;
	v29 =	vadd.s32 s11, v18  }
0x15e: {  	v30 =	vadd.s32 s29, v17;
	_ =	sdelay $0x1  }
0x15f: {  	s0 =	simm.s32 $0x119C0;
	v21 =	vshll.u32 v21, $0x6;
	[tilespmem:s8+$0xFFFFFFD0] =	vst v19  }
0x160: {  	[tilespmem:s0+$0xFFFFFFC0] =	vst v20;
	v23 =	vadd.s32 v16, v21;
	v19 =	vld.idx.msk [tilespmem:v26+s10+$0x0], $0xffff  }
0x161: {  	v20 =	vld.idx.msk [tilespmem:v29+s10+$0x0], $0xffff;
	v26 =	vadd.s32 s31, v23  }
0x162: {  	v29 =	vld.idx.msk [tilespmem:v30+s10+$0x0], $0xffff;
	v30 =	vadd.s32 s11, v22  }
0x163: {  	v31 =	vadd.s32 s29, v18  }
0x164: {  	s1 =	simm.s32 $0x3  }
0x165: {  	s5 =	simm.s32 $0x4;
	v53 =	vadd.s32 s1, v17;
	v21 =	vshll.u32 v24, $0x6;
	[tilespmem:s8+$0xFFFFFFE0] =	vst v19  }
0x166: {  	s28 =	simm.s32 $0x11A40;
	v55 =	vadd.s32 s5, v17;
	v21 =	vadd.s32 v16, v21;
	[tilespmem:s0+$0xFFFFFFD0] =	vst v20;
	v19 =	vld.idx.msk [tilespmem:v26+s10+$0x0], $0xffff  }
0x167: {  	v24 =	vadd.s32 s31, v21;
	[tilespmem:s28+$0xFFFFFFC0] =	vst v29;
	v20 =	vld.idx.msk [tilespmem:v30+s10+$0x0], $0xffff  }
0x168: {  	v29 =	vadd.s32 s11, v23;
	v26 =	vld.idx.msk [tilespmem:v31+s10+$0x0], $0xffff  }
0x169: {  	v31 =	vadd.s32 s29, v22  }
0x16a: {  	v30 =	vld.idx.msk [tilespmem:v53+s10+$0x0], $0xffff  }
0x16b: {  	v25 =	vshll.u32 v25, $0x6;
	v54 =	vadd.s32 s1, v18;
	v56 =	vld.idx.msk [tilespmem:v55+s10+$0x0], $0xffff;
	[tilespmem:s8+$0xFFFFFFF0] =	vst v19  }
0x16c: {  	v58 =	vadd.s32 s5, v18;
	[tilespmem:s0+$0xFFFFFFE0] =	vst v20;
	v19 =	vadd.s32 v16, v25;
	v20 =	vld.idx.msk [tilespmem:v24+s10+$0x0], $0xffff  }
0x16d: {  	[tilespmem:s28+$0xFFFFFFD0] =	vst v26;
	v24 =	vld.idx.msk [tilespmem:v29+s10+$0x0], $0xffff;
	v25 =	vadd.s32 s31, v19  }
0x16e: {  	s30 =	simm.s32 $0x11AC0;
	v26 =	vld.idx.msk [tilespmem:v31+s10+$0x0], $0xffff;
	v29 =	vadd.s32 s11, v21  }
0x16f: {  	s6 =	simm.s32 $0x11B40;
	[tilespmem:s30+$0xFFFFFFC0] =	vst v30;
	v31 =	vadd.s32 s29, v23  }
0x170: {  	[tilespmem:s6+$0xFFFFFFC0] =	vst v56;
	v30 =	vld.idx.msk [tilespmem:v54+s10+$0x0], $0xffff  }
0x171: {  	v57 =	vadd.s32 s1, v22;
	v60 =	vld.idx.msk [tilespmem:v58+s10+$0x0], $0xffff;
	[tilespmem:s8+$0x0] =	vst v20  }
0x172: {  	s9 =	simm.s32 $0x5;
	v27 =	vshll.u32 v27, $0x6;
	[tilespmem:s0+$0xFFFFFFF0] =	vst v24;
	v24 =	vld.idx.msk [tilespmem:v25+s10+$0x0], $0xffff  }
0x173: {  	v20 =	vadd.s32 v16, v27;
	v27 =	vadd.s32 s9, v17;
	[tilespmem:s28+$0xFFFFFFE0] =	vst v26;
	v25 =	vld.idx.msk [tilespmem:v29+s10+$0x0], $0xffff  }
0x174: {  	v62 =	vadd.s32 s5, v22;
	v29 =	vld.idx.msk [tilespmem:v31+s10+$0x0], $0xffff  }
0x175: {  	[tilespmem:s30+$0xFFFFFFD0] =	vst v30;
	v26 =	vadd.s32 s31, v20  }
0x176: {  	v30 =	vadd.s32 s11, v19;
	v31 =	vld.idx.msk [tilespmem:v57+s10+$0x0], $0xffff  }
0x177: {  	v59 =	vadd.s32 s29, v21;
	[tilespmem:s6+$0xFFFFFFD0] =	vst v60  }
0x178: {  	v61 =	vadd.s32 s1, v23;
	v27 =	vld.idx.msk [tilespmem:v27+s10+$0x0], $0xffff;
	[tilespmem:s8+$0x10] =	vst v24  }
0x179: {  	s3 =	simm.s32 $0x6;
	v24 =	vshll.u32 v28, $0x6;
	v28 =	vadd.s32 s9, v18;
	[tilespmem:s28+$0xFFFFFFF0] =	vst v29;
	v29 =	vld.idx.msk [tilespmem:v62+s10+$0x0], $0xffff  }
0x17a: {  	[tilespmem:s0+$0x0] =	vst v25;
	v25 =	vld.idx.msk [tilespmem:v26+s10+$0x0], $0xffff;
	v24 =	vadd.s32 v16, v24;
	v26 =	vadd.s32 s3, v17  }
0x17b: {  	[tilespmem:s30+$0xFFFFFFE0] =	vst v31;
	v36 =	vld.idx.msk [tilespmem:v30+s10+$0x0], $0xffff;
	v31 =	vadd.s32 s31, v24  }
0x17c: {  	s21 =	simm.s32 $0x11BC0;
	v37 =	vld.idx.msk [tilespmem:v59+s10+$0x0], $0xffff  }
0x17d: {  	v63 =	vadd.s32 s11, v20;
	v38 =	vld.idx.msk [tilespmem:v61+s10+$0x0], $0xffff;
	[tilespmem:s21+$0xFFFFFFC0] =	vst v27  }
0x17e: {  	v39 =	vadd.s32 s29, v19;
	v30 =	vld.idx.msk [tilespmem:v28+s10+$0x0], $0xffff  }
0x17f: {  	v32 =	vld.idx.msk [tilespmem:v26+s10+$0x0], $0xffff;
	[tilespmem:s8+$0x20] =	vst v25;
	v26 =	vadd.s32 s1, v21  }
0x180: {  	v27 =	vld.idx.msk [tilespmem:v31+s10+$0x0], $0xffff;
	v31 =	vadd.s32 s5, v23  }
0x181: {  	v33 =	vadd.s32 s9, v22;
	[tilespmem:s0+$0x10] =	vst v36  }
0x182: {  	s12 =	simm.s32 $0x7;
	v34 =	vadd.s32 s3, v18;
	[tilespmem:s28+$0x0] =	vst v37;
	v28 =	vld.idx.msk [tilespmem:v63+s10+$0x0], $0xffff  }
0x183: {  	s18 =	simm.s32 $0x8;
	s13 =	simm.s32 $0x11BC0;
	v35 =	vadd.s32 s12, v17;
	[tilespmem:s30+$0xFFFFFFF0] =	vst v38;
	v25 =	vld.idx.msk [tilespmem:v39+s10+$0x0], $0xffff  }
.LBB2_10:
0x184: {  	p1 =	sne.s32 s18, $0x3F;
	[tilespmem:s6+$0xFFFFFFE0] =	vst v29;
	v36 =	vld.idx.msk [tilespmem:v26+s10+$0x0], $0xffff;
	v37 =	vadd.s32 s11, v24;
	s11 =	smov.u32 s29;
	s29 =	smov.u32 s1  }
0x185: {  	s13 =	sadd.s32 $0x80, s13;
	s1 =	smov.u32 s5;
	s5 =	smov.u32 s9;
	[tilespmem:s21+$0xFFFFFFD0] =	vst v30;
	v38 =	vld.idx.msk [tilespmem:v31+s10+$0x0], $0xffff;
	v39 =	vadd.s32 s11, v20  }
0x186: {  	s9 =	smov.u32 s3;
	s3 =	smov.u32 s12;
	s12 =	smov.u32 s18;
	v40 =	vadd.s32 s29, v19;
	[tilespmem:s13+$0xFFFFFFC0] =	vst v32;
	v29 =	vld.idx.msk [tilespmem:v33+s10+$0x0], $0xffff  }
.Ltmp5:
0x187: {  	v26 =	vadd.s32 s1, v21;
	v30 =	vld.idx.msk [tilespmem:v34+s10+$0x0], $0xffff;
	[tilespmem:s8+$0x30] =	vst v27;
	s8 =	smov.u32 s0;
	s0 =	smov.u32 s28;
	(pc) =	sbr.rel @p1 .LBB2_10-.Ltmp5, $4  }
0x188: {  	v31 =	vadd.s32 s5, v23;
	s28 =	smov.u32 s30;
	s30 =	smov.u32 s6;
	s6 =	smov.u32 s21;
	v32 =	vld.idx.msk [tilespmem:v35+s10+$0x0], $0xffff;
	[tilespmem:s8+$0x20] =	vst v28  }
0x189: {  	v33 =	vadd.s32 s9, v22;
	s21 =	smov.u32 s13;
	[tilespmem:s0+$0x10] =	vst v25;
	v27 =	vld.idx.msk [tilespmem:v37+s10+$0x0], $0xffff  }
0x18a: {  	v34 =	vadd.s32 s3, v18;
	[tilespmem:s28+$0x0] =	vst v36;
	v28 =	vld.idx.msk [tilespmem:v39+s10+$0x0], $0xffff  }
0x18b: {  	s18 =	sadd.s32 $0x1, s18;
	v35 =	vadd.s32 s12, v17;
	[tilespmem:s30+$0xFFFFFFF0] =	vst v38;
	v25 =	vld.idx.msk [tilespmem:v40+s10+$0x0], $0xffff  }
0x18c: {  	_ =	sdelay $0x3  }
0x18d: {  	v17 =	vld.idx.msk [tilespmem:v35+s10+$0x0], $0xffff  }
0x18e: {  	v18 =	vadd.s32 s12, v18;
	_ =	sdelay $0x1  }
0x18f: {  	s13 =	sadd.s32 $0x80, s13  }
0x190: {  	[tilespmem:s13+$0xFFFFFFC0] =	vst v32;
	s18 =	sadd.s32 $0x80, s13  }
0x191: {  	v32 =	vld.idx.msk [tilespmem:v34+s10+$0x0], $0xffff;
	[tilespmem:s18+$0xFFFFFFC0] =	vst v17  }
0x192: {  	v17 =	vadd.s32 s3, v22;
	v18 =	vld.idx.msk [tilespmem:v18+s10+$0x0], $0xffff  }
0x193: {  	v22 =	vadd.s32 s12, v22;
	_ =	sdelay $0x1  }
0x194: {  	[tilespmem:s21+$0xFFFFFFD0] =	vst v30  }
0x195: {  	v30 =	vld.idx.msk [tilespmem:v33+s10+$0x0], $0xffff;
	[tilespmem:s13+$0xFFFFFFD0] =	vst v32  }
0x196: {  	v52 =	vadd.s32 s9, v23;
	v17 =	vld.idx.msk [tilespmem:v17+s10+$0x0], $0xffff;
	[tilespmem:s18+$0xFFFFFFD0] =	vst v18  }
0x197: {  	v18 =	vadd.s32 s3, v23;
	v22 =	vld.idx.msk [tilespmem:v22+s10+$0x0], $0xffff  }
0x198: {  	v23 =	vadd.s32 s12, v23  }
0x199: {  	[tilespmem:s6+$0xFFFFFFE0] =	vst v29  }
0x19a: {  	v29 =	vld.idx.msk [tilespmem:v31+s10+$0x0], $0xffff;
	[tilespmem:s21+$0xFFFFFFE0] =	vst v30  }
0x19b: {  	v30 =	vadd.s32 s5, v21;
	v31 =	vld.idx.msk [tilespmem:v52+s10+$0x0], $0xffff;
	[tilespmem:s13+$0xFFFFFFE0] =	vst v17  }
0x19c: {  	v17 =	vadd.s32 s9, v21;
	v18 =	vld.idx.msk [tilespmem:v18+s10+$0x0], $0xffff;
	[tilespmem:s18+$0xFFFFFFE0] =	vst v22  }
0x19d: {  	[tilespmem:s8+$0x30] =	vst v27;
	v22 =	vadd.s32 s3, v21;
	v23 =	vld.idx.msk [tilespmem:v23+s10+$0x0], $0xffff  }
0x19e: {  	[tilespmem:s0+$0x20] =	vst v28;
	v21 =	vadd.s32 s12, v21  }
0x19f: {  	v26 =	vld.idx.msk [tilespmem:v26+s10+$0x0], $0xffff;
	v27 =	vadd.s32 s11, v24;
	[tilespmem:s6+$0xFFFFFFF0] =	vst v29  }
0x1a0: {  	v28 =	vadd.s32 s1, v19;
	v29 =	vld.idx.msk [tilespmem:v30+s10+$0x0], $0xffff;
	[tilespmem:s21+$0xFFFFFFF0] =	vst v31  }
0x1a1: {  	v30 =	vadd.s32 s5, v19;
	v17 =	vld.idx.msk [tilespmem:v17+s10+$0x0], $0xffff;
	[tilespmem:s13+$0xFFFFFFF0] =	vst v18  }
0x1a2: {  	v18 =	vadd.s32 s9, v19;
	v22 =	vld.idx.msk [tilespmem:v22+s10+$0x0], $0xffff;
	[tilespmem:s18+$0xFFFFFFF0] =	vst v23  }
0x1a3: {  	[tilespmem:s28+$0x10] =	vst v25;
	v23 =	vadd.s32 s3, v19;
	v21 =	vld.idx.msk [tilespmem:v21+s10+$0x0], $0xffff  }
0x1a4: {  	[tilespmem:s30+$0x0] =	vst v26;
	v25 =	vld.idx.msk [tilespmem:v27+s10+$0x0], $0xffff;
	v19 =	vadd.s32 s12, v19  }
0x1a5: {  	v26 =	vadd.s32 s29, v20;
	v27 =	vld.idx.msk [tilespmem:v28+s10+$0x0], $0xffff;
	[tilespmem:s6+$0x0] =	vst v29  }
0x1a6: {  	v28 =	vadd.s32 s1, v20;
	v29 =	vld.idx.msk [tilespmem:v30+s10+$0x0], $0xffff;
	[tilespmem:s21+$0x0] =	vst v17  }
0x1a7: {  	v17 =	vadd.s32 s5, v20;
	v18 =	vld.idx.msk [tilespmem:v18+s10+$0x0], $0xffff;
	[tilespmem:s13+$0x0] =	vst v22  }
0x1a8: {  	v22 =	vadd.s32 s9, v20;
	v23 =	vld.idx.msk [tilespmem:v23+s10+$0x0], $0xffff;
	[tilespmem:s18+$0x0] =	vst v21  }
0x1a9: {  	[tilespmem:s0+$0x30] =	vst v25;
	v21 =	vadd.s32 s3, v20;
	v19 =	vld.idx.msk [tilespmem:v19+s10+$0x0], $0xffff  }
0x1aa: {  	v25 =	vld.idx.msk [tilespmem:v26+s10+$0x0], $0xffff;
	[tilespmem:s30+$0x10] =	vst v27;
	v20 =	vadd.s32 s12, v20  }
0x1ab: {  	v26 =	vadd.s32 s29, v24;
	v27 =	vld.idx.msk [tilespmem:v28+s10+$0x0], $0xffff;
	[tilespmem:s6+$0x10] =	vst v29  }
0x1ac: {  	v28 =	vadd.s32 s1, v24;
	v17 =	vld.idx.msk [tilespmem:v17+s10+$0x0], $0xffff;
	[tilespmem:s21+$0x10] =	vst v18  }
0x1ad: {  	v18 =	vadd.s32 s5, v24;
	v22 =	vld.idx.msk [tilespmem:v22+s10+$0x0], $0xffff;
	[tilespmem:s13+$0x10] =	vst v23  }
0x1ae: {  	v23 =	vadd.s32 s9, v24;
	v21 =	vld.idx.msk [tilespmem:v21+s10+$0x0], $0xffff;
	[tilespmem:s18+$0x10] =	vst v19  }
0x1af: {  	[tilespmem:s28+$0x20] =	vst v25;
	v19 =	vadd.s32 s3, v24;
	v20 =	vld.idx.msk [tilespmem:v20+s10+$0x0], $0xffff  }
0x1b0: {  	v25 =	vld.idx.msk [tilespmem:v26+s10+$0x0], $0xffff;
	[tilespmem:s30+$0x20] =	vst v27;
	v24 =	vadd.s32 s12, v24  }
0x1b1: {  	v26 =	vld.idx.msk [tilespmem:v28+s10+$0x0], $0xffff;
	[tilespmem:s6+$0x20] =	vst v17  }
0x1b2: {  	v17 =	vld.idx.msk [tilespmem:v18+s10+$0x0], $0xffff;
	[tilespmem:s21+$0x20] =	vst v22  }
0x1b3: {  	v18 =	vld.idx.msk [tilespmem:v23+s10+$0x0], $0xffff;
	[tilespmem:s13+$0x20] =	vst v21  }
0x1b4: {  	v19 =	vld.idx.msk [tilespmem:v19+s10+$0x0], $0xffff;
	[tilespmem:s18+$0x20] =	vst v20  }
0x1b5: {  	[tilespmem:s28+$0x30] =	vst v25;
	v20 =	vld.idx.msk [tilespmem:v24+s10+$0x0], $0xffff  }
0x1b6: {  	[tilespmem:s30+$0x30] =	vst v26  }
0x1b7: {  	[tilespmem:s6+$0x30] =	vst v17  }
0x1b8: {  	[tilespmem:s21+$0x30] =	vst v18  }
0x1b9: {  	[tilespmem:s13+$0x30] =	vst v19  }
0x1ba: {  	[tilespmem:s18+$0x30] =	vst v20  }
0x1bb: {  	v17 =	vld [tilespmem:s25+$0xD280];
	_ =	sdelay $0x4  }
0x1bc: {  	v17 =	vshll.u32 v17, $0x6  }
0x1bd: {  	s31 =	simm.s32 $0x0;
	v18 =	vld [tilespmem:s25+$0xD290];
	v17 =	vadd.s32 v16, v17  }
0x1be: {  	v19 =	vadd.s32 s31, v17;
	_ =	sdelay $0x3  }
0x1bf: {  	v20 =	vld [tilespmem:s25+$0xD2A0];
	v18 =	vshll.u32 v18, $0x6  }
0x1c0: {  	v18 =	vadd.s32 v16, v18;
	v19 =	vld.idx.msk [tilespmem:v19+s10+$0x0], $0xffff  }
0x1c1: {  	s11 =	simm.s32 $0x1;
	v21 =	vld [tilespmem:s25+$0xD2B0];
	v23 =	vadd.s32 s31, v18  }
0x1c2: {  	v24 =	vld [tilespmem:s25+$0xD2C0];
	v26 =	vadd.s32 s11, v17  }
0x1c3: {  	v25 =	vld [tilespmem:s25+$0xD2D0]  }
0x1c4: {  	s8 =	simm.s32 $0x13970;
	v27 =	vld [tilespmem:s25+$0xD2E0]  }
0x1c5: {  	v28 =	vld [tilespmem:s25+$0xD2F0];
	v20 =	vshll.u32 v20, $0x6;
	[tilespmem:s8+$0xFFFFFF90] =	vst v19  }
0x1c6: {  	v22 =	vadd.s32 v16, v20;
	v19 =	vld.idx.msk [tilespmem:v23+s10+$0x0], $0xffff  }
0x1c7: {  	v20 =	vld.idx.msk [tilespmem:v26+s10+$0x0], $0xffff;
	v26 =	vadd.s32 s31, v22  }
0x1c8: {  	s28 =	simm.s32 $0x2;
	v29 =	vadd.s32 s11, v18  }
0x1c9: {  	v30 =	vadd.s32 s28, v17;
	_ =	sdelay $0x1  }
0x1ca: {  	s0 =	simm.s32 $0x139F0;
	v21 =	vshll.u32 v21, $0x6;
	[tilespmem:s8+$0xFFFFFFA0] =	vst v19  }
0x1cb: {  	[tilespmem:s0+$0xFFFFFF90] =	vst v20;
	v23 =	vadd.s32 v16, v21;
	v19 =	vld.idx.msk [tilespmem:v26+s10+$0x0], $0xffff  }
0x1cc: {  	v20 =	vld.idx.msk [tilespmem:v29+s10+$0x0], $0xffff;
	v26 =	vadd.s32 s31, v23  }
0x1cd: {  	v29 =	vld.idx.msk [tilespmem:v30+s10+$0x0], $0xffff;
	v30 =	vadd.s32 s11, v22  }
0x1ce: {  	v31 =	vadd.s32 s28, v18  }
0x1cf: {  	s1 =	simm.s32 $0x3  }
0x1d0: {  	s5 =	simm.s32 $0x4;
	v53 =	vadd.s32 s1, v17;
	v21 =	vshll.u32 v24, $0x6;
	[tilespmem:s8+$0xFFFFFFB0] =	vst v19  }
0x1d1: {  	s25 =	simm.s32 $0x13A70;
	v55 =	vadd.s32 s5, v17;
	v21 =	vadd.s32 v16, v21;
	[tilespmem:s0+$0xFFFFFFA0] =	vst v20;
	v19 =	vld.idx.msk [tilespmem:v26+s10+$0x0], $0xffff  }
0x1d2: {  	v24 =	vadd.s32 s31, v21;
	[tilespmem:s25+$0xFFFFFF90] =	vst v29;
	v20 =	vld.idx.msk [tilespmem:v30+s10+$0x0], $0xffff  }
0x1d3: {  	v29 =	vadd.s32 s11, v23;
	v26 =	vld.idx.msk [tilespmem:v31+s10+$0x0], $0xffff  }
0x1d4: {  	v31 =	vadd.s32 s28, v22  }
0x1d5: {  	v30 =	vld.idx.msk [tilespmem:v53+s10+$0x0], $0xffff  }
0x1d6: {  	v25 =	vshll.u32 v25, $0x6;
	v54 =	vadd.s32 s1, v18;
	v56 =	vld.idx.msk [tilespmem:v55+s10+$0x0], $0xffff;
	[tilespmem:s8+$0xFFFFFFC0] =	vst v19  }
0x1d7: {  	v58 =	vadd.s32 s5, v18;
	[tilespmem:s0+$0xFFFFFFB0] =	vst v20;
	v19 =	vadd.s32 v16, v25;
	v20 =	vld.idx.msk [tilespmem:v24+s10+$0x0], $0xffff  }
0x1d8: {  	[tilespmem:s25+$0xFFFFFFA0] =	vst v26;
	v24 =	vld.idx.msk [tilespmem:v29+s10+$0x0], $0xffff;
	v25 =	vadd.s32 s31, v19  }
0x1d9: {  	s29 =	simm.s32 $0x13AF0;
	v26 =	vld.idx.msk [tilespmem:v31+s10+$0x0], $0xffff;
	v29 =	vadd.s32 s11, v21  }
0x1da: {  	s6 =	simm.s32 $0x13B70;
	[tilespmem:s29+$0xFFFFFF90] =	vst v30;
	v31 =	vadd.s32 s28, v23  }
0x1db: {  	[tilespmem:s6+$0xFFFFFF90] =	vst v56;
	v30 =	vld.idx.msk [tilespmem:v54+s10+$0x0], $0xffff  }
0x1dc: {  	v57 =	vadd.s32 s1, v22;
	v60 =	vld.idx.msk [tilespmem:v58+s10+$0x0], $0xffff;
	[tilespmem:s8+$0xFFFFFFD0] =	vst v20  }
0x1dd: {  	s9 =	simm.s32 $0x5;
	v27 =	vshll.u32 v27, $0x6;
	[tilespmem:s0+$0xFFFFFFC0] =	vst v24;
	v24 =	vld.idx.msk [tilespmem:v25+s10+$0x0], $0xffff  }
0x1de: {  	v20 =	vadd.s32 v16, v27;
	v27 =	vadd.s32 s9, v17;
	[tilespmem:s25+$0xFFFFFFB0] =	vst v26;
	v25 =	vld.idx.msk [tilespmem:v29+s10+$0x0], $0xffff  }
0x1df: {  	v62 =	vadd.s32 s5, v22;
	v29 =	vld.idx.msk [tilespmem:v31+s10+$0x0], $0xffff  }
0x1e0: {  	[tilespmem:s29+$0xFFFFFFA0] =	vst v30;
	v26 =	vadd.s32 s31, v20  }
0x1e1: {  	v30 =	vadd.s32 s11, v19;
	v31 =	vld.idx.msk [tilespmem:v57+s10+$0x0], $0xffff  }
0x1e2: {  	v59 =	vadd.s32 s28, v21;
	[tilespmem:s6+$0xFFFFFFA0] =	vst v60  }
0x1e3: {  	v61 =	vadd.s32 s1, v23;
	v27 =	vld.idx.msk [tilespmem:v27+s10+$0x0], $0xffff;
	[tilespmem:s8+$0xFFFFFFE0] =	vst v24  }
0x1e4: {  	s3 =	simm.s32 $0x6;
	v24 =	vshll.u32 v28, $0x6;
	v28 =	vadd.s32 s9, v18;
	[tilespmem:s25+$0xFFFFFFC0] =	vst v29;
	v29 =	vld.idx.msk [tilespmem:v62+s10+$0x0], $0xffff  }
0x1e5: {  	[tilespmem:s0+$0xFFFFFFD0] =	vst v25;
	v25 =	vld.idx.msk [tilespmem:v26+s10+$0x0], $0xffff;
	v24 =	vadd.s32 v16, v24;
	v26 =	vadd.s32 s3, v17  }
0x1e6: {  	[tilespmem:s29+$0xFFFFFFB0] =	vst v31;
	v36 =	vld.idx.msk [tilespmem:v30+s10+$0x0], $0xffff;
	v31 =	vadd.s32 s31, v24  }
0x1e7: {  	s30 =	simm.s32 $0x13BF0;
	v37 =	vld.idx.msk [tilespmem:v59+s10+$0x0], $0xffff  }
0x1e8: {  	v63 =	vadd.s32 s11, v20;
	v38 =	vld.idx.msk [tilespmem:v61+s10+$0x0], $0xffff;
	[tilespmem:s30+$0xFFFFFF90] =	vst v27  }
0x1e9: {  	v39 =	vadd.s32 s28, v19;
	v30 =	vld.idx.msk [tilespmem:v28+s10+$0x0], $0xffff  }
0x1ea: {  	v32 =	vld.idx.msk [tilespmem:v26+s10+$0x0], $0xffff;
	[tilespmem:s8+$0xFFFFFFF0] =	vst v25;
	v26 =	vadd.s32 s1, v21  }
0x1eb: {  	v27 =	vld.idx.msk [tilespmem:v31+s10+$0x0], $0xffff;
	v31 =	vadd.s32 s5, v23  }
0x1ec: {  	v33 =	vadd.s32 s9, v22;
	[tilespmem:s0+$0xFFFFFFE0] =	vst v36  }
0x1ed: {  	s12 =	simm.s32 $0x7;
	v34 =	vadd.s32 s3, v18;
	[tilespmem:s25+$0xFFFFFFD0] =	vst v37;
	v28 =	vld.idx.msk [tilespmem:v63+s10+$0x0], $0xffff  }
0x1ee: {  	s13 =	simm.s32 $0x13BF0;
	s18 =	simm.s32 $0x8;
	v35 =	vadd.s32 s12, v17;
	[tilespmem:s29+$0xFFFFFFC0] =	vst v38;
	v25 =	vld.idx.msk [tilespmem:v39+s10+$0x0], $0xffff  }
.LBB2_12:
0x1ef: {  	p1 =	sne.s32 s18, $0x3F;
	[tilespmem:s6+$0xFFFFFFB0] =	vst v29;
	v36 =	vld.idx.msk [tilespmem:v26+s10+$0x0], $0xffff;
	v37 =	vadd.s32 s11, v24;
	s11 =	smov.u32 s28;
	s28 =	smov.u32 s1  }
0x1f0: {  	s13 =	sadd.s32 $0x80, s13;
	s1 =	smov.u32 s5;
	s5 =	smov.u32 s9;
	[tilespmem:s30+$0xFFFFFFA0] =	vst v30;
	v38 =	vld.idx.msk [tilespmem:v31+s10+$0x0], $0xffff;
	v39 =	vadd.s32 s11, v20  }
0x1f1: {  	s9 =	smov.u32 s3;
	s3 =	smov.u32 s12;
	s12 =	smov.u32 s18;
	v40 =	vadd.s32 s28, v19;
	[tilespmem:s13+$0xFFFFFF90] =	vst v32;
	v29 =	vld.idx.msk [tilespmem:v33+s10+$0x0], $0xffff  }
.Ltmp6:
0x1f2: {  	v26 =	vadd.s32 s1, v21;
	v30 =	vld.idx.msk [tilespmem:v34+s10+$0x0], $0xffff;
	[tilespmem:s8+$0x0] =	vst v27;
	s8 =	smov.u32 s0;
	s0 =	smov.u32 s25;
	(pc) =	sbr.rel @p1 .LBB2_12-.Ltmp6, $4  }
0x1f3: {  	v31 =	vadd.s32 s5, v23;
	s25 =	smov.u32 s29;
	s29 =	smov.u32 s6;
	s6 =	smov.u32 s30;
	v32 =	vld.idx.msk [tilespmem:v35+s10+$0x0], $0xffff;
	[tilespmem:s8+$0xFFFFFFF0] =	vst v28  }
0x1f4: {  	v33 =	vadd.s32 s9, v22;
	s30 =	smov.u32 s13;
	[tilespmem:s0+$0xFFFFFFE0] =	vst v25;
	v27 =	vld.idx.msk [tilespmem:v37+s10+$0x0], $0xffff  }
0x1f5: {  	v34 =	vadd.s32 s3, v18;
	[tilespmem:s25+$0xFFFFFFD0] =	vst v36;
	v28 =	vld.idx.msk [tilespmem:v39+s10+$0x0], $0xffff  }
0x1f6: {  	s18 =	sadd.s32 $0x1, s18;
	v35 =	vadd.s32 s12, v17;
	[tilespmem:s29+$0xFFFFFFC0] =	vst v38;
	v25 =	vld.idx.msk [tilespmem:v40+s10+$0x0], $0xffff  }
0x1f7: {  	_ =	sdelay $0x3  }
0x1f8: {  	v17 =	vld.idx.msk [tilespmem:v35+s10+$0x0], $0xffff  }
0x1f9: {  	v18 =	vadd.s32 s12, v18;
	_ =	sdelay $0x1  }
0x1fa: {  	s21 =	sadd.s32 $0x80, s13  }
0x1fb: {  	[tilespmem:s21+$0xFFFFFF90] =	vst v32;
	s13 =	sadd.s32 $0x80, s21  }
0x1fc: {  	v32 =	vld.idx.msk [tilespmem:v34+s10+$0x0], $0xffff;
	[tilespmem:s13+$0xFFFFFF90] =	vst v17  }
0x1fd: {  	v17 =	vadd.s32 s3, v22;
	v18 =	vld.idx.msk [tilespmem:v18+s10+$0x0], $0xffff  }
0x1fe: {  	v40 =	vadd.s32 s12, v22;
	_ =	sdelay $0x1  }
0x1ff: {  	[tilespmem:s30+$0xFFFFFFA0] =	vst v30  }
0x200: {  	v30 =	vld.idx.msk [tilespmem:v33+s10+$0x0], $0xffff;
	[tilespmem:s21+$0xFFFFFFA0] =	vst v32  }
0x201: {  	v41 =	vadd.s32 s9, v23;
	v17 =	vld.idx.msk [tilespmem:v17+s10+$0x0], $0xffff;
	[tilespmem:s13+$0xFFFFFFA0] =	vst v18  }
0x202: {  	v18 =	vadd.s32 s3, v23;
	v22 =	vld.idx.msk [tilespmem:v40+s10+$0x0], $0xffff  }
0x203: {  	v42 =	vadd.s32 s12, v23  }
0x204: {  	[tilespmem:s6+$0xFFFFFFB0] =	vst v29  }
0x205: {  	v29 =	vld.idx.msk [tilespmem:v31+s10+$0x0], $0xffff;
	[tilespmem:s30+$0xFFFFFFB0] =	vst v30  }
0x206: {  	v43 =	vadd.s32 s5, v21;
	v44 =	vld.idx.msk [tilespmem:v41+s10+$0x0], $0xffff;
	[tilespmem:s21+$0xFFFFFFB0] =	vst v17  }
0x207: {  	v17 =	vadd.s32 s9, v21;
	v18 =	vld.idx.msk [tilespmem:v18+s10+$0x0], $0xffff;
	[tilespmem:s13+$0xFFFFFFB0] =	vst v22  }
0x208: {  	v45 =	vadd.s32 s3, v21;
	[tilespmem:s8+$0x0] =	vst v27;
	v23 =	vld.idx.msk [tilespmem:v42+s10+$0x0], $0xffff  }
0x209: {  	v46 =	vadd.s32 s12, v21;
	[tilespmem:s0+$0xFFFFFFF0] =	vst v28  }
0x20a: {  	v26 =	vld.idx.msk [tilespmem:v26+s10+$0x0], $0xffff;
	v47 =	vadd.s32 s11, v24;
	[tilespmem:s6+$0xFFFFFFC0] =	vst v29  }
0x20b: {  	v48 =	vadd.s32 s1, v19;
	v29 =	vld.idx.msk [tilespmem:v43+s10+$0x0], $0xffff;
	[tilespmem:s30+$0xFFFFFFC0] =	vst v44  }
0x20c: {  	v49 =	vadd.s32 s5, v19;
	v17 =	vld.idx.msk [tilespmem:v17+s10+$0x0], $0xffff;
	[tilespmem:s21+$0xFFFFFFC0] =	vst v18  }
0x20d: {  	v18 =	vadd.s32 s9, v19;
	v22 =	vld.idx.msk [tilespmem:v45+s10+$0x0], $0xffff;
	[tilespmem:s13+$0xFFFFFFC0] =	vst v23  }
0x20e: {  	v50 =	vadd.s32 s3, v19;
	[tilespmem:s25+$0xFFFFFFE0] =	vst v25;
	v21 =	vld.idx.msk [tilespmem:v46+s10+$0x0], $0xffff  }
0x20f: {  	v51 =	vld.idx.msk [tilespmem:v47+s10+$0x0], $0xffff;
	[tilespmem:s29+$0xFFFFFFD0] =	vst v26;
	v19 =	vadd.s32 s12, v19  }
0x210: {  	v52 =	vadd.s32 s28, v20;
	v53 =	vld.idx.msk [tilespmem:v48+s10+$0x0], $0xffff;
	[tilespmem:s6+$0xFFFFFFD0] =	vst v29  }
0x211: {  	v54 =	vadd.s32 s1, v20;
	v29 =	vld.idx.msk [tilespmem:v49+s10+$0x0], $0xffff;
	[tilespmem:s30+$0xFFFFFFD0] =	vst v17  }
0x212: {  	v17 =	vadd.s32 s5, v20;
	v18 =	vld.idx.msk [tilespmem:v18+s10+$0x0], $0xffff;
	[tilespmem:s21+$0xFFFFFFD0] =	vst v22  }
0x213: {  	v55 =	vadd.s32 s9, v20;
	v23 =	vld.idx.msk [tilespmem:v50+s10+$0x0], $0xffff;
	[tilespmem:s13+$0xFFFFFFD0] =	vst v21  }
0x214: {  	v56 =	vadd.s32 s3, v20;
	[tilespmem:s0+$0x0] =	vst v51;
	v19 =	vld.idx.msk [tilespmem:v19+s10+$0x0], $0xffff  }
0x215: {  	v58 =	vadd.s32 s12, v20;
	v57 =	vld.idx.msk [tilespmem:v52+s10+$0x0], $0xffff;
	[tilespmem:s29+$0xFFFFFFE0] =	vst v53  }
0x216: {  	v59 =	vadd.s32 s28, v24;
	v27 =	vld.idx.msk [tilespmem:v54+s10+$0x0], $0xffff;
	[tilespmem:s6+$0xFFFFFFE0] =	vst v29  }
0x217: {  	v60 =	vadd.s32 s1, v24;
	v17 =	vld.idx.msk [tilespmem:v17+s10+$0x0], $0xffff;
	[tilespmem:s30+$0xFFFFFFE0] =	vst v18  }
0x218: {  	v18 =	vadd.s32 s5, v24;
	v22 =	vld.idx.msk [tilespmem:v55+s10+$0x0], $0xffff;
	[tilespmem:s21+$0xFFFFFFE0] =	vst v23  }
0x219: {  	v61 =	vadd.s32 s9, v24;
	v21 =	vld.idx.msk [tilespmem:v56+s10+$0x0], $0xffff;
	[tilespmem:s13+$0xFFFFFFE0] =	vst v19  }
0x21a: {  	[tilespmem:s25+$0xFFFFFFF0] =	vst v57;
	v19 =	vadd.s32 s3, v24;
	v20 =	vld.idx.msk [tilespmem:v58+s10+$0x0], $0xffff  }
0x21b: {  	v62 =	vadd.s32 s12, v24;
	v25 =	vld.idx.msk [tilespmem:v59+s10+$0x0], $0xffff;
	[tilespmem:s29+$0xFFFFFFF0] =	vst v27  }
0x21c: {  	v63 =	vld.idx.msk [tilespmem:v60+s10+$0x0], $0xffff;
	[tilespmem:s6+$0xFFFFFFF0] =	vst v17  }
0x21d: {  	v17 =	vld.idx.msk [tilespmem:v18+s10+$0x0], $0xffff;
	[tilespmem:s30+$0xFFFFFFF0] =	vst v22  }
0x21e: {  	v18 =	vld.idx.msk [tilespmem:v61+s10+$0x0], $0xffff;
	[tilespmem:s21+$0xFFFFFFF0] =	vst v21  }
0x21f: {  	v19 =	vld.idx.msk [tilespmem:v19+s10+$0x0], $0xffff;
	[tilespmem:s13+$0xFFFFFFF0] =	vst v20  }
0x220: {  	[tilespmem:s25+$0x0] =	vst v25;
	v20 =	vld.idx.msk [tilespmem:v62+s10+$0x0], $0xffff  }
0x221: {  	[tilespmem:s29+$0x0] =	vst v63  }
.Ltmp7:
0x222: {  	s31 =	sshll.u32 s26, $0x14;
	[tilespmem:s6+$0x0] =	vst v17;
	(pc) =	sbr.rel @p0 .LBB2_5-.Ltmp7, $4  }
0x223: {  	s0 =	sadd.s32 s24, s31;
	[tilespmem:s30+$0x0] =	vst v18  }
0x224: {  	s26 =	simm.s32 $0x1;
	s0 =	sshrl.u32 s0, $0x3;
	[tilespmem:s21+$0x0] =	vst v19  }
0x225: {  	p2 =	por $0x0, $0x0;
	p1 =	por $0x1, $0x1;
	s0 =	sadd.s32 s2, s0;
	[tilespmem:s13+$0x0] =	vst v20  }
0x226: {  	[hbm4b:s0+s14] =	stream.strided.scatter [tilespmem:s17], [sflag:$0x4], $0x4000, s15, s14, $0x38;
	[tilespmem:$0x15900] =	vst v63  }
0x227: {  	p0 =	seq.s32 s22, $0x31  }
0x228: {  	s0 =	sadd.s32 @!p0 $0x2, s23  }
0x229: {  	s1 =	smulhi.u32 @!p0 $0x51EB851F, s0;
	_ =	sdelay $0x1  }
0x22a: {  	s1 =	sshrl.u32 @!p0 s1, $0x3  }
0x22b: {  	s5 =	sor.u32 $0x1, s23;
	s31 =	simm.s32 $0x2;
	s3 =	smul.u32 @!p0 $0x19, s1  }
0x22c: {  	s25 =	simm.s32 $0x0;
	p2 =	por $0x1, $0x1;
	s26 =	smulhi.u32 $0x51EB851F, s5  }
0x22d: {  	s6 =	simm.s32 @!p0 $0xD100;
	s1 =	sshll.u32 @!p0 s1, $0x7;
	s0 =	ssub.s32 @!p0 s0, s3  }
0x22e: {  	s29 =	sshrl.u32 s26, $0x3;
	s1 =	sadd.s32 @!p0 s1, s4;
	s0 =	sshll.u32 @!p0 s0, $0xE  }
0x22f: {  	s8 =	smul.u32 $0x19, s29;
	s3 =	simm.s32 @!p0 $0x0;
	s0 =	sadd.s32 @!p0 s0, s1  }
0x230: {  	[tilespmem:s6], [sflag:$0x1] =	stream.linear.gather @!p0 [hbm4b:s0+s3], $0x400, $0x38;
	[tilespmem:$0x15900] =	vst v63  }
0x231: {  	s30 =	ssub.s32 s5, s8;
	s1 =	sadd.s32 s7, s29;
	_ =	swait.ge [sflag:s31], $0x400  }
0x232: {  	s0 =	sshll.u32 s30, $0x17;
	s1 =	sshll.u32 s1, $0xA;
	[sflag:s31] =	ssyncset.done $0x0  }
0x233: {  	s28 =	simm.s32 $0x0;
	s24 =	sadd.s32 s1, s0;
	[sflag:s31] =	ssyncadd.s32 $0xFFFFFC00  }
.LBB2_15:
0x234: {  	_ =	swait.ge [sflag:s19], $0x4000  }
0x235: {  	s0 =	sshll.u32 s28, $0x9;
	[sflag:s19] =	ssyncset.done $0x0  }
0x236: {  	s26 =	sand.u32 $0x3FFFFE00, s0;
	[sflag:s19] =	ssyncadd.s32 $0xFFFFC000  }
0x237: {  	v17 =	vld [tilespmem:s26+$0xD500];
	_ =	sdelay $0x4  }
0x238: {  	v17 =	vshll.u32 v17, $0x6  }
0x239: {  	v18 =	vld [tilespmem:s26+$0xD510];
	v17 =	vadd.s32 v16, v17  }
0x23a: {  	v19 =	vadd.s32 s25, v17;
	_ =	sdelay $0x3  }
0x23b: {  	v20 =	vld [tilespmem:s26+$0xD520];
	v18 =	vshll.u32 v18, $0x6  }
0x23c: {  	v18 =	vadd.s32 v16, v18;
	v19 =	vld.idx.msk [tilespmem:v19+s10+$0x0], $0xffff  }
0x23d: {  	s11 =	simm.s32 $0x1;
	v21 =	vld [tilespmem:s26+$0xD530];
	v23 =	vadd.s32 s25, v18  }
0x23e: {  	v24 =	vld [tilespmem:s26+$0xD540];
	v26 =	vadd.s32 s11, v17  }
0x23f: {  	v25 =	vld [tilespmem:s26+$0xD550]  }
0x240: {  	s8 =	simm.s32 $0xD940;
	v27 =	vld [tilespmem:s26+$0xD560]  }
0x241: {  	v28 =	vld [tilespmem:s26+$0xD570];
	v20 =	vshll.u32 v20, $0x6;
	[tilespmem:s8+$0xFFFFFFC0] =	vst v19  }
0x242: {  	v22 =	vadd.s32 v16, v20;
	v19 =	vld.idx.msk [tilespmem:v23+s10+$0x0], $0xffff  }
0x243: {  	v20 =	vld.idx.msk [tilespmem:v26+s10+$0x0], $0xffff;
	v26 =	vadd.s32 s25, v22  }
0x244: {  	s30 =	simm.s32 $0x2;
	v29 =	vadd.s32 s11, v18  }
0x245: {  	v30 =	vadd.s32 s30, v17;
	_ =	sdelay $0x1  }
0x246: {  	s0 =	simm.s32 $0xD9C0;
	v21 =	vshll.u32 v21, $0x6;
	[tilespmem:s8+$0xFFFFFFD0] =	vst v19  }
0x247: {  	[tilespmem:s0+$0xFFFFFFC0] =	vst v20;
	v23 =	vadd.s32 v16, v21;
	v19 =	vld.idx.msk [tilespmem:v26+s10+$0x0], $0xffff  }
0x248: {  	v20 =	vld.idx.msk [tilespmem:v29+s10+$0x0], $0xffff;
	v26 =	vadd.s32 s25, v23  }
0x249: {  	v29 =	vld.idx.msk [tilespmem:v30+s10+$0x0], $0xffff;
	v30 =	vadd.s32 s11, v22  }
0x24a: {  	v31 =	vadd.s32 s30, v18  }
0x24b: {  	s1 =	simm.s32 $0x3  }
0x24c: {  	s5 =	simm.s32 $0x4;
	v32 =	vadd.s32 s1, v17;
	v21 =	vshll.u32 v24, $0x6;
	[tilespmem:s8+$0xFFFFFFE0] =	vst v19  }
0x24d: {  	s29 =	simm.s32 $0xDA40;
	v33 =	vadd.s32 s5, v17;
	v21 =	vadd.s32 v16, v21;
	[tilespmem:s0+$0xFFFFFFD0] =	vst v20;
	v19 =	vld.idx.msk [tilespmem:v26+s10+$0x0], $0xffff  }
0x24e: {  	v24 =	vadd.s32 s25, v21;
	[tilespmem:s29+$0xFFFFFFC0] =	vst v29;
	v20 =	vld.idx.msk [tilespmem:v30+s10+$0x0], $0xffff  }
0x24f: {  	v29 =	vadd.s32 s11, v23;
	v26 =	vld.idx.msk [tilespmem:v31+s10+$0x0], $0xffff  }
0x250: {  	v31 =	vadd.s32 s30, v22  }
0x251: {  	v30 =	vld.idx.msk [tilespmem:v32+s10+$0x0], $0xffff  }
0x252: {  	v25 =	vshll.u32 v25, $0x6;
	v57 =	vadd.s32 s1, v18;
	v58 =	vld.idx.msk [tilespmem:v33+s10+$0x0], $0xffff;
	[tilespmem:s8+$0xFFFFFFF0] =	vst v19  }
0x253: {  	v34 =	vadd.s32 s5, v18;
	[tilespmem:s0+$0xFFFFFFE0] =	vst v20;
	v19 =	vadd.s32 v16, v25;
	v20 =	vld.idx.msk [tilespmem:v24+s10+$0x0], $0xffff  }
0x254: {  	[tilespmem:s29+$0xFFFFFFD0] =	vst v26;
	v24 =	vld.idx.msk [tilespmem:v29+s10+$0x0], $0xffff;
	v25 =	vadd.s32 s25, v19  }
0x255: {  	s31 =	simm.s32 $0xDAC0;
	v26 =	vld.idx.msk [tilespmem:v31+s10+$0x0], $0xffff;
	v29 =	vadd.s32 s11, v21  }
0x256: {  	s6 =	simm.s32 $0xDB40;
	[tilespmem:s31+$0xFFFFFFC0] =	vst v30;
	v31 =	vadd.s32 s30, v23  }
0x257: {  	[tilespmem:s6+$0xFFFFFFC0] =	vst v58;
	v30 =	vld.idx.msk [tilespmem:v57+s10+$0x0], $0xffff  }
0x258: {  	v59 =	vadd.s32 s1, v22;
	v61 =	vld.idx.msk [tilespmem:v34+s10+$0x0], $0xffff;
	[tilespmem:s8+$0x0] =	vst v20  }
0x259: {  	s9 =	simm.s32 $0x5;
	v27 =	vshll.u32 v27, $0x6;
	[tilespmem:s0+$0xFFFFFFF0] =	vst v24;
	v24 =	vld.idx.msk [tilespmem:v25+s10+$0x0], $0xffff  }
0x25a: {  	v20 =	vadd.s32 v16, v27;
	v27 =	vadd.s32 s9, v17;
	[tilespmem:s29+$0xFFFFFFE0] =	vst v26;
	v25 =	vld.idx.msk [tilespmem:v29+s10+$0x0], $0xffff  }
0x25b: {  	v35 =	vadd.s32 s5, v22;
	v29 =	vld.idx.msk [tilespmem:v31+s10+$0x0], $0xffff  }
0x25c: {  	[tilespmem:s31+$0xFFFFFFD0] =	vst v30;
	v26 =	vadd.s32 s25, v20  }
0x25d: {  	v30 =	vadd.s32 s11, v19;
	v31 =	vld.idx.msk [tilespmem:v59+s10+$0x0], $0xffff  }
0x25e: {  	v60 =	vadd.s32 s30, v21;
	[tilespmem:s6+$0xFFFFFFD0] =	vst v61  }
0x25f: {  	v62 =	vadd.s32 s1, v23;
	v27 =	vld.idx.msk [tilespmem:v27+s10+$0x0], $0xffff;
	[tilespmem:s8+$0x10] =	vst v24  }
0x260: {  	s3 =	simm.s32 $0x6;
	v24 =	vshll.u32 v28, $0x6;
	v28 =	vadd.s32 s9, v18;
	[tilespmem:s29+$0xFFFFFFF0] =	vst v29;
	v29 =	vld.idx.msk [tilespmem:v35+s10+$0x0], $0xffff  }
0x261: {  	[tilespmem:s0+$0x0] =	vst v25;
	v25 =	vld.idx.msk [tilespmem:v26+s10+$0x0], $0xffff;
	v24 =	vadd.s32 v16, v24;
	v26 =	vadd.s32 s3, v17  }
0x262: {  	[tilespmem:s31+$0xFFFFFFE0] =	vst v31;
	v36 =	vld.idx.msk [tilespmem:v30+s10+$0x0], $0xffff;
	v31 =	vadd.s32 s25, v24  }
0x263: {  	s21 =	simm.s32 $0xDBC0;
	v37 =	vld.idx.msk [tilespmem:v60+s10+$0x0], $0xffff  }
0x264: {  	v63 =	vadd.s32 s11, v20;
	v38 =	vld.idx.msk [tilespmem:v62+s10+$0x0], $0xffff;
	[tilespmem:s21+$0xFFFFFFC0] =	vst v27  }
0x265: {  	v39 =	vadd.s32 s30, v19;
	v30 =	vld.idx.msk [tilespmem:v28+s10+$0x0], $0xffff  }
0x266: {  	v32 =	vld.idx.msk [tilespmem:v26+s10+$0x0], $0xffff;
	[tilespmem:s8+$0x20] =	vst v25;
	v26 =	vadd.s32 s1, v21  }
0x267: {  	v27 =	vld.idx.msk [tilespmem:v31+s10+$0x0], $0xffff;
	v31 =	vadd.s32 s5, v23  }
0x268: {  	v33 =	vadd.s32 s9, v22;
	[tilespmem:s0+$0x10] =	vst v36  }
0x269: {  	s12 =	simm.s32 $0x7;
	v34 =	vadd.s32 s3, v18;
	[tilespmem:s29+$0x0] =	vst v37;
	v28 =	vld.idx.msk [tilespmem:v63+s10+$0x0], $0xffff  }
0x26a: {  	p1 =	por p2, p2;
	s18 =	simm.s32 $0x8;
	s13 =	simm.s32 $0xDBC0;
	v35 =	vadd.s32 s12, v17;
	[tilespmem:s31+$0xFFFFFFF0] =	vst v38;
	v25 =	vld.idx.msk [tilespmem:v39+s10+$0x0], $0xffff  }
.LBB2_16:
0x26b: {  	p2 =	sne.s32 s18, $0x3F;
	[tilespmem:s6+$0xFFFFFFE0] =	vst v29;
	v36 =	vld.idx.msk [tilespmem:v26+s10+$0x0], $0xffff;
	v37 =	vadd.s32 s11, v24;
	s11 =	smov.u32 s30;
	s30 =	smov.u32 s1  }
0x26c: {  	s13 =	sadd.s32 $0x80, s13;
	s1 =	smov.u32 s5;
	s5 =	smov.u32 s9;
	[tilespmem:s21+$0xFFFFFFD0] =	vst v30;
	v38 =	vld.idx.msk [tilespmem:v31+s10+$0x0], $0xffff;
	v39 =	vadd.s32 s11, v20  }
0x26d: {  	s9 =	smov.u32 s3;
	s3 =	smov.u32 s12;
	s12 =	smov.u32 s18;
	v40 =	vadd.s32 s30, v19;
	[tilespmem:s13+$0xFFFFFFC0] =	vst v32;
	v29 =	vld.idx.msk [tilespmem:v33+s10+$0x0], $0xffff  }
.Ltmp8:
0x26e: {  	v26 =	vadd.s32 s1, v21;
	v30 =	vld.idx.msk [tilespmem:v34+s10+$0x0], $0xffff;
	[tilespmem:s8+$0x30] =	vst v27;
	s8 =	smov.u32 s0;
	s0 =	smov.u32 s29;
	(pc) =	sbr.rel @p2 .LBB2_16-.Ltmp8, $4  }
0x26f: {  	v31 =	vadd.s32 s5, v23;
	s29 =	smov.u32 s31;
	s31 =	smov.u32 s6;
	s6 =	smov.u32 s21;
	v32 =	vld.idx.msk [tilespmem:v35+s10+$0x0], $0xffff;
	[tilespmem:s8+$0x20] =	vst v28  }
0x270: {  	v33 =	vadd.s32 s9, v22;
	s21 =	smov.u32 s13;
	[tilespmem:s0+$0x10] =	vst v25;
	v27 =	vld.idx.msk [tilespmem:v37+s10+$0x0], $0xffff  }
0x271: {  	v34 =	vadd.s32 s3, v18;
	[tilespmem:s29+$0x0] =	vst v36;
	v28 =	vld.idx.msk [tilespmem:v39+s10+$0x0], $0xffff  }
0x272: {  	s18 =	sadd.s32 $0x1, s18;
	v35 =	vadd.s32 s12, v17;
	[tilespmem:s31+$0xFFFFFFF0] =	vst v38;
	v25 =	vld.idx.msk [tilespmem:v40+s10+$0x0], $0xffff  }
0x273: {  	_ =	sdelay $0x3  }
0x274: {  	v17 =	vld.idx.msk [tilespmem:v35+s10+$0x0], $0xffff  }
0x275: {  	v18 =	vadd.s32 s12, v18;
	_ =	sdelay $0x1  }
0x276: {  	s13 =	sadd.s32 $0x80, s13  }
0x277: {  	[tilespmem:s13+$0xFFFFFFC0] =	vst v32;
	s18 =	sadd.s32 $0x80, s13  }
0x278: {  	v32 =	vld.idx.msk [tilespmem:v34+s10+$0x0], $0xffff;
	[tilespmem:s18+$0xFFFFFFC0] =	vst v17  }
0x279: {  	v17 =	vadd.s32 s3, v22;
	v18 =	vld.idx.msk [tilespmem:v18+s10+$0x0], $0xffff  }
0x27a: {  	v22 =	vadd.s32 s12, v22;
	_ =	sdelay $0x1  }
0x27b: {  	[tilespmem:s21+$0xFFFFFFD0] =	vst v30  }
0x27c: {  	v30 =	vld.idx.msk [tilespmem:v33+s10+$0x0], $0xffff;
	[tilespmem:s13+$0xFFFFFFD0] =	vst v32  }
0x27d: {  	v52 =	vadd.s32 s9, v23;
	v17 =	vld.idx.msk [tilespmem:v17+s10+$0x0], $0xffff;
	[tilespmem:s18+$0xFFFFFFD0] =	vst v18  }
0x27e: {  	v18 =	vadd.s32 s3, v23;
	v22 =	vld.idx.msk [tilespmem:v22+s10+$0x0], $0xffff  }
0x27f: {  	v23 =	vadd.s32 s12, v23  }
0x280: {  	[tilespmem:s6+$0xFFFFFFE0] =	vst v29  }
0x281: {  	v29 =	vld.idx.msk [tilespmem:v31+s10+$0x0], $0xffff;
	[tilespmem:s21+$0xFFFFFFE0] =	vst v30  }
0x282: {  	v30 =	vadd.s32 s5, v21;
	v31 =	vld.idx.msk [tilespmem:v52+s10+$0x0], $0xffff;
	[tilespmem:s13+$0xFFFFFFE0] =	vst v17  }
0x283: {  	v17 =	vadd.s32 s9, v21;
	v18 =	vld.idx.msk [tilespmem:v18+s10+$0x0], $0xffff;
	[tilespmem:s18+$0xFFFFFFE0] =	vst v22  }
0x284: {  	[tilespmem:s8+$0x30] =	vst v27;
	v22 =	vadd.s32 s3, v21;
	v23 =	vld.idx.msk [tilespmem:v23+s10+$0x0], $0xffff  }
0x285: {  	[tilespmem:s0+$0x20] =	vst v28;
	v21 =	vadd.s32 s12, v21  }
0x286: {  	v26 =	vld.idx.msk [tilespmem:v26+s10+$0x0], $0xffff;
	v27 =	vadd.s32 s11, v24;
	[tilespmem:s6+$0xFFFFFFF0] =	vst v29  }
0x287: {  	v28 =	vadd.s32 s1, v19;
	v29 =	vld.idx.msk [tilespmem:v30+s10+$0x0], $0xffff;
	[tilespmem:s21+$0xFFFFFFF0] =	vst v31  }
0x288: {  	v30 =	vadd.s32 s5, v19;
	v17 =	vld.idx.msk [tilespmem:v17+s10+$0x0], $0xffff;
	[tilespmem:s13+$0xFFFFFFF0] =	vst v18  }
0x289: {  	v18 =	vadd.s32 s9, v19;
	v22 =	vld.idx.msk [tilespmem:v22+s10+$0x0], $0xffff;
	[tilespmem:s18+$0xFFFFFFF0] =	vst v23  }
0x28a: {  	[tilespmem:s29+$0x10] =	vst v25;
	v23 =	vadd.s32 s3, v19;
	v21 =	vld.idx.msk [tilespmem:v21+s10+$0x0], $0xffff  }
0x28b: {  	[tilespmem:s31+$0x0] =	vst v26;
	v25 =	vld.idx.msk [tilespmem:v27+s10+$0x0], $0xffff;
	v19 =	vadd.s32 s12, v19  }
0x28c: {  	v26 =	vadd.s32 s30, v20;
	v27 =	vld.idx.msk [tilespmem:v28+s10+$0x0], $0xffff;
	[tilespmem:s6+$0x0] =	vst v29  }
0x28d: {  	v28 =	vadd.s32 s1, v20;
	v29 =	vld.idx.msk [tilespmem:v30+s10+$0x0], $0xffff;
	[tilespmem:s21+$0x0] =	vst v17  }
0x28e: {  	v17 =	vadd.s32 s5, v20;
	v18 =	vld.idx.msk [tilespmem:v18+s10+$0x0], $0xffff;
	[tilespmem:s13+$0x0] =	vst v22  }
0x28f: {  	v22 =	vadd.s32 s9, v20;
	v23 =	vld.idx.msk [tilespmem:v23+s10+$0x0], $0xffff;
	[tilespmem:s18+$0x0] =	vst v21  }
0x290: {  	[tilespmem:s0+$0x30] =	vst v25;
	v21 =	vadd.s32 s3, v20;
	v19 =	vld.idx.msk [tilespmem:v19+s10+$0x0], $0xffff  }
0x291: {  	v25 =	vld.idx.msk [tilespmem:v26+s10+$0x0], $0xffff;
	[tilespmem:s31+$0x10] =	vst v27;
	v20 =	vadd.s32 s12, v20  }
0x292: {  	v26 =	vadd.s32 s30, v24;
	v27 =	vld.idx.msk [tilespmem:v28+s10+$0x0], $0xffff;
	[tilespmem:s6+$0x10] =	vst v29  }
0x293: {  	v28 =	vadd.s32 s1, v24;
	v17 =	vld.idx.msk [tilespmem:v17+s10+$0x0], $0xffff;
	[tilespmem:s21+$0x10] =	vst v18  }
0x294: {  	v18 =	vadd.s32 s5, v24;
	v22 =	vld.idx.msk [tilespmem:v22+s10+$0x0], $0xffff;
	[tilespmem:s13+$0x10] =	vst v23  }
0x295: {  	v23 =	vadd.s32 s9, v24;
	v21 =	vld.idx.msk [tilespmem:v21+s10+$0x0], $0xffff;
	[tilespmem:s18+$0x10] =	vst v19  }
0x296: {  	[tilespmem:s29+$0x20] =	vst v25;
	v19 =	vadd.s32 s3, v24;
	v20 =	vld.idx.msk [tilespmem:v20+s10+$0x0], $0xffff  }
0x297: {  	v25 =	vld.idx.msk [tilespmem:v26+s10+$0x0], $0xffff;
	[tilespmem:s31+$0x20] =	vst v27;
	v24 =	vadd.s32 s12, v24  }
0x298: {  	v26 =	vld.idx.msk [tilespmem:v28+s10+$0x0], $0xffff;
	[tilespmem:s6+$0x20] =	vst v17  }
0x299: {  	v17 =	vld.idx.msk [tilespmem:v18+s10+$0x0], $0xffff;
	[tilespmem:s21+$0x20] =	vst v22  }
0x29a: {  	v18 =	vld.idx.msk [tilespmem:v23+s10+$0x0], $0xffff;
	[tilespmem:s13+$0x20] =	vst v21  }
0x29b: {  	v19 =	vld.idx.msk [tilespmem:v19+s10+$0x0], $0xffff;
	[tilespmem:s18+$0x20] =	vst v20  }
0x29c: {  	[tilespmem:s29+$0x30] =	vst v25;
	v20 =	vld.idx.msk [tilespmem:v24+s10+$0x0], $0xffff  }
0x29d: {  	[tilespmem:s31+$0x30] =	vst v26  }
0x29e: {  	[tilespmem:s6+$0x30] =	vst v17  }
0x29f: {  	[tilespmem:s21+$0x30] =	vst v18  }
0x2a0: {  	[tilespmem:s13+$0x30] =	vst v19  }
0x2a1: {  	[tilespmem:s18+$0x30] =	vst v20  }
0x2a2: {  	v17 =	vld [tilespmem:s26+$0xD580];
	_ =	sdelay $0x4  }
0x2a3: {  	v17 =	vshll.u32 v17, $0x6  }
0x2a4: {  	s21 =	simm.s32 $0x0;
	v18 =	vld [tilespmem:s26+$0xD590];
	v17 =	vadd.s32 v16, v17  }
0x2a5: {  	v19 =	vadd.s32 s21, v17;
	_ =	sdelay $0x3  }
0x2a6: {  	v20 =	vld [tilespmem:s26+$0xD5A0];
	v18 =	vshll.u32 v18, $0x6  }
0x2a7: {  	v18 =	vadd.s32 v16, v18;
	v19 =	vld.idx.msk [tilespmem:v19+s10+$0x0], $0xffff  }
0x2a8: {  	s5 =	simm.s32 $0x1;
	v21 =	vld [tilespmem:s26+$0xD5B0];
	v23 =	vadd.s32 s21, v18  }
0x2a9: {  	v24 =	vld [tilespmem:s26+$0xD5C0];
	v26 =	vadd.s32 s5, v17  }
0x2aa: {  	v25 =	vld [tilespmem:s26+$0xD5D0]  }
0x2ab: {  	s8 =	simm.s32 $0xF970;
	v27 =	vld [tilespmem:s26+$0xD5E0]  }
0x2ac: {  	v28 =	vld [tilespmem:s26+$0xD5F0];
	v20 =	vshll.u32 v20, $0x6;
	[tilespmem:s8+$0xFFFFFF90] =	vst v19  }
0x2ad: {  	v22 =	vadd.s32 v16, v20;
	v19 =	vld.idx.msk [tilespmem:v23+s10+$0x0], $0xffff  }
0x2ae: {  	v20 =	vld.idx.msk [tilespmem:v26+s10+$0x0], $0xffff;
	v26 =	vadd.s32 s21, v22  }
0x2af: {  	s30 =	simm.s32 $0x2;
	v29 =	vadd.s32 s5, v18  }
0x2b0: {  	v30 =	vadd.s32 s30, v17;
	_ =	sdelay $0x1  }
0x2b1: {  	s31 =	simm.s32 $0xF9F0;
	v21 =	vshll.u32 v21, $0x6;
	[tilespmem:s8+$0xFFFFFFA0] =	vst v19  }
0x2b2: {  	[tilespmem:s31+$0xFFFFFF90] =	vst v20;
	v23 =	vadd.s32 v16, v21;
	v19 =	vld.idx.msk [tilespmem:v26+s10+$0x0], $0xffff  }
0x2b3: {  	v20 =	vld.idx.msk [tilespmem:v29+s10+$0x0], $0xffff;
	v26 =	vadd.s32 s21, v23  }
0x2b4: {  	v29 =	vld.idx.msk [tilespmem:v30+s10+$0x0], $0xffff;
	v30 =	vadd.s32 s5, v22  }
0x2b5: {  	v31 =	vadd.s32 s30, v18  }
0x2b6: {  	s1 =	simm.s32 $0x3  }
0x2b7: {  	s11 =	simm.s32 $0x4;
	v53 =	vadd.s32 s1, v17;
	v21 =	vshll.u32 v24, $0x6;
	[tilespmem:s8+$0xFFFFFFB0] =	vst v19  }
0x2b8: {  	s29 =	simm.s32 $0xFA70;
	v55 =	vadd.s32 s11, v17;
	v21 =	vadd.s32 v16, v21;
	[tilespmem:s31+$0xFFFFFFA0] =	vst v20;
	v19 =	vld.idx.msk [tilespmem:v26+s10+$0x0], $0xffff  }
0x2b9: {  	v24 =	vadd.s32 s21, v21;
	[tilespmem:s29+$0xFFFFFF90] =	vst v29;
	v20 =	vld.idx.msk [tilespmem:v30+s10+$0x0], $0xffff  }
0x2ba: {  	v29 =	vadd.s32 s5, v23;
	v26 =	vld.idx.msk [tilespmem:v31+s10+$0x0], $0xffff  }
0x2bb: {  	v31 =	vadd.s32 s30, v22  }
0x2bc: {  	v30 =	vld.idx.msk [tilespmem:v53+s10+$0x0], $0xffff  }
0x2bd: {  	v25 =	vshll.u32 v25, $0x6;
	v54 =	vadd.s32 s1, v18;
	v56 =	vld.idx.msk [tilespmem:v55+s10+$0x0], $0xffff;
	[tilespmem:s8+$0xFFFFFFC0] =	vst v19  }
0x2be: {  	v58 =	vadd.s32 s11, v18;
	[tilespmem:s31+$0xFFFFFFB0] =	vst v20;
	v19 =	vadd.s32 v16, v25;
	v20 =	vld.idx.msk [tilespmem:v24+s10+$0x0], $0xffff  }
0x2bf: {  	[tilespmem:s29+$0xFFFFFFA0] =	vst v26;
	v24 =	vld.idx.msk [tilespmem:v29+s10+$0x0], $0xffff;
	v25 =	vadd.s32 s21, v19  }
0x2c0: {  	s0 =	simm.s32 $0xFAF0;
	v26 =	vld.idx.msk [tilespmem:v31+s10+$0x0], $0xffff;
	v29 =	vadd.s32 s5, v21  }
0x2c1: {  	s6 =	simm.s32 $0xFB70;
	[tilespmem:s0+$0xFFFFFF90] =	vst v30;
	v31 =	vadd.s32 s30, v23  }
0x2c2: {  	[tilespmem:s6+$0xFFFFFF90] =	vst v56;
	v30 =	vld.idx.msk [tilespmem:v54+s10+$0x0], $0xffff  }
0x2c3: {  	v57 =	vadd.s32 s1, v22;
	v60 =	vld.idx.msk [tilespmem:v58+s10+$0x0], $0xffff;
	[tilespmem:s8+$0xFFFFFFD0] =	vst v20  }
0x2c4: {  	s9 =	simm.s32 $0x5;
	v27 =	vshll.u32 v27, $0x6;
	[tilespmem:s31+$0xFFFFFFC0] =	vst v24;
	v24 =	vld.idx.msk [tilespmem:v25+s10+$0x0], $0xffff  }
0x2c5: {  	v20 =	vadd.s32 v16, v27;
	v27 =	vadd.s32 s9, v17;
	[tilespmem:s29+$0xFFFFFFB0] =	vst v26;
	v25 =	vld.idx.msk [tilespmem:v29+s10+$0x0], $0xffff  }
0x2c6: {  	v62 =	vadd.s32 s11, v22;
	v29 =	vld.idx.msk [tilespmem:v31+s10+$0x0], $0xffff  }
0x2c7: {  	[tilespmem:s0+$0xFFFFFFA0] =	vst v30;
	v26 =	vadd.s32 s21, v20  }
0x2c8: {  	v30 =	vadd.s32 s5, v19;
	v31 =	vld.idx.msk [tilespmem:v57+s10+$0x0], $0xffff  }
0x2c9: {  	v59 =	vadd.s32 s30, v21;
	[tilespmem:s6+$0xFFFFFFA0] =	vst v60  }
0x2ca: {  	v61 =	vadd.s32 s1, v23;
	v27 =	vld.idx.msk [tilespmem:v27+s10+$0x0], $0xffff;
	[tilespmem:s8+$0xFFFFFFE0] =	vst v24  }
0x2cb: {  	s3 =	simm.s32 $0x6;
	v24 =	vshll.u32 v28, $0x6;
	v28 =	vadd.s32 s9, v18;
	[tilespmem:s29+$0xFFFFFFC0] =	vst v29;
	v29 =	vld.idx.msk [tilespmem:v62+s10+$0x0], $0xffff  }
0x2cc: {  	[tilespmem:s31+$0xFFFFFFD0] =	vst v25;
	v25 =	vld.idx.msk [tilespmem:v26+s10+$0x0], $0xffff;
	v24 =	vadd.s32 v16, v24;
	v26 =	vadd.s32 s3, v17  }
0x2cd: {  	[tilespmem:s0+$0xFFFFFFB0] =	vst v31;
	v36 =	vld.idx.msk [tilespmem:v30+s10+$0x0], $0xffff;
	v31 =	vadd.s32 s21, v24  }
0x2ce: {  	v37 =	vld.idx.msk [tilespmem:v59+s10+$0x0], $0xffff;
	s21 =	simm.s32 $0xFBF0  }
0x2cf: {  	v63 =	vadd.s32 s5, v20;
	v38 =	vld.idx.msk [tilespmem:v61+s10+$0x0], $0xffff;
	[tilespmem:s21+$0xFFFFFF90] =	vst v27  }
0x2d0: {  	v39 =	vadd.s32 s30, v19;
	v30 =	vld.idx.msk [tilespmem:v28+s10+$0x0], $0xffff  }
0x2d1: {  	v32 =	vld.idx.msk [tilespmem:v26+s10+$0x0], $0xffff;
	[tilespmem:s8+$0xFFFFFFF0] =	vst v25;
	v26 =	vadd.s32 s1, v21  }
0x2d2: {  	v27 =	vld.idx.msk [tilespmem:v31+s10+$0x0], $0xffff;
	v31 =	vadd.s32 s11, v23  }
0x2d3: {  	v33 =	vadd.s32 s9, v22;
	[tilespmem:s31+$0xFFFFFFE0] =	vst v36  }
0x2d4: {  	s12 =	simm.s32 $0x7;
	v34 =	vadd.s32 s3, v18;
	[tilespmem:s29+$0xFFFFFFD0] =	vst v37;
	v28 =	vld.idx.msk [tilespmem:v63+s10+$0x0], $0xffff  }
0x2d5: {  	s13 =	simm.s32 $0xFBF0;
	s18 =	simm.s32 $0x8;
	v35 =	vadd.s32 s12, v17;
	[tilespmem:s0+$0xFFFFFFC0] =	vst v38;
	v25 =	vld.idx.msk [tilespmem:v39+s10+$0x0], $0xffff  }
.LBB2_18:
0x2d6: {  	p2 =	sne.s32 s18, $0x3F;
	[tilespmem:s6+$0xFFFFFFB0] =	vst v29;
	v36 =	vld.idx.msk [tilespmem:v26+s10+$0x0], $0xffff;
	v37 =	vadd.s32 s5, v24;
	s5 =	smov.u32 s30;
	s30 =	smov.u32 s1  }
0x2d7: {  	s13 =	sadd.s32 $0x80, s13;
	s1 =	smov.u32 s11;
	s11 =	smov.u32 s9;
	[tilespmem:s21+$0xFFFFFFA0] =	vst v30;
	v38 =	vld.idx.msk [tilespmem:v31+s10+$0x0], $0xffff;
	v39 =	vadd.s32 s5, v20  }
0x2d8: {  	s9 =	smov.u32 s3;
	s3 =	smov.u32 s12;
	s12 =	smov.u32 s18;
	v40 =	vadd.s32 s30, v19;
	[tilespmem:s13+$0xFFFFFF90] =	vst v32;
	v29 =	vld.idx.msk [tilespmem:v33+s10+$0x0], $0xffff  }
.Ltmp9:
0x2d9: {  	v26 =	vadd.s32 s1, v21;
	v30 =	vld.idx.msk [tilespmem:v34+s10+$0x0], $0xffff;
	[tilespmem:s8+$0x0] =	vst v27;
	s8 =	smov.u32 s31;
	s31 =	smov.u32 s29;
	(pc) =	sbr.rel @p2 .LBB2_18-.Ltmp9, $4  }
0x2da: {  	v31 =	vadd.s32 s11, v23;
	s29 =	smov.u32 s0;
	s0 =	smov.u32 s6;
	s6 =	smov.u32 s21;
	v32 =	vld.idx.msk [tilespmem:v35+s10+$0x0], $0xffff;
	[tilespmem:s8+$0xFFFFFFF0] =	vst v28  }
0x2db: {  	v33 =	vadd.s32 s9, v22;
	s21 =	smov.u32 s13;
	[tilespmem:s31+$0xFFFFFFE0] =	vst v25;
	v27 =	vld.idx.msk [tilespmem:v37+s10+$0x0], $0xffff  }
0x2dc: {  	v34 =	vadd.s32 s3, v18;
	[tilespmem:s29+$0xFFFFFFD0] =	vst v36;
	v28 =	vld.idx.msk [tilespmem:v39+s10+$0x0], $0xffff  }
0x2dd: {  	s18 =	sadd.s32 $0x1, s18;
	v35 =	vadd.s32 s12, v17;
	[tilespmem:s0+$0xFFFFFFC0] =	vst v38;
	v25 =	vld.idx.msk [tilespmem:v40+s10+$0x0], $0xffff  }
0x2de: {  	_ =	sdelay $0x3  }
0x2df: {  	v17 =	vld.idx.msk [tilespmem:v35+s10+$0x0], $0xffff  }
0x2e0: {  	v18 =	vadd.s32 s12, v18;
	_ =	sdelay $0x1  }
0x2e1: {  	s18 =	sadd.s32 $0x80, s13  }
0x2e2: {  	[tilespmem:s18+$0xFFFFFF90] =	vst v32;
	s13 =	sadd.s32 $0x80, s18  }
0x2e3: {  	v32 =	vld.idx.msk [tilespmem:v34+s10+$0x0], $0xffff;
	[tilespmem:s13+$0xFFFFFF90] =	vst v17  }
0x2e4: {  	v17 =	vadd.s32 s3, v22;
	v18 =	vld.idx.msk [tilespmem:v18+s10+$0x0], $0xffff  }
0x2e5: {  	v22 =	vadd.s32 s12, v22;
	_ =	sdelay $0x1  }
0x2e6: {  	[tilespmem:s21+$0xFFFFFFA0] =	vst v30  }
0x2e7: {  	v30 =	vld.idx.msk [tilespmem:v33+s10+$0x0], $0xffff;
	[tilespmem:s18+$0xFFFFFFA0] =	vst v32  }
0x2e8: {  	v52 =	vadd.s32 s9, v23;
	v17 =	vld.idx.msk [tilespmem:v17+s10+$0x0], $0xffff;
	[tilespmem:s13+$0xFFFFFFA0] =	vst v18  }
0x2e9: {  	v18 =	vadd.s32 s3, v23;
	v22 =	vld.idx.msk [tilespmem:v22+s10+$0x0], $0xffff  }
0x2ea: {  	v23 =	vadd.s32 s12, v23  }
0x2eb: {  	[tilespmem:s6+$0xFFFFFFB0] =	vst v29  }
0x2ec: {  	v29 =	vld.idx.msk [tilespmem:v31+s10+$0x0], $0xffff;
	[tilespmem:s21+$0xFFFFFFB0] =	vst v30  }
0x2ed: {  	v30 =	vadd.s32 s11, v21;
	v31 =	vld.idx.msk [tilespmem:v52+s10+$0x0], $0xffff;
	[tilespmem:s18+$0xFFFFFFB0] =	vst v17  }
0x2ee: {  	v17 =	vadd.s32 s9, v21;
	v18 =	vld.idx.msk [tilespmem:v18+s10+$0x0], $0xffff;
	[tilespmem:s13+$0xFFFFFFB0] =	vst v22  }
0x2ef: {  	[tilespmem:s8+$0x0] =	vst v27;
	v22 =	vadd.s32 s3, v21;
	v23 =	vld.idx.msk [tilespmem:v23+s10+$0x0], $0xffff  }
0x2f0: {  	[tilespmem:s31+$0xFFFFFFF0] =	vst v28;
	v21 =	vadd.s32 s12, v21  }
0x2f1: {  	v26 =	vld.idx.msk [tilespmem:v26+s10+$0x0], $0xffff;
	v27 =	vadd.s32 s5, v24;
	[tilespmem:s6+$0xFFFFFFC0] =	vst v29  }
0x2f2: {  	v28 =	vadd.s32 s1, v19;
	v29 =	vld.idx.msk [tilespmem:v30+s10+$0x0], $0xffff;
	[tilespmem:s21+$0xFFFFFFC0] =	vst v31  }
0x2f3: {  	v30 =	vadd.s32 s11, v19;
	v17 =	vld.idx.msk [tilespmem:v17+s10+$0x0], $0xffff;
	[tilespmem:s18+$0xFFFFFFC0] =	vst v18  }
0x2f4: {  	v18 =	vadd.s32 s9, v19;
	v22 =	vld.idx.msk [tilespmem:v22+s10+$0x0], $0xffff;
	[tilespmem:s13+$0xFFFFFFC0] =	vst v23  }
0x2f5: {  	[tilespmem:s29+$0xFFFFFFE0] =	vst v25;
	v23 =	vadd.s32 s3, v19;
	v21 =	vld.idx.msk [tilespmem:v21+s10+$0x0], $0xffff  }
0x2f6: {  	[tilespmem:s0+$0xFFFFFFD0] =	vst v26;
	v25 =	vld.idx.msk [tilespmem:v27+s10+$0x0], $0xffff;
	v19 =	vadd.s32 s12, v19  }
0x2f7: {  	v26 =	vadd.s32 s30, v20;
	v27 =	vld.idx.msk [tilespmem:v28+s10+$0x0], $0xffff;
	[tilespmem:s6+$0xFFFFFFD0] =	vst v29  }
0x2f8: {  	v28 =	vadd.s32 s1, v20;
	v29 =	vld.idx.msk [tilespmem:v30+s10+$0x0], $0xffff;
	[tilespmem:s21+$0xFFFFFFD0] =	vst v17  }
0x2f9: {  	v17 =	vadd.s32 s11, v20;
	v18 =	vld.idx.msk [tilespmem:v18+s10+$0x0], $0xffff;
	[tilespmem:s18+$0xFFFFFFD0] =	vst v22  }
0x2fa: {  	v22 =	vadd.s32 s9, v20;
	v23 =	vld.idx.msk [tilespmem:v23+s10+$0x0], $0xffff;
	[tilespmem:s13+$0xFFFFFFD0] =	vst v21  }
0x2fb: {  	[tilespmem:s31+$0x0] =	vst v25;
	v21 =	vadd.s32 s3, v20;
	v19 =	vld.idx.msk [tilespmem:v19+s10+$0x0], $0xffff  }
0x2fc: {  	v25 =	vld.idx.msk [tilespmem:v26+s10+$0x0], $0xffff;
	[tilespmem:s0+$0xFFFFFFE0] =	vst v27;
	v20 =	vadd.s32 s12, v20  }
0x2fd: {  	v26 =	vadd.s32 s30, v24;
	v27 =	vld.idx.msk [tilespmem:v28+s10+$0x0], $0xffff;
	[tilespmem:s6+$0xFFFFFFE0] =	vst v29  }
0x2fe: {  	v28 =	vadd.s32 s1, v24;
	v17 =	vld.idx.msk [tilespmem:v17+s10+$0x0], $0xffff;
	[tilespmem:s21+$0xFFFFFFE0] =	vst v18  }
0x2ff: {  	v18 =	vadd.s32 s11, v24;
	v22 =	vld.idx.msk [tilespmem:v22+s10+$0x0], $0xffff;
	[tilespmem:s18+$0xFFFFFFE0] =	vst v23  }
0x300: {  	v23 =	vadd.s32 s9, v24;
	v21 =	vld.idx.msk [tilespmem:v21+s10+$0x0], $0xffff;
	[tilespmem:s13+$0xFFFFFFE0] =	vst v19  }
0x301: {  	[tilespmem:s29+$0xFFFFFFF0] =	vst v25;
	v19 =	vadd.s32 s3, v24;
	v20 =	vld.idx.msk [tilespmem:v20+s10+$0x0], $0xffff  }
0x302: {  	v25 =	vld.idx.msk [tilespmem:v26+s10+$0x0], $0xffff;
	[tilespmem:s0+$0xFFFFFFF0] =	vst v27;
	v24 =	vadd.s32 s12, v24  }
0x303: {  	v26 =	vld.idx.msk [tilespmem:v28+s10+$0x0], $0xffff;
	[tilespmem:s6+$0xFFFFFFF0] =	vst v17  }
0x304: {  	v17 =	vld.idx.msk [tilespmem:v18+s10+$0x0], $0xffff;
	[tilespmem:s21+$0xFFFFFFF0] =	vst v22  }
0x305: {  	v18 =	vld.idx.msk [tilespmem:v23+s10+$0x0], $0xffff;
	[tilespmem:s18+$0xFFFFFFF0] =	vst v21  }
0x306: {  	v19 =	vld.idx.msk [tilespmem:v19+s10+$0x0], $0xffff;
	[tilespmem:s13+$0xFFFFFFF0] =	vst v20  }
0x307: {  	[tilespmem:s29+$0x0] =	vst v25;
	v20 =	vld.idx.msk [tilespmem:v24+s10+$0x0], $0xffff  }
0x308: {  	[tilespmem:s0+$0x0] =	vst v26  }
0x309: {  	s12 =	sshll.u32 s28, $0x16;
	[tilespmem:s6+$0x0] =	vst v17  }
0x30a: {  	s0 =	sadd.s32 s24, s12;
	[tilespmem:s21+$0x0] =	vst v18  }
0x30b: {  	s0 =	sshrl.u32 s0, $0x3;
	[tilespmem:s18+$0x0] =	vst v19  }
0x30c: {  	s0 =	sadd.s32 s2, s0;
	[tilespmem:s13+$0x0] =	vst v20;
	s13 =	sshll.u32 s28, $0x2  }
0x30d: {  	[hbm4b:s0+s14] =	stream.strided.scatter [tilespmem:s16], [sflag:$0x3], $0x4000, s15, s14, $0x38;
	[tilespmem:$0x15900] =	vst v63  }
0x30e: {  	s28 =	sor.u32 $0x2, s13;
	_ =	swait.ge [sflag:s20], $0x4000  }
0x30f: {  	s0 =	sshll.u32 s28, $0x7;
	[sflag:s20] =	ssyncset.done $0x0  }
0x310: {  	s0 =	sand.u32 $0x3FFFFF00, s0;
	[sflag:s20] =	ssyncadd.s32 $0xFFFFC000  }
0x311: {  	v17 =	vld [tilespmem:s0+$0xD500];
	_ =	sdelay $0x4  }
0x312: {  	v17 =	vshll.u32 v17, $0x6  }
0x313: {  	s18 =	simm.s32 $0x0;
	v18 =	vld [tilespmem:s0+$0xD510];
	v17 =	vadd.s32 v16, v17  }
0x314: {  	v19 =	vadd.s32 s18, v17;
	_ =	sdelay $0x3  }
0x315: {  	v20 =	vld [tilespmem:s0+$0xD520];
	v18 =	vshll.u32 v18, $0x6  }
0x316: {  	v18 =	vadd.s32 v16, v18;
	v19 =	vld.idx.msk [tilespmem:v19+s10+$0x0], $0xffff  }
0x317: {  	s5 =	simm.s32 $0x1;
	v21 =	vld [tilespmem:s0+$0xD530];
	v23 =	vadd.s32 s18, v18  }
0x318: {  	v24 =	vld [tilespmem:s0+$0xD540];
	v26 =	vadd.s32 s5, v17  }
0x319: {  	v25 =	vld [tilespmem:s0+$0xD550]  }
0x31a: {  	s8 =	simm.s32 $0x11940;
	v27 =	vld [tilespmem:s0+$0xD560]  }
0x31b: {  	v28 =	vld [tilespmem:s0+$0xD570];
	v20 =	vshll.u32 v20, $0x6;
	[tilespmem:s8+$0xFFFFFFC0] =	vst v19  }
0x31c: {  	v22 =	vadd.s32 v16, v20;
	v19 =	vld.idx.msk [tilespmem:v23+s10+$0x0], $0xffff  }
0x31d: {  	v20 =	vld.idx.msk [tilespmem:v26+s10+$0x0], $0xffff;
	v26 =	vadd.s32 s18, v22  }
0x31e: {  	s30 =	simm.s32 $0x2;
	v29 =	vadd.s32 s5, v18  }
0x31f: {  	v30 =	vadd.s32 s30, v17;
	_ =	sdelay $0x1  }
0x320: {  	s31 =	simm.s32 $0x119C0;
	v21 =	vshll.u32 v21, $0x6;
	[tilespmem:s8+$0xFFFFFFD0] =	vst v19  }
0x321: {  	[tilespmem:s31+$0xFFFFFFC0] =	vst v20;
	v23 =	vadd.s32 v16, v21;
	v19 =	vld.idx.msk [tilespmem:v26+s10+$0x0], $0xffff  }
0x322: {  	v20 =	vld.idx.msk [tilespmem:v29+s10+$0x0], $0xffff;
	v26 =	vadd.s32 s18, v23  }
0x323: {  	v29 =	vld.idx.msk [tilespmem:v30+s10+$0x0], $0xffff;
	v30 =	vadd.s32 s5, v22  }
0x324: {  	v31 =	vadd.s32 s30, v18  }
0x325: {  	s1 =	simm.s32 $0x3  }
0x326: {  	s11 =	simm.s32 $0x4;
	v53 =	vadd.s32 s1, v17;
	v21 =	vshll.u32 v24, $0x6;
	[tilespmem:s8+$0xFFFFFFE0] =	vst v19  }
0x327: {  	s29 =	simm.s32 $0x11A40;
	v55 =	vadd.s32 s11, v17;
	v21 =	vadd.s32 v16, v21;
	[tilespmem:s31+$0xFFFFFFD0] =	vst v20;
	v19 =	vld.idx.msk [tilespmem:v26+s10+$0x0], $0xffff  }
0x328: {  	v24 =	vadd.s32 s18, v21;
	[tilespmem:s29+$0xFFFFFFC0] =	vst v29;
	v20 =	vld.idx.msk [tilespmem:v30+s10+$0x0], $0xffff  }
0x329: {  	v29 =	vadd.s32 s5, v23;
	v26 =	vld.idx.msk [tilespmem:v31+s10+$0x0], $0xffff  }
0x32a: {  	v31 =	vadd.s32 s30, v22  }
0x32b: {  	v30 =	vld.idx.msk [tilespmem:v53+s10+$0x0], $0xffff  }
0x32c: {  	v25 =	vshll.u32 v25, $0x6;
	v54 =	vadd.s32 s1, v18;
	v56 =	vld.idx.msk [tilespmem:v55+s10+$0x0], $0xffff;
	[tilespmem:s8+$0xFFFFFFF0] =	vst v19  }
0x32d: {  	v58 =	vadd.s32 s11, v18;
	[tilespmem:s31+$0xFFFFFFE0] =	vst v20;
	v19 =	vadd.s32 v16, v25;
	v20 =	vld.idx.msk [tilespmem:v24+s10+$0x0], $0xffff  }
0x32e: {  	[tilespmem:s29+$0xFFFFFFD0] =	vst v26;
	v24 =	vld.idx.msk [tilespmem:v29+s10+$0x0], $0xffff;
	v25 =	vadd.s32 s18, v19  }
0x32f: {  	s0 =	simm.s32 $0x11AC0;
	v26 =	vld.idx.msk [tilespmem:v31+s10+$0x0], $0xffff;
	v29 =	vadd.s32 s5, v21  }
0x330: {  	s6 =	simm.s32 $0x11B40;
	[tilespmem:s0+$0xFFFFFFC0] =	vst v30;
	v31 =	vadd.s32 s30, v23  }
0x331: {  	[tilespmem:s6+$0xFFFFFFC0] =	vst v56;
	v30 =	vld.idx.msk [tilespmem:v54+s10+$0x0], $0xffff  }
0x332: {  	v57 =	vadd.s32 s1, v22;
	v60 =	vld.idx.msk [tilespmem:v58+s10+$0x0], $0xffff;
	[tilespmem:s8+$0x0] =	vst v20  }
0x333: {  	s9 =	simm.s32 $0x5;
	v27 =	vshll.u32 v27, $0x6;
	[tilespmem:s31+$0xFFFFFFF0] =	vst v24;
	v24 =	vld.idx.msk [tilespmem:v25+s10+$0x0], $0xffff  }
0x334: {  	v20 =	vadd.s32 v16, v27;
	v27 =	vadd.s32 s9, v17;
	[tilespmem:s29+$0xFFFFFFE0] =	vst v26;
	v25 =	vld.idx.msk [tilespmem:v29+s10+$0x0], $0xffff  }
0x335: {  	v62 =	vadd.s32 s11, v22;
	v29 =	vld.idx.msk [tilespmem:v31+s10+$0x0], $0xffff  }
0x336: {  	[tilespmem:s0+$0xFFFFFFD0] =	vst v30;
	v26 =	vadd.s32 s18, v20  }
0x337: {  	v30 =	vadd.s32 s5, v19;
	v31 =	vld.idx.msk [tilespmem:v57+s10+$0x0], $0xffff  }
0x338: {  	v59 =	vadd.s32 s30, v21;
	[tilespmem:s6+$0xFFFFFFD0] =	vst v60  }
0x339: {  	v61 =	vadd.s32 s1, v23;
	v27 =	vld.idx.msk [tilespmem:v27+s10+$0x0], $0xffff;
	[tilespmem:s8+$0x10] =	vst v24  }
0x33a: {  	s21 =	simm.s32 $0x6;
	v24 =	vshll.u32 v28, $0x6;
	v28 =	vadd.s32 s9, v18;
	[tilespmem:s29+$0xFFFFFFF0] =	vst v29;
	v29 =	vld.idx.msk [tilespmem:v62+s10+$0x0], $0xffff  }
0x33b: {  	[tilespmem:s31+$0x0] =	vst v25;
	v25 =	vld.idx.msk [tilespmem:v26+s10+$0x0], $0xffff;
	v24 =	vadd.s32 v16, v24;
	v26 =	vadd.s32 s21, v17  }
0x33c: {  	[tilespmem:s0+$0xFFFFFFE0] =	vst v31;
	v36 =	vld.idx.msk [tilespmem:v30+s10+$0x0], $0xffff;
	v31 =	vadd.s32 s18, v24  }
0x33d: {  	s3 =	simm.s32 $0x11BC0;
	v37 =	vld.idx.msk [tilespmem:v59+s10+$0x0], $0xffff  }
0x33e: {  	v63 =	vadd.s32 s5, v20;
	v38 =	vld.idx.msk [tilespmem:v61+s10+$0x0], $0xffff;
	[tilespmem:s3+$0xFFFFFFC0] =	vst v27  }
0x33f: {  	v39 =	vadd.s32 s30, v19;
	v30 =	vld.idx.msk [tilespmem:v28+s10+$0x0], $0xffff  }
0x340: {  	v32 =	vld.idx.msk [tilespmem:v26+s10+$0x0], $0xffff;
	[tilespmem:s8+$0x20] =	vst v25;
	v26 =	vadd.s32 s1, v21  }
0x341: {  	v27 =	vld.idx.msk [tilespmem:v31+s10+$0x0], $0xffff;
	v31 =	vadd.s32 s11, v23  }
0x342: {  	v33 =	vadd.s32 s9, v22;
	[tilespmem:s31+$0x10] =	vst v36  }
0x343: {  	s12 =	simm.s32 $0x7;
	v34 =	vadd.s32 s21, v18;
	[tilespmem:s29+$0x0] =	vst v37;
	v28 =	vld.idx.msk [tilespmem:v63+s10+$0x0], $0xffff  }
0x344: {  	s13 =	simm.s32 $0x11BC0;
	v35 =	vadd.s32 s12, v17;
	s18 =	simm.s32 $0x8;
	[tilespmem:s0+$0xFFFFFFF0] =	vst v38;
	v25 =	vld.idx.msk [tilespmem:v39+s10+$0x0], $0xffff  }
.LBB2_20:
0x345: {  	p2 =	sne.s32 s18, $0x3F;
	[tilespmem:s6+$0xFFFFFFE0] =	vst v29;
	v36 =	vld.idx.msk [tilespmem:v26+s10+$0x0], $0xffff;
	v37 =	vadd.s32 s5, v24;
	s5 =	smov.u32 s30;
	s30 =	smov.u32 s1  }
0x346: {  	s13 =	sadd.s32 $0x80, s13;
	s1 =	smov.u32 s11;
	s11 =	smov.u32 s9;
	[tilespmem:s3+$0xFFFFFFD0] =	vst v30;
	v38 =	vld.idx.msk [tilespmem:v31+s10+$0x0], $0xffff;
	v39 =	vadd.s32 s5, v20  }
0x347: {  	s9 =	smov.u32 s21;
	s21 =	smov.u32 s12;
	s12 =	smov.u32 s18;
	v40 =	vadd.s32 s30, v19;
	[tilespmem:s13+$0xFFFFFFC0] =	vst v32;
	v29 =	vld.idx.msk [tilespmem:v33+s10+$0x0], $0xffff  }
.Ltmp10:
0x348: {  	v26 =	vadd.s32 s1, v21;
	v30 =	vld.idx.msk [tilespmem:v34+s10+$0x0], $0xffff;
	[tilespmem:s8+$0x30] =	vst v27;
	s8 =	smov.u32 s31;
	s31 =	smov.u32 s29;
	(pc) =	sbr.rel @p2 .LBB2_20-.Ltmp10, $4  }
0x349: {  	v31 =	vadd.s32 s11, v23;
	s29 =	smov.u32 s0;
	s0 =	smov.u32 s6;
	s6 =	smov.u32 s3;
	v32 =	vld.idx.msk [tilespmem:v35+s10+$0x0], $0xffff;
	[tilespmem:s8+$0x20] =	vst v28  }
0x34a: {  	v33 =	vadd.s32 s9, v22;
	s3 =	smov.u32 s13;
	[tilespmem:s31+$0x10] =	vst v25;
	v27 =	vld.idx.msk [tilespmem:v37+s10+$0x0], $0xffff  }
0x34b: {  	v34 =	vadd.s32 s21, v18;
	[tilespmem:s29+$0x0] =	vst v36;
	v28 =	vld.idx.msk [tilespmem:v39+s10+$0x0], $0xffff  }
0x34c: {  	s18 =	sadd.s32 $0x1, s18;
	v35 =	vadd.s32 s12, v17;
	[tilespmem:s0+$0xFFFFFFF0] =	vst v38;
	v25 =	vld.idx.msk [tilespmem:v40+s10+$0x0], $0xffff  }
0x34d: {  	_ =	sdelay $0x3  }
0x34e: {  	v17 =	vld.idx.msk [tilespmem:v35+s10+$0x0], $0xffff  }
0x34f: {  	v18 =	vadd.s32 s12, v18;
	_ =	sdelay $0x1  }
0x350: {  	s13 =	sadd.s32 $0x80, s13  }
0x351: {  	[tilespmem:s13+$0xFFFFFFC0] =	vst v32;
	s18 =	sadd.s32 $0x80, s13  }
0x352: {  	v32 =	vld.idx.msk [tilespmem:v34+s10+$0x0], $0xffff;
	[tilespmem:s18+$0xFFFFFFC0] =	vst v17  }
0x353: {  	v17 =	vadd.s32 s21, v22;
	v18 =	vld.idx.msk [tilespmem:v18+s10+$0x0], $0xffff  }
0x354: {  	v22 =	vadd.s32 s12, v22;
	_ =	sdelay $0x1  }
0x355: {  	[tilespmem:s3+$0xFFFFFFD0] =	vst v30  }
0x356: {  	v30 =	vld.idx.msk [tilespmem:v33+s10+$0x0], $0xffff;
	[tilespmem:s13+$0xFFFFFFD0] =	vst v32  }
0x357: {  	v52 =	vadd.s32 s9, v23;
	v17 =	vld.idx.msk [tilespmem:v17+s10+$0x0], $0xffff;
	[tilespmem:s18+$0xFFFFFFD0] =	vst v18  }
0x358: {  	v18 =	vadd.s32 s21, v23;
	v22 =	vld.idx.msk [tilespmem:v22+s10+$0x0], $0xffff  }
0x359: {  	v23 =	vadd.s32 s12, v23  }
0x35a: {  	[tilespmem:s6+$0xFFFFFFE0] =	vst v29  }
0x35b: {  	v29 =	vld.idx.msk [tilespmem:v31+s10+$0x0], $0xffff;
	[tilespmem:s3+$0xFFFFFFE0] =	vst v30  }
0x35c: {  	v30 =	vadd.s32 s11, v21;
	v31 =	vld.idx.msk [tilespmem:v52+s10+$0x0], $0xffff;
	[tilespmem:s13+$0xFFFFFFE0] =	vst v17  }
0x35d: {  	v17 =	vadd.s32 s9, v21;
	v18 =	vld.idx.msk [tilespmem:v18+s10+$0x0], $0xffff;
	[tilespmem:s18+$0xFFFFFFE0] =	vst v22  }
0x35e: {  	[tilespmem:s8+$0x30] =	vst v27;
	v22 =	vadd.s32 s21, v21;
	v23 =	vld.idx.msk [tilespmem:v23+s10+$0x0], $0xffff  }
0x35f: {  	[tilespmem:s31+$0x20] =	vst v28;
	v21 =	vadd.s32 s12, v21  }
0x360: {  	v26 =	vld.idx.msk [tilespmem:v26+s10+$0x0], $0xffff;
	v27 =	vadd.s32 s5, v24;
	[tilespmem:s6+$0xFFFFFFF0] =	vst v29  }
0x361: {  	v28 =	vadd.s32 s1, v19;
	v29 =	vld.idx.msk [tilespmem:v30+s10+$0x0], $0xffff;
	[tilespmem:s3+$0xFFFFFFF0] =	vst v31  }
0x362: {  	v30 =	vadd.s32 s11, v19;
	v17 =	vld.idx.msk [tilespmem:v17+s10+$0x0], $0xffff;
	[tilespmem:s13+$0xFFFFFFF0] =	vst v18  }
0x363: {  	v18 =	vadd.s32 s9, v19;
	v22 =	vld.idx.msk [tilespmem:v22+s10+$0x0], $0xffff;
	[tilespmem:s18+$0xFFFFFFF0] =	vst v23  }
0x364: {  	[tilespmem:s29+$0x10] =	vst v25;
	v23 =	vadd.s32 s21, v19;
	v21 =	vld.idx.msk [tilespmem:v21+s10+$0x0], $0xffff  }
0x365: {  	[tilespmem:s0+$0x0] =	vst v26;
	v25 =	vld.idx.msk [tilespmem:v27+s10+$0x0], $0xffff;
	v19 =	vadd.s32 s12, v19  }
0x366: {  	v26 =	vadd.s32 s30, v20;
	v27 =	vld.idx.msk [tilespmem:v28+s10+$0x0], $0xffff;
	[tilespmem:s6+$0x0] =	vst v29  }
0x367: {  	v28 =	vadd.s32 s1, v20;
	v29 =	vld.idx.msk [tilespmem:v30+s10+$0x0], $0xffff;
	[tilespmem:s3+$0x0] =	vst v17  }
0x368: {  	v17 =	vadd.s32 s11, v20;
	v18 =	vld.idx.msk [tilespmem:v18+s10+$0x0], $0xffff;
	[tilespmem:s13+$0x0] =	vst v22  }
0x369: {  	v22 =	vadd.s32 s9, v20;
	v23 =	vld.idx.msk [tilespmem:v23+s10+$0x0], $0xffff;
	[tilespmem:s18+$0x0] =	vst v21  }
0x36a: {  	[tilespmem:s31+$0x30] =	vst v25;
	v21 =	vadd.s32 s21, v20;
	v19 =	vld.idx.msk [tilespmem:v19+s10+$0x0], $0xffff  }
0x36b: {  	v25 =	vld.idx.msk [tilespmem:v26+s10+$0x0], $0xffff;
	[tilespmem:s0+$0x10] =	vst v27;
	v20 =	vadd.s32 s12, v20  }
0x36c: {  	v26 =	vadd.s32 s30, v24;
	v27 =	vld.idx.msk [tilespmem:v28+s10+$0x0], $0xffff;
	[tilespmem:s6+$0x10] =	vst v29  }
0x36d: {  	v28 =	vadd.s32 s1, v24;
	v17 =	vld.idx.msk [tilespmem:v17+s10+$0x0], $0xffff;
	[tilespmem:s3+$0x10] =	vst v18  }
0x36e: {  	v18 =	vadd.s32 s11, v24;
	v22 =	vld.idx.msk [tilespmem:v22+s10+$0x0], $0xffff;
	[tilespmem:s13+$0x10] =	vst v23  }
0x36f: {  	v23 =	vadd.s32 s9, v24;
	v21 =	vld.idx.msk [tilespmem:v21+s10+$0x0], $0xffff;
	[tilespmem:s18+$0x10] =	vst v19  }
0x370: {  	[tilespmem:s29+$0x20] =	vst v25;
	v19 =	vadd.s32 s21, v24;
	v20 =	vld.idx.msk [tilespmem:v20+s10+$0x0], $0xffff  }
0x371: {  	v25 =	vld.idx.msk [tilespmem:v26+s10+$0x0], $0xffff;
	[tilespmem:s0+$0x20] =	vst v27;
	v24 =	vadd.s32 s12, v24  }
0x372: {  	v26 =	vld.idx.msk [tilespmem:v28+s10+$0x0], $0xffff;
	[tilespmem:s6+$0x20] =	vst v17  }
0x373: {  	v17 =	vld.idx.msk [tilespmem:v18+s10+$0x0], $0xffff;
	[tilespmem:s3+$0x20] =	vst v22  }
0x374: {  	v18 =	vld.idx.msk [tilespmem:v23+s10+$0x0], $0xffff;
	[tilespmem:s13+$0x20] =	vst v21  }
0x375: {  	v19 =	vld.idx.msk [tilespmem:v19+s10+$0x0], $0xffff;
	[tilespmem:s18+$0x20] =	vst v20  }
0x376: {  	[tilespmem:s29+$0x30] =	vst v25;
	v20 =	vld.idx.msk [tilespmem:v24+s10+$0x0], $0xffff  }
0x377: {  	[tilespmem:s0+$0x30] =	vst v26  }
0x378: {  	[tilespmem:s6+$0x30] =	vst v17  }
0x379: {  	[tilespmem:s3+$0x30] =	vst v18  }
0x37a: {  	[tilespmem:s13+$0x30] =	vst v19  }
0x37b: {  	[tilespmem:s18+$0x30] =	vst v20  }
0x37c: {  	v17 =	vld [tilespmem:s26+$0xD680];
	_ =	sdelay $0x4  }
0x37d: {  	v17 =	vshll.u32 v17, $0x6  }
0x37e: {  	s31 =	simm.s32 $0x0;
	v18 =	vld [tilespmem:s26+$0xD690];
	v17 =	vadd.s32 v16, v17  }
0x37f: {  	v19 =	vadd.s32 s31, v17;
	_ =	sdelay $0x3  }
0x380: {  	v20 =	vld [tilespmem:s26+$0xD6A0];
	v18 =	vshll.u32 v18, $0x6  }
0x381: {  	v18 =	vadd.s32 v16, v18;
	v19 =	vld.idx.msk [tilespmem:v19+s10+$0x0], $0xffff  }
0x382: {  	s5 =	simm.s32 $0x1;
	v21 =	vld [tilespmem:s26+$0xD6B0];
	v23 =	vadd.s32 s31, v18  }
0x383: {  	v24 =	vld [tilespmem:s26+$0xD6C0];
	v26 =	vadd.s32 s5, v17  }
0x384: {  	v25 =	vld [tilespmem:s26+$0xD6D0]  }
0x385: {  	s8 =	simm.s32 $0x13970;
	v27 =	vld [tilespmem:s26+$0xD6E0]  }
0x386: {  	v28 =	vld [tilespmem:s26+$0xD6F0];
	v20 =	vshll.u32 v20, $0x6;
	[tilespmem:s8+$0xFFFFFF90] =	vst v19  }
0x387: {  	v22 =	vadd.s32 v16, v20;
	v19 =	vld.idx.msk [tilespmem:v23+s10+$0x0], $0xffff  }
0x388: {  	v20 =	vld.idx.msk [tilespmem:v26+s10+$0x0], $0xffff;
	v26 =	vadd.s32 s31, v22  }
0x389: {  	s29 =	simm.s32 $0x2;
	v29 =	vadd.s32 s5, v18  }
0x38a: {  	v30 =	vadd.s32 s29, v17;
	_ =	sdelay $0x1  }
0x38b: {  	s30 =	simm.s32 $0x139F0;
	v21 =	vshll.u32 v21, $0x6;
	[tilespmem:s8+$0xFFFFFFA0] =	vst v19  }
0x38c: {  	[tilespmem:s30+$0xFFFFFF90] =	vst v20;
	v23 =	vadd.s32 v16, v21;
	v19 =	vld.idx.msk [tilespmem:v26+s10+$0x0], $0xffff  }
0x38d: {  	v20 =	vld.idx.msk [tilespmem:v29+s10+$0x0], $0xffff;
	v26 =	vadd.s32 s31, v23  }
0x38e: {  	v29 =	vld.idx.msk [tilespmem:v30+s10+$0x0], $0xffff;
	v30 =	vadd.s32 s5, v22  }
0x38f: {  	v31 =	vadd.s32 s29, v18  }
0x390: {  	s1 =	simm.s32 $0x3  }
0x391: {  	s11 =	simm.s32 $0x4;
	v53 =	vadd.s32 s1, v17;
	v21 =	vshll.u32 v24, $0x6;
	[tilespmem:s8+$0xFFFFFFB0] =	vst v19  }
0x392: {  	s26 =	simm.s32 $0x13A70;
	v55 =	vadd.s32 s11, v17;
	v21 =	vadd.s32 v16, v21;
	[tilespmem:s30+$0xFFFFFFA0] =	vst v20;
	v19 =	vld.idx.msk [tilespmem:v26+s10+$0x0], $0xffff  }
0x393: {  	v24 =	vadd.s32 s31, v21;
	[tilespmem:s26+$0xFFFFFF90] =	vst v29;
	v20 =	vld.idx.msk [tilespmem:v30+s10+$0x0], $0xffff  }
0x394: {  	v29 =	vadd.s32 s5, v23;
	v26 =	vld.idx.msk [tilespmem:v31+s10+$0x0], $0xffff  }
0x395: {  	v31 =	vadd.s32 s29, v22  }
0x396: {  	v30 =	vld.idx.msk [tilespmem:v53+s10+$0x0], $0xffff  }
0x397: {  	v25 =	vshll.u32 v25, $0x6;
	v54 =	vadd.s32 s1, v18;
	v56 =	vld.idx.msk [tilespmem:v55+s10+$0x0], $0xffff;
	[tilespmem:s8+$0xFFFFFFC0] =	vst v19  }
0x398: {  	v58 =	vadd.s32 s11, v18;
	[tilespmem:s30+$0xFFFFFFB0] =	vst v20;
	v19 =	vadd.s32 v16, v25;
	v20 =	vld.idx.msk [tilespmem:v24+s10+$0x0], $0xffff  }
0x399: {  	[tilespmem:s26+$0xFFFFFFA0] =	vst v26;
	v24 =	vld.idx.msk [tilespmem:v29+s10+$0x0], $0xffff;
	v25 =	vadd.s32 s31, v19  }
0x39a: {  	s0 =	simm.s32 $0x13AF0;
	v26 =	vld.idx.msk [tilespmem:v31+s10+$0x0], $0xffff;
	v29 =	vadd.s32 s5, v21  }
0x39b: {  	s6 =	simm.s32 $0x13B70;
	[tilespmem:s0+$0xFFFFFF90] =	vst v30;
	v31 =	vadd.s32 s29, v23  }
0x39c: {  	[tilespmem:s6+$0xFFFFFF90] =	vst v56;
	v30 =	vld.idx.msk [tilespmem:v54+s10+$0x0], $0xffff  }
0x39d: {  	v57 =	vadd.s32 s1, v22;
	v60 =	vld.idx.msk [tilespmem:v58+s10+$0x0], $0xffff;
	[tilespmem:s8+$0xFFFFFFD0] =	vst v20  }
0x39e: {  	s9 =	simm.s32 $0x5;
	v27 =	vshll.u32 v27, $0x6;
	[tilespmem:s30+$0xFFFFFFC0] =	vst v24;
	v24 =	vld.idx.msk [tilespmem:v25+s10+$0x0], $0xffff  }
0x39f: {  	v20 =	vadd.s32 v16, v27;
	v27 =	vadd.s32 s9, v17;
	[tilespmem:s26+$0xFFFFFFB0] =	vst v26;
	v25 =	vld.idx.msk [tilespmem:v29+s10+$0x0], $0xffff  }
0x3a0: {  	v62 =	vadd.s32 s11, v22;
	v29 =	vld.idx.msk [tilespmem:v31+s10+$0x0], $0xffff  }
0x3a1: {  	[tilespmem:s0+$0xFFFFFFA0] =	vst v30;
	v26 =	vadd.s32 s31, v20  }
0x3a2: {  	v30 =	vadd.s32 s5, v19;
	v31 =	vld.idx.msk [tilespmem:v57+s10+$0x0], $0xffff  }
0x3a3: {  	v59 =	vadd.s32 s29, v21;
	[tilespmem:s6+$0xFFFFFFA0] =	vst v60  }
0x3a4: {  	v61 =	vadd.s32 s1, v23;
	v27 =	vld.idx.msk [tilespmem:v27+s10+$0x0], $0xffff;
	[tilespmem:s8+$0xFFFFFFE0] =	vst v24  }
0x3a5: {  	s3 =	simm.s32 $0x6;
	v24 =	vshll.u32 v28, $0x6;
	v28 =	vadd.s32 s9, v18;
	[tilespmem:s26+$0xFFFFFFC0] =	vst v29;
	v29 =	vld.idx.msk [tilespmem:v62+s10+$0x0], $0xffff  }
0x3a6: {  	[tilespmem:s30+$0xFFFFFFD0] =	vst v25;
	v25 =	vld.idx.msk [tilespmem:v26+s10+$0x0], $0xffff;
	v24 =	vadd.s32 v16, v24;
	v26 =	vadd.s32 s3, v17  }
0x3a7: {  	[tilespmem:s0+$0xFFFFFFB0] =	vst v31;
	v36 =	vld.idx.msk [tilespmem:v30+s10+$0x0], $0xffff;
	v31 =	vadd.s32 s31, v24  }
0x3a8: {  	s21 =	simm.s32 $0x13BF0;
	v37 =	vld.idx.msk [tilespmem:v59+s10+$0x0], $0xffff  }
0x3a9: {  	v63 =	vadd.s32 s5, v20;
	v38 =	vld.idx.msk [tilespmem:v61+s10+$0x0], $0xffff;
	[tilespmem:s21+$0xFFFFFF90] =	vst v27  }
0x3aa: {  	v39 =	vadd.s32 s29, v19;
	v30 =	vld.idx.msk [tilespmem:v28+s10+$0x0], $0xffff  }
0x3ab: {  	v32 =	vld.idx.msk [tilespmem:v26+s10+$0x0], $0xffff;
	[tilespmem:s8+$0xFFFFFFF0] =	vst v25;
	v26 =	vadd.s32 s1, v21  }
0x3ac: {  	v27 =	vld.idx.msk [tilespmem:v31+s10+$0x0], $0xffff;
	v31 =	vadd.s32 s11, v23  }
0x3ad: {  	v33 =	vadd.s32 s9, v22;
	[tilespmem:s30+$0xFFFFFFE0] =	vst v36  }
0x3ae: {  	s12 =	simm.s32 $0x7;
	v34 =	vadd.s32 s3, v18;
	[tilespmem:s26+$0xFFFFFFD0] =	vst v37;
	v28 =	vld.idx.msk [tilespmem:v63+s10+$0x0], $0xffff  }
0x3af: {  	s13 =	simm.s32 $0x13BF0;
	s18 =	simm.s32 $0x8;
	v35 =	vadd.s32 s12, v17;
	[tilespmem:s0+$0xFFFFFFC0] =	vst v38;
	v25 =	vld.idx.msk [tilespmem:v39+s10+$0x0], $0xffff  }
.LBB2_22:
0x3b0: {  	p2 =	sne.s32 s18, $0x3F;
	[tilespmem:s6+$0xFFFFFFB0] =	vst v29;
	v36 =	vld.idx.msk [tilespmem:v26+s10+$0x0], $0xffff;
	v37 =	vadd.s32 s5, v24;
	s5 =	smov.u32 s29;
	s29 =	smov.u32 s1  }
0x3b1: {  	s13 =	sadd.s32 $0x80, s13;
	s1 =	smov.u32 s11;
	s11 =	smov.u32 s9;
	[tilespmem:s21+$0xFFFFFFA0] =	vst v30;
	v38 =	vld.idx.msk [tilespmem:v31+s10+$0x0], $0xffff;
	v39 =	vadd.s32 s5, v20  }
0x3b2: {  	s9 =	smov.u32 s3;
	s3 =	smov.u32 s12;
	s12 =	smov.u32 s18;
	v40 =	vadd.s32 s29, v19;
	[tilespmem:s13+$0xFFFFFF90] =	vst v32;
	v29 =	vld.idx.msk [tilespmem:v33+s10+$0x0], $0xffff  }
.Ltmp11:
0x3b3: {  	v26 =	vadd.s32 s1, v21;
	v30 =	vld.idx.msk [tilespmem:v34+s10+$0x0], $0xffff;
	[tilespmem:s8+$0x0] =	vst v27;
	s8 =	smov.u32 s30;
	s30 =	smov.u32 s26;
	(pc) =	sbr.rel @p2 .LBB2_22-.Ltmp11, $4  }
0x3b4: {  	v31 =	vadd.s32 s11, v23;
	s26 =	smov.u32 s0;
	s0 =	smov.u32 s6;
	s6 =	smov.u32 s21;
	v32 =	vld.idx.msk [tilespmem:v35+s10+$0x0], $0xffff;
	[tilespmem:s8+$0xFFFFFFF0] =	vst v28  }
0x3b5: {  	v33 =	vadd.s32 s9, v22;
	s21 =	smov.u32 s13;
	[tilespmem:s30+$0xFFFFFFE0] =	vst v25;
	v27 =	vld.idx.msk [tilespmem:v37+s10+$0x0], $0xffff  }
0x3b6: {  	v34 =	vadd.s32 s3, v18;
	[tilespmem:s26+$0xFFFFFFD0] =	vst v36;
	v28 =	vld.idx.msk [tilespmem:v39+s10+$0x0], $0xffff  }
0x3b7: {  	s18 =	sadd.s32 $0x1, s18;
	v35 =	vadd.s32 s12, v17;
	[tilespmem:s0+$0xFFFFFFC0] =	vst v38;
	v25 =	vld.idx.msk [tilespmem:v40+s10+$0x0], $0xffff  }
0x3b8: {  	_ =	sdelay $0x3  }
0x3b9: {  	v17 =	vld.idx.msk [tilespmem:v35+s10+$0x0], $0xffff  }
0x3ba: {  	v18 =	vadd.s32 s12, v18;
	_ =	sdelay $0x1  }
0x3bb: {  	s18 =	sadd.s32 $0x80, s13  }
0x3bc: {  	[tilespmem:s18+$0xFFFFFF90] =	vst v32;
	s13 =	sadd.s32 $0x80, s18  }
0x3bd: {  	v32 =	vld.idx.msk [tilespmem:v34+s10+$0x0], $0xffff;
	[tilespmem:s13+$0xFFFFFF90] =	vst v17  }
0x3be: {  	v17 =	vadd.s32 s3, v22;
	v18 =	vld.idx.msk [tilespmem:v18+s10+$0x0], $0xffff  }
0x3bf: {  	v40 =	vadd.s32 s12, v22;
	_ =	sdelay $0x1  }
0x3c0: {  	[tilespmem:s21+$0xFFFFFFA0] =	vst v30  }
0x3c1: {  	v30 =	vld.idx.msk [tilespmem:v33+s10+$0x0], $0xffff;
	[tilespmem:s18+$0xFFFFFFA0] =	vst v32  }
0x3c2: {  	v41 =	vadd.s32 s9, v23;
	v17 =	vld.idx.msk [tilespmem:v17+s10+$0x0], $0xffff;
	[tilespmem:s13+$0xFFFFFFA0] =	vst v18  }
0x3c3: {  	v18 =	vadd.s32 s3, v23;
	v22 =	vld.idx.msk [tilespmem:v40+s10+$0x0], $0xffff  }
0x3c4: {  	v42 =	vadd.s32 s12, v23  }
0x3c5: {  	[tilespmem:s6+$0xFFFFFFB0] =	vst v29  }
0x3c6: {  	v29 =	vld.idx.msk [tilespmem:v31+s10+$0x0], $0xffff;
	[tilespmem:s21+$0xFFFFFFB0] =	vst v30  }
0x3c7: {  	v43 =	vadd.s32 s11, v21;
	v44 =	vld.idx.msk [tilespmem:v41+s10+$0x0], $0xffff;
	[tilespmem:s18+$0xFFFFFFB0] =	vst v17  }
0x3c8: {  	v17 =	vadd.s32 s9, v21;
	v18 =	vld.idx.msk [tilespmem:v18+s10+$0x0], $0xffff;
	[tilespmem:s13+$0xFFFFFFB0] =	vst v22  }
0x3c9: {  	v45 =	vadd.s32 s3, v21;
	[tilespmem:s8+$0x0] =	vst v27;
	v23 =	vld.idx.msk [tilespmem:v42+s10+$0x0], $0xffff  }
0x3ca: {  	v46 =	vadd.s32 s12, v21;
	[tilespmem:s30+$0xFFFFFFF0] =	vst v28  }
0x3cb: {  	v26 =	vld.idx.msk [tilespmem:v26+s10+$0x0], $0xffff;
	v47 =	vadd.s32 s5, v24;
	[tilespmem:s6+$0xFFFFFFC0] =	vst v29  }
0x3cc: {  	v48 =	vadd.s32 s1, v19;
	v29 =	vld.idx.msk [tilespmem:v43+s10+$0x0], $0xffff;
	[tilespmem:s21+$0xFFFFFFC0] =	vst v44  }
0x3cd: {  	v49 =	vadd.s32 s11, v19;
	v17 =	vld.idx.msk [tilespmem:v17+s10+$0x0], $0xffff;
	[tilespmem:s18+$0xFFFFFFC0] =	vst v18  }
0x3ce: {  	v18 =	vadd.s32 s9, v19;
	v22 =	vld.idx.msk [tilespmem:v45+s10+$0x0], $0xffff;
	[tilespmem:s13+$0xFFFFFFC0] =	vst v23  }
0x3cf: {  	v50 =	vadd.s32 s3, v19;
	[tilespmem:s26+$0xFFFFFFE0] =	vst v25;
	v21 =	vld.idx.msk [tilespmem:v46+s10+$0x0], $0xffff  }
0x3d0: {  	v51 =	vld.idx.msk [tilespmem:v47+s10+$0x0], $0xffff;
	[tilespmem:s0+$0xFFFFFFD0] =	vst v26;
	v19 =	vadd.s32 s12, v19  }
0x3d1: {  	v52 =	vadd.s32 s29, v20;
	v53 =	vld.idx.msk [tilespmem:v48+s10+$0x0], $0xffff;
	[tilespmem:s6+$0xFFFFFFD0] =	vst v29  }
0x3d2: {  	v54 =	vadd.s32 s1, v20;
	v29 =	vld.idx.msk [tilespmem:v49+s10+$0x0], $0xffff;
	[tilespmem:s21+$0xFFFFFFD0] =	vst v17  }
0x3d3: {  	v17 =	vadd.s32 s11, v20;
	v18 =	vld.idx.msk [tilespmem:v18+s10+$0x0], $0xffff;
	[tilespmem:s18+$0xFFFFFFD0] =	vst v22  }
0x3d4: {  	v55 =	vadd.s32 s9, v20;
	v23 =	vld.idx.msk [tilespmem:v50+s10+$0x0], $0xffff;
	[tilespmem:s13+$0xFFFFFFD0] =	vst v21  }
0x3d5: {  	v56 =	vadd.s32 s3, v20;
	[tilespmem:s30+$0x0] =	vst v51;
	v19 =	vld.idx.msk [tilespmem:v19+s10+$0x0], $0xffff  }
0x3d6: {  	v58 =	vadd.s32 s12, v20;
	v57 =	vld.idx.msk [tilespmem:v52+s10+$0x0], $0xffff;
	[tilespmem:s0+$0xFFFFFFE0] =	vst v53  }
0x3d7: {  	v59 =	vadd.s32 s29, v24;
	v27 =	vld.idx.msk [tilespmem:v54+s10+$0x0], $0xffff;
	[tilespmem:s6+$0xFFFFFFE0] =	vst v29  }
0x3d8: {  	v60 =	vadd.s32 s1, v24;
	v17 =	vld.idx.msk [tilespmem:v17+s10+$0x0], $0xffff;
	[tilespmem:s21+$0xFFFFFFE0] =	vst v18  }
0x3d9: {  	v18 =	vadd.s32 s11, v24;
	v22 =	vld.idx.msk [tilespmem:v55+s10+$0x0], $0xffff;
	[tilespmem:s18+$0xFFFFFFE0] =	vst v23  }
0x3da: {  	v61 =	vadd.s32 s9, v24;
	v21 =	vld.idx.msk [tilespmem:v56+s10+$0x0], $0xffff;
	[tilespmem:s13+$0xFFFFFFE0] =	vst v19  }
0x3db: {  	[tilespmem:s26+$0xFFFFFFF0] =	vst v57;
	v19 =	vadd.s32 s3, v24;
	v20 =	vld.idx.msk [tilespmem:v58+s10+$0x0], $0xffff  }
0x3dc: {  	v62 =	vadd.s32 s12, v24;
	v25 =	vld.idx.msk [tilespmem:v59+s10+$0x0], $0xffff;
	[tilespmem:s0+$0xFFFFFFF0] =	vst v27  }
0x3dd: {  	v63 =	vld.idx.msk [tilespmem:v60+s10+$0x0], $0xffff;
	[tilespmem:s6+$0xFFFFFFF0] =	vst v17  }
0x3de: {  	v17 =	vld.idx.msk [tilespmem:v18+s10+$0x0], $0xffff;
	[tilespmem:s21+$0xFFFFFFF0] =	vst v22  }
0x3df: {  	v18 =	vld.idx.msk [tilespmem:v61+s10+$0x0], $0xffff;
	[tilespmem:s18+$0xFFFFFFF0] =	vst v21  }
0x3e0: {  	v19 =	vld.idx.msk [tilespmem:v19+s10+$0x0], $0xffff;
	[tilespmem:s13+$0xFFFFFFF0] =	vst v20  }
0x3e1: {  	[tilespmem:s26+$0x0] =	vst v25;
	v20 =	vld.idx.msk [tilespmem:v62+s10+$0x0], $0xffff  }
0x3e2: {  	[tilespmem:s0+$0x0] =	vst v63  }
.Ltmp12:
0x3e3: {  	s31 =	sshll.u32 s28, $0x14;
	[tilespmem:s6+$0x0] =	vst v17;
	(pc) =	sbr.rel @p1 .LBB2_15-.Ltmp12, $4  }
0x3e4: {  	s0 =	sadd.s32 s24, s31;
	[tilespmem:s21+$0x0] =	vst v18  }
0x3e5: {  	s0 =	sshrl.u32 s0, $0x3;
	[tilespmem:s18+$0x0] =	vst v19  }
0x3e6: {  	s28 =	simm.s32 $0x1;
	p2 =	por $0x0, $0x0;
	s0 =	sadd.s32 s2, s0;
	[tilespmem:s13+$0x0] =	vst v20  }
0x3e7: {  	[hbm4b:s0+s14] =	stream.strided.scatter [tilespmem:s17], [sflag:$0x4], $0x4000, s15, s14, $0x38;
	[tilespmem:$0x15900] =	vst v63  }
.Ltmp13:
0x3e8: {  	(pc) =	sbr.rel @p0 .LBB2_26-.Ltmp13, $1  }
0x3e9: {  	_ =	sdelay $0x3  }
0x3ea: {  	s0 =	sadd.s32 $0x3, s23  }
0x3eb: {  	s1 =	smulhi.u32 $0x51EB851F, s0;
	_ =	sdelay $0x1  }
0x3ec: {  	s1 =	sshrl.u32 s1, $0x3  }
0x3ed: {  	s3 =	smul.u32 $0x19, s1  }
.Ltmp14:
0x3ee: {  	_ = 	snop;
	(pc) =	sbr.rel .LBB2_4-.Ltmp14, $4  }
0x3ef: {  	s1 =	sshll.u32 s1, $0x7;
	s0 =	ssub.s32 s0, s3  }
0x3f0: {  	s30 =	simm.s32 $0x0;
	s1 =	sadd.s32 s1, s4;
	s0 =	sshll.u32 s0, $0xE  }
0x3f1: {  	s31 =	simm.s32 $0xD500;
	s22 =	sadd.s32 $0x1, s22;
	s0 =	sadd.s32 s0, s1  }
0x3f2: {  	[tilespmem:s31], [sflag:$0x2] =	stream.linear.gather [hbm4b:s0+s30], $0x400, $0x38;
	[tilespmem:$0x15900] =	vst v63  }
.LBB2_27:
0x3f3: {  	_ =	sfence.sel $0x180000  }
0x3f4: {  	[bflag:$0x0] =	sbarrier.arrive $0xFFFF  }
0x3f5: {  	_ =	strace $0x90000047  }
0x3f6: {  	s0 =	stileid.u32;
	[bflag:$0x2] =	sbarrier.arrive $0xFFFF  }
0x3f7: {  	p0 =	sne.s32 s0, $0x0;
	s0 =	rddreg [dreg:$0x3]  }
0x3f8: {  	s0 =	sadd.s32 @!p0 $0x100000, s0  }
0x3f9: {  	[sflag:s0] =	ssyncadd.tile.s32 @!p0 $0x1;
	_ =	shalt  }
.Lfunc_end2:
_tile_overlayer_lowered:
.L_overlay_start_2:
0x3fa: {  	(tag) =	ssettag $0x2  }
0x3fb: {  	s0 =	rddreg [dreg:$0x0];
	s2 =	stileid.u32  }
0x3fc: {  	s1 =	rddreg [dreg:$0x1];
	p0 =	sne.s32 s2, $0x0  }
0x3fd: {  	s3 =	rddreg [dreg:$0x2];
	[bflag:$0x3] =	sbarrier.arrive $0xFFFF;
	s2 =	simm.s32 @!p0 $0x1C05  }
0x3fe: {  	[timem:s3], [sflag:s2] =	dma.local @!p0 [hbm:s0], s1  }
0x3ff: {  	s0 =	simm.s32 @!p0 $0x5  }
0x400: {  	_ =	swait.ge @!p0 [sflag:s0], s1  }
0x401: {  	s1 =	ssub.s32 @!p0 $0x0, s1;
	[sflag:s0] =	ssyncset.done @!p0 $0x0  }
0x402: {  	[sflag:s0] =	ssyncadd.s32 @!p0 s1  }
0x403: {  	[bflag:$0x3] =	sbarrier.arrive $0xFFFF  }
0x404: {  	_ =	shalt  }

</sc_bundles>
